<compile_context>
chip_gen: v7x
topology: tpu7x:2x2x1
jax: 0.10.2.dev20260603
libtpu: 0.0.44.dev20260713+nightly
codegen_flags: <defaults>
</compile_context>

<pallas_src>
import dataclasses

import jax
import jax.numpy as jnp
from jax import lax
from jax.experimental import pallas as pl
from jax.experimental.pallas import tpu as pltpu
from jax.experimental.pallas import tpu_sc as plsc

B = 16384
D = 128
K = 20
NC = 2
NS = 16
NW = NC * NS
BPW = B // NW
CH = 16
NCH = BPW // CH


def _sigmoid(x):
    return 1.0 / (1.0 + jnp.exp(-x))


def _sigmoid_neg(x):
    return 1.0 / (1.0 + jnp.exp(x))


def _sc_body(wn_hbm, wc_hbm, vi_hbm, vj_hbm, neg_hbm, out_hbm,
             idx_vi, idx_vj, idx_neg,
             vi_a, vj_a, neg_a, vi_b, vj_b, neg_b,
             acc_buf, sem_a, sem_b, sem_idx):
    cid = lax.axis_index("c")
    sid = lax.axis_index("s")
    wid = sid * NC + cid
    base = pl.multiple_of(wid * BPW, BPW)
    nbase = pl.multiple_of(wid * (BPW * K), BPW * K)

    pltpu.async_copy(vi_hbm.at[pl.ds(base, BPW)], idx_vi, sem_idx)
    pltpu.async_copy(vj_hbm.at[pl.ds(base, BPW)], idx_vj, sem_idx)
    pltpu.async_copy(neg_hbm.at[pl.ds(nbase, BPW * K)], idx_neg, sem_idx)
    pltpu.make_async_copy(vi_hbm.at[pl.ds(base, BPW)], idx_vi, sem_idx).wait()
    pltpu.make_async_copy(vj_hbm.at[pl.ds(base, BPW)], idx_vj, sem_idx).wait()
    pltpu.make_async_copy(neg_hbm.at[pl.ds(nbase, BPW * K)], idx_neg,
                          sem_idx).wait()

    bufs = ((vi_a, vj_a, neg_a, sem_a), (vi_b, vj_b, neg_b, sem_b))

    def _copies(c, slot):
        vi_r, vj_r, neg_r, sem = bufs[slot]
        off = pl.multiple_of(c * CH, CH)
        noff = pl.multiple_of(c * (CH * K), CH * K)
        return (
            (wn_hbm.at[idx_vi.at[pl.ds(off, CH)]], vi_r, sem),
            (wc_hbm.at[idx_vj.at[pl.ds(off, CH)]], vj_r, sem),
            (wc_hbm.at[idx_neg.at[pl.ds(noff, 128)]],
             neg_r.at[pl.ds(0, 128)], sem),
            (wc_hbm.at[idx_neg.at[pl.ds(noff + 128, 128)]],
             neg_r.at[pl.ds(128, 128)], sem),
            (wc_hbm.at[idx_neg.at[pl.ds(noff + 256, 64)]],
             neg_r.at[pl.ds(256, 64)], sem),
        )

    def issue(c, slot):
        for s, d, sem in _copies(c, slot):
            pltpu.async_copy(s, d, sem)

    def drain(c, slot):
        for s, d, sem in _copies(c, slot):
            pltpu.make_async_copy(s, d, sem).wait()

    lane = lax.iota(jnp.int32, 16)
    zero = jnp.zeros((16,), jnp.float32)
    acc_buf[...] = zero

    def compute(slot):
        vi_r, vj_r, neg_r, _ = bufs[slot]
        cols = [(vj_r, lane, _sigmoid)]
        cols += [(neg_r, lane * K + k, _sigmoid_neg) for k in range(K)]
        GS = 7
        total = acc_buf[...]
        for g in range(0, K + 1, GS):
            sub = cols[g:g + GS]

            def dbody(d, carry, sub=sub):
                colv = (lane + d) & (D - 1)
                vcol = plsc.load_gather(vi_r, [lane, colv])
                return tuple(
                    acc + vcol * plsc.load_gather(ref, [iv, colv])
                    for acc, (ref, iv, _) in zip(carry, sub))

            accs = lax.fori_loop(0, D, dbody, (zero,) * len(sub), unroll=4)
            for acc, (_, _, sig) in zip(accs, sub):
                total = total + sig(acc)
        acc_buf[...] = total

    issue(0, 0)

    @pl.loop(0, NCH, step=2)
    def _chunk(c):
        issue(c + 1, 1)
        drain(c, 0)
        compute(0)

        @pl.when(c + 2 < NCH)
        def _():
            issue(c + 2, 0)

        drain(c + 1, 1)
        compute(1)

    pltpu.sync_copy(acc_buf, out_hbm.at[wid])


def _sc_partials(W_nodes, W_context, v_i, v_j, neg_flat):
    mesh = plsc.VectorSubcoreMesh(core_axis_name="c", subcore_axis_name="s",
                                  num_cores=NC, num_subcores=NS)
    cp = pltpu.CompilerParams()
    if "needs_layout_passes" in pltpu.CompilerParams.__dataclass_fields__:
        cp = dataclasses.replace(cp, needs_layout_passes=False)
    return pl.kernel(
        _sc_body,
        out_type=jax.ShapeDtypeStruct((NW, 16), jnp.float32),
        mesh=mesh,
        scratch_types=[
            pltpu.VMEM((BPW,), jnp.int32),
            pltpu.VMEM((BPW,), jnp.int32),
            pltpu.VMEM((BPW * K,), jnp.int32),
            pltpu.VMEM((CH, D), jnp.float32),
            pltpu.VMEM((CH, D), jnp.float32),
            pltpu.VMEM((CH * K, D), jnp.float32),
            pltpu.VMEM((CH, D), jnp.float32),
            pltpu.VMEM((CH, D), jnp.float32),
            pltpu.VMEM((CH * K, D), jnp.float32),
            pltpu.VMEM((16,), jnp.float32),
            pltpu.SemaphoreType.DMA,
            pltpu.SemaphoreType.DMA,
            pltpu.SemaphoreType.DMA,
        ],
        compiler_params=cp,
    )(W_nodes, W_context, v_i, v_j, neg_flat)


def _finish_body(p_ref, o_ref):
    o_ref[0, 0] = -jnp.sum(p_ref[...]) * (1.0 / B)


def _tc_finish(partials):
    out = pl.pallas_call(
        _finish_body,
        out_shape=jax.ShapeDtypeStruct((1, 1), jnp.float32),
        out_specs=pl.BlockSpec(memory_space=pltpu.SMEM),
    )(partials)
    return out[0, 0]


@jax.jit
def _line_loss(v_i, v_j, neg_flat, W_nodes, W_context):
    partials = _sc_partials(W_nodes, W_context, v_i, v_j, neg_flat)
    return _tc_finish(partials)


def kernel(v_i, v_j, negsamples, W_nodes, W_context):
    return _line_loss(v_i.astype(jnp.int32), v_j.astype(jnp.int32),
                      negsamples.reshape(-1).astype(jnp.int32),
                      W_nodes, W_context)

# --- scband reference (transcript-rebuilt; emitter-appended) ---
"""Pipeline reference for scband-line-34789235097841 (READ-ONLY COPY).

The authoritative reference and input builder live on the scoring server;
editing this copy changes nothing except your own understanding.
"""

import jax, jax.numpy as jnp
import numpy as np

SIZE = 100000
EMBED_DIM = 128
BATCH = 16384
NEG = 20


def setup_inputs(seed: int = 0) -> dict:
    key = jax.random.key(seed)
    k1, k2, k3, k4, k5 = jax.random.split(key, 5)
    v_i = jax.random.randint(k1, (BATCH,), 0, SIZE, dtype=jnp.int64 if jax.config.jax_enable_x64 else jnp.int32)
    v_j = jax.random.randint(k2, (BATCH,), 0, SIZE, dtype=jnp.int64 if jax.config.jax_enable_x64 else jnp.int32)
    negsamples = jax.random.randint(k3, (BATCH, NEG), 0, SIZE, dtype=jnp.int64 if jax.config.jax_enable_x64 else jnp.int32)
    # learned params: two embedding tables (order == 2), init N(0, 0.1)
    W_nodes = 0.1 * jax.random.normal(k4, (SIZE, EMBED_DIM), dtype=jnp.float32)
    W_context = 0.1 * jax.random.normal(k5, (SIZE, EMBED_DIM), dtype=jnp.float32)
    return {"v_i": v_i, "v_j": v_j, "negsamples": negsamples, "W_nodes": W_nodes, "W_context": W_context}


def reference(v_i, v_j, negsamples, W_nodes, W_context):
    # LINE second-order forward
    vi = jnp.take(W_nodes, v_i, axis=0)                 # [B, D] gather
    vj = jnp.take(W_context, v_j, axis=0)               # [B, D] gather
    negativenodes = -jnp.take(W_context, negsamples, axis=0)  # [B, K, D] gather
    mulpositivebatch = vi * vj                           # [B, D]
    positivebatch = jax.nn.sigmoid(jnp.sum(mulpositivebatch, axis=1))  # [B]
    mulnegativebatch = vi.reshape(vi.shape[0], 1, EMBED_DIM) * negativenodes  # [B, K, D]
    negativebatch = jnp.sum(jax.nn.sigmoid(jnp.sum(mulnegativebatch, axis=2)), axis=1)  # [B]
    loss = positivebatch + negativebatch
    return -jnp.mean(loss)

if __name__ == "__main__":
    import jax
    _d = setup_inputs()
    print(jax.jit(kernel)(*tuple(_d.values())))

</pallas_src>

<mosaic_0001>
#map = affine_map<(d0, d1) -> (0, 0)>
#map1 = affine_map<(d0, d1) -> (0)>
module attributes {stable_mosaic.version = 14 : i64} {
  func.func @_sc_body(%arg0: i32, %arg1: i32, %arg2: memref<100000x128xf32, #tpu.memory_space<hbm>>, %arg3: memref<100000x128xf32, #tpu.memory_space<hbm>>, %arg4: memref<16384xi32, #tpu.memory_space<hbm>>, %arg5: memref<16384xi32, #tpu.memory_space<hbm>>, %arg6: memref<327680xi32, #tpu.memory_space<hbm>>, %arg7: memref<32x16xf32, #tpu.memory_space<hbm>>, %arg8: memref<512xi32, #tpu.memory_space<vmem>>, %arg9: memref<512xi32, #tpu.memory_space<vmem>>, %arg10: memref<10240xi32, #tpu.memory_space<vmem>>, %arg11: memref<16x128xf32, #tpu.memory_space<vmem>>, %arg12: memref<16x128xf32, #tpu.memory_space<vmem>>, %arg13: memref<320x128xf32, #tpu.memory_space<vmem>>, %arg14: memref<16x128xf32, #tpu.memory_space<vmem>>, %arg15: memref<16x128xf32, #tpu.memory_space<vmem>>, %arg16: memref<320x128xf32, #tpu.memory_space<vmem>>, %arg17: memref<16xf32, #tpu.memory_space<vmem>>, %arg18: memref<!tpu.dma_semaphore, #tpu.memory_space<semaphore_mem>>, %arg19: memref<!tpu.dma_semaphore, #tpu.memory_space<semaphore_mem>>, %arg20: memref<!tpu.dma_semaphore, #tpu.memory_space<semaphore_mem>>) attributes {dimension_semantics = [#tpu.dimension_semantics<core_parallel>, #tpu.dimension_semantics<subcore_parallel>], iteration_bounds = array<i64: 2, 16>, scalar_prefetch = 0 : i64, scratch_operands = 13 : i64, tpu.core_type = #tpu.core_type<sc_vector_subcore>, window_params = [{transform_indices = #map}, {transform_indices = #map}, {transform_indices = #map1}, {transform_indices = #map1}, {transform_indices = #map1}, {transform_indices = #map}]} {
    %mul3A = arith.constant 2 : i32
    %mul3A_0 = arith.muli %arg1, %mul3A : i32
    %add3A = arith.addi %mul3A_0, %arg0 : i32
    %mul3A_1 = arith.constant 512 : i32
    %mul3A_2 = arith.muli %add3A, %mul3A_1 : i32
    %multiple_of3A = tpu.assume_multiple %mul3A_2, 512 : i32
    %mul3A_3 = arith.constant 10240 : i32
    %mul3A_4 = arith.muli %add3A, %mul3A_3 : i32
    %multiple_of3A_5 = tpu.assume_multiple %mul3A_4, 10240 : i32
    %dma_start3A = tpu.memref_slice %arg4[%multiple_of3A] : memref<16384xi32, #tpu.memory_space<hbm>> -> memref<512xi32, #tpu.memory_space<hbm>>
    %dma_start3A_6 = tpu.memref_slice %arg4[%multiple_of3A] : memref<16384xi32, #tpu.memory_space<hbm>> -> memref<512xi32, #tpu.memory_space<hbm>>
    tpu.enqueue_dma source(%dma_start3A_6 : memref<512xi32, #tpu.memory_space<hbm>>) target(%arg8 : memref<512xi32, #tpu.memory_space<vmem>>) target_semaphore(%arg20 : memref<!tpu.dma_semaphore, #tpu.memory_space<semaphore_mem>>)
    %dma_start3A_7 = tpu.memref_slice %arg5[%multiple_of3A] : memref<16384xi32, #tpu.memory_space<hbm>> -> memref<512xi32, #tpu.memory_space<hbm>>
    %dma_start3A_8 = tpu.memref_slice %arg5[%multiple_of3A] : memref<16384xi32, #tpu.memory_space<hbm>> -> memref<512xi32, #tpu.memory_space<hbm>>
    tpu.enqueue_dma source(%dma_start3A_8 : memref<512xi32, #tpu.memory_space<hbm>>) target(%arg9 : memref<512xi32, #tpu.memory_space<vmem>>) target_semaphore(%arg20 : memref<!tpu.dma_semaphore, #tpu.memory_space<semaphore_mem>>)
    %dma_start3A_9 = tpu.memref_slice %arg6[%multiple_of3A_5] : memref<327680xi32, #tpu.memory_space<hbm>> -> memref<10240xi32, #tpu.memory_space<hbm>>
    %dma_start3A_10 = tpu.memref_slice %arg6[%multiple_of3A_5] : memref<327680xi32, #tpu.memory_space<hbm>> -> memref<10240xi32, #tpu.memory_space<hbm>>
    tpu.enqueue_dma source(%dma_start3A_10 : memref<10240xi32, #tpu.memory_space<hbm>>) target(%arg10 : memref<10240xi32, #tpu.memory_space<vmem>>) target_semaphore(%arg20 : memref<!tpu.dma_semaphore, #tpu.memory_space<semaphore_mem>>)
    %dma_wait3A = tpu.memref_slice %arg4[%multiple_of3A] : memref<16384xi32, #tpu.memory_space<hbm>> -> memref<512xi32, #tpu.memory_space<hbm>>
    %dma_wait3A_11 = tpu.memref_slice %arg4[%multiple_of3A] : memref<16384xi32, #tpu.memory_space<hbm>> -> memref<512xi32, #tpu.memory_space<hbm>>
    tpu.wait_dma2 semaphore(%arg20 : memref<!tpu.dma_semaphore, #tpu.memory_space<semaphore_mem>>) src(%dma_wait3A_11 : memref<512xi32, #tpu.memory_space<hbm>>) dst(%arg8 : memref<512xi32, #tpu.memory_space<vmem>>)
    %dma_wait3A_12 = tpu.memref_slice %arg5[%multiple_of3A] : memref<16384xi32, #tpu.memory_space<hbm>> -> memref<512xi32, #tpu.memory_space<hbm>>
    %dma_wait3A_13 = tpu.memref_slice %arg5[%multiple_of3A] : memref<16384xi32, #tpu.memory_space<hbm>> -> memref<512xi32, #tpu.memory_space<hbm>>
    tpu.wait_dma2 semaphore(%arg20 : memref<!tpu.dma_semaphore, #tpu.memory_space<semaphore_mem>>) src(%dma_wait3A_13 : memref<512xi32, #tpu.memory_space<hbm>>) dst(%arg9 : memref<512xi32, #tpu.memory_space<vmem>>)
    %dma_wait3A_14 = tpu.memref_slice %arg6[%multiple_of3A_5] : memref<327680xi32, #tpu.memory_space<hbm>> -> memref<10240xi32, #tpu.memory_space<hbm>>
    %dma_wait3A_15 = tpu.memref_slice %arg6[%multiple_of3A_5] : memref<327680xi32, #tpu.memory_space<hbm>> -> memref<10240xi32, #tpu.memory_space<hbm>>
    tpu.wait_dma2 semaphore(%arg20 : memref<!tpu.dma_semaphore, #tpu.memory_space<semaphore_mem>>) src(%dma_wait3A_15 : memref<10240xi32, #tpu.memory_space<hbm>>) dst(%arg10 : memref<10240xi32, #tpu.memory_space<vmem>>)
    %iota3A = tpu.iota {dimensions = array<i32: 0>} : vector<16xi32>
    %broadcast_in_dim3A = arith.constant 0.000000e+00 : f32
    %broadcast_in_dim3A_16 = vector.broadcast %broadcast_in_dim3A : f32 to vector<16xf32>
    %swap3A = arith.constant 0 : index
    %swap3A_17 = tpu.vector_load %arg17[%swap3A] {strides = array<i32>} : memref<16xf32, #tpu.memory_space<vmem>>, vector<16xf32>,
    tpu.vector_store %arg17[%swap3A], %broadcast_in_dim3A_16 {strides = array<i32>} : memref<16xf32, #tpu.memory_space<vmem>>, vector<16xf32>,
    %multiple_of3A_18 = arith.constant 0 : i32
    %multiple_of3A_19 = tpu.assume_multiple %multiple_of3A_18, 16 : i32
    %multiple_of3A_20 = arith.constant 0 : i32
    %multiple_of3A_21 = tpu.assume_multiple %multiple_of3A_20, 320 : i32
    %add3A_22 = arith.constant 128 : i32
    %add3A_23 = arith.addi %multiple_of3A_21, %add3A_22 : i32
    %add3A_24 = arith.constant 256 : i32
    %add3A_25 = arith.addi %multiple_of3A_21, %add3A_24 : i32
    %dma_start3A_26 = tpu.memref_slice %arg8[%multiple_of3A_19] : memref<512xi32, #tpu.memory_space<vmem>> -> memref<16xi32, #tpu.memory_space<vmem>>
    %dma_start3A_27 = arith.constant 0 : i32
    %dma_start3A_28 = arith.constant 0 : i32
    %dma_start3A_29 = tpu.memref_slice %arg2[%dma_start3A_27, %dma_start3A_28] : memref<100000x128xf32, #tpu.memory_space<hbm>> -> memref<100000x128xf32, #tpu.memory_space<hbm>>
    tpu.enqueue_indirect_dma source(%dma_start3A_29 : memref<100000x128xf32, #tpu.memory_space<hbm>>) target(%arg11 : memref<16x128xf32, #tpu.memory_space<vmem>>) offsets(%dma_start3A_26 : memref<16xi32, #tpu.memory_space<vmem>>) semaphore(%arg18 : memref<!tpu.dma_semaphore, #tpu.memory_space<semaphore_mem>>)
    %dma_start3A_30 = tpu.memref_slice %arg9[%multiple_of3A_19] : memref<512xi32, #tpu.memory_space<vmem>> -> memref<16xi32, #tpu.memory_space<vmem>>
    %dma_start3A_31 = arith.constant 0 : i32
    %dma_start3A_32 = arith.constant 0 : i32
    %dma_start3A_33 = tpu.memref_slice %arg3[%dma_start3A_31, %dma_start3A_32] : memref<100000x128xf32, #tpu.memory_space<hbm>> -> memref<100000x128xf32, #tpu.memory_space<hbm>>
    tpu.enqueue_indirect_dma source(%dma_start3A_33 : memref<100000x128xf32, #tpu.memory_space<hbm>>) target(%arg12 : memref<16x128xf32, #tpu.memory_space<vmem>>) offsets(%dma_start3A_30 : memref<16xi32, #tpu.memory_space<vmem>>) semaphore(%arg18 : memref<!tpu.dma_semaphore, #tpu.memory_space<semaphore_mem>>)
    %dma_start3A_34 = arith.constant 0 : i32
    %dma_start3A_35 = arith.constant 0 : i32
    %dma_start3A_36 = tpu.memref_slice %arg13[%dma_start3A_34, %dma_start3A_35] : memref<320x128xf32, #tpu.memory_space<vmem>> -> memref<128x128xf32, #tpu.memory_space<vmem>>
    %dma_start3A_37 = tpu.memref_slice %arg10[%multiple_of3A_21] : memref<10240xi32, #tpu.memory_space<vmem>> -> memref<128xi32, #tpu.memory_space<vmem>>
    %dma_start3A_38 = arith.constant 0 : i32
    %dma_start3A_39 = arith.constant 0 : i32
    %dma_start3A_40 = tpu.memref_slice %arg3[%dma_start3A_38, %dma_start3A_39] : memref<100000x128xf32, #tpu.memory_space<hbm>> -> memref<100000x128xf32, #tpu.memory_space<hbm>>
    tpu.enqueue_indirect_dma source(%dma_start3A_40 : memref<100000x128xf32, #tpu.memory_space<hbm>>) target(%dma_start3A_36 : memref<128x128xf32, #tpu.memory_space<vmem>>) offsets(%dma_start3A_37 : memref<128xi32, #tpu.memory_space<vmem>>) semaphore(%arg18 : memref<!tpu.dma_semaphore, #tpu.memory_space<semaphore_mem>>)
    %dma_start3A_41 = arith.constant 128 : i32
    %dma_start3A_42 = arith.constant 0 : i32
    %dma_start3A_43 = tpu.memref_slice %arg13[%dma_start3A_41, %dma_start3A_42] : memref<320x128xf32, #tpu.memory_space<vmem>> -> memref<128x128xf32, #tpu.memory_space<vmem>>
    %dma_start3A_44 = tpu.memref_slice %arg10[%add3A_23] : memref<10240xi32, #tpu.memory_space<vmem>> -> memref<128xi32, #tpu.memory_space<vmem>>
    %dma_start3A_45 = arith.constant 0 : i32
    %dma_start3A_46 = arith.constant 0 : i32
    %dma_start3A_47 = tpu.memref_slice %arg3[%dma_start3A_45, %dma_start3A_46] : memref<100000x128xf32, #tpu.memory_space<hbm>> -> memref<100000x128xf32, #tpu.memory_space<hbm>>
    tpu.enqueue_indirect_dma source(%dma_start3A_47 : memref<100000x128xf32, #tpu.memory_space<hbm>>) target(%dma_start3A_43 : memref<128x128xf32, #tpu.memory_space<vmem>>) offsets(%dma_start3A_44 : memref<128xi32, #tpu.memory_space<vmem>>) semaphore(%arg18 : memref<!tpu.dma_semaphore, #tpu.memory_space<semaphore_mem>>)
    %dma_start3A_48 = arith.constant 256 : i32
    %dma_start3A_49 = arith.constant 0 : i32
    %dma_start3A_50 = tpu.memref_slice %arg13[%dma_start3A_48, %dma_start3A_49] : memref<320x128xf32, #tpu.memory_space<vmem>> -> memref<64x128xf32, #tpu.memory_space<vmem>>
    %dma_start3A_51 = tpu.memref_slice %arg10[%add3A_25] : memref<10240xi32, #tpu.memory_space<vmem>> -> memref<64xi32, #tpu.memory_space<vmem>>
    %dma_start3A_52 = arith.constant 0 : i32
    %dma_start3A_53 = arith.constant 0 : i32
    %dma_start3A_54 = tpu.memref_slice %arg3[%dma_start3A_52, %dma_start3A_53] : memref<100000x128xf32, #tpu.memory_space<hbm>> -> memref<100000x128xf32, #tpu.memory_space<hbm>>
    tpu.enqueue_indirect_dma source(%dma_start3A_54 : memref<100000x128xf32, #tpu.memory_space<hbm>>) target(%dma_start3A_50 : memref<64x128xf32, #tpu.memory_space<vmem>>) offsets(%dma_start3A_51 : memref<64xi32, #tpu.memory_space<vmem>>) semaphore(%arg18 : memref<!tpu.dma_semaphore, #tpu.memory_space<semaphore_mem>>)
    %scan3A = arith.constant 0 : i32
    %scan3A_55 = arith.constant 16 : i32
    %scan3A_56 = arith.addi %scan3A, %scan3A_55 : i32
    %scan3A_57 = arith.constant 1 : i32
    scf.for %scan3A_59 = %scan3A to %scan3A_56 step %scan3A_57  : i32 {
      %mul3A_60 = arith.constant 2 : i32
      %mul3A_61 = arith.muli %scan3A_59, %mul3A_60 : i32
      %add3A_62 = arith.constant 0 : i32
      %add3A_63 = arith.addi %add3A_62, %mul3A_61 : i32
      %add3A_64 = arith.constant 1 : i32
      %add3A_65 = arith.addi %add3A_63, %add3A_64 : i32
      %mul3A_66 = arith.constant 16 : i32
      %mul3A_67 = arith.muli %add3A_65, %mul3A_66 : i32
      %multiple_of3A_68 = tpu.assume_multiple %mul3A_67, 16 : i32
      %mul3A_69 = arith.constant 320 : i32
      %mul3A_70 = arith.muli %add3A_65, %mul3A_69 : i32
      %multiple_of3A_71 = tpu.assume_multiple %mul3A_70, 320 : i32
      %add3A_72 = arith.constant 128 : i32
      %add3A_73 = arith.addi %multiple_of3A_71, %add3A_72 : i32
      %add3A_74 = arith.constant 256 : i32
      %add3A_75 = arith.addi %multiple_of3A_71, %add3A_74 : i32
      %dma_start3A_76 = tpu.memref_slice %arg8[%multiple_of3A_68] : memref<512xi32, #tpu.memory_space<vmem>> -> memref<16xi32, #tpu.memory_space<vmem>>
      %dma_start3A_77 = arith.constant 0 : i32
      %dma_start3A_78 = arith.constant 0 : i32
      %dma_start3A_79 = tpu.memref_slice %arg2[%dma_start3A_77, %dma_start3A_78] : memref<100000x128xf32, #tpu.memory_space<hbm>> -> memref<100000x128xf32, #tpu.memory_space<hbm>>
      tpu.enqueue_indirect_dma source(%dma_start3A_79 : memref<100000x128xf32, #tpu.memory_space<hbm>>) target(%arg14 : memref<16x128xf32, #tpu.memory_space<vmem>>) offsets(%dma_start3A_76 : memref<16xi32, #tpu.memory_space<vmem>>) semaphore(%arg19 : memref<!tpu.dma_semaphore, #tpu.memory_space<semaphore_mem>>)
      %dma_start3A_80 = tpu.memref_slice %arg9[%multiple_of3A_68] : memref<512xi32, #tpu.memory_space<vmem>> -> memref<16xi32, #tpu.memory_space<vmem>>
      %dma_start3A_81 = arith.constant 0 : i32
      %dma_start3A_82 = arith.constant 0 : i32
      %dma_start3A_83 = tpu.memref_slice %arg3[%dma_start3A_81, %dma_start3A_82] : memref<100000x128xf32, #tpu.memory_space<hbm>> -> memref<100000x128xf32, #tpu.memory_space<hbm>>
      tpu.enqueue_indirect_dma source(%dma_start3A_83 : memref<100000x128xf32, #tpu.memory_space<hbm>>) target(%arg15 : memref<16x128xf32, #tpu.memory_space<vmem>>) offsets(%dma_start3A_80 : memref<16xi32, #tpu.memory_space<vmem>>) semaphore(%arg19 : memref<!tpu.dma_semaphore, #tpu.memory_space<semaphore_mem>>)
      %dma_start3A_84 = arith.constant 0 : i32
      %dma_start3A_85 = arith.constant 0 : i32
      %dma_start3A_86 = tpu.memref_slice %arg16[%dma_start3A_84, %dma_start3A_85] : memref<320x128xf32, #tpu.memory_space<vmem>> -> memref<128x128xf32, #tpu.memory_space<vmem>>
      %dma_start3A_87 = tpu.memref_slice %arg10[%multiple_of3A_71] : memref<10240xi32, #tpu.memory_space<vmem>> -> memref<128xi32, #tpu.memory_space<vmem>>
      %dma_start3A_88 = arith.constant 0 : i32
      %dma_start3A_89 = arith.constant 0 : i32
      %dma_start3A_90 = tpu.memref_slice %arg3[%dma_start3A_88, %dma_start3A_89] : memref<100000x128xf32, #tpu.memory_space<hbm>> -> memref<100000x128xf32, #tpu.memory_space<hbm>>
      tpu.enqueue_indirect_dma source(%dma_start3A_90 : memref<100000x128xf32, #tpu.memory_space<hbm>>) target(%dma_start3A_86 : memref<128x128xf32, #tpu.memory_space<vmem>>) offsets(%dma_start3A_87 : memref<128xi32, #tpu.memory_space<vmem>>) semaphore(%arg19 : memref<!tpu.dma_semaphore, #tpu.memory_space<semaphore_mem>>)
      %dma_start3A_91 = arith.constant 128 : i32
      %dma_start3A_92 = arith.constant 0 : i32
      %dma_start3A_93 = tpu.memref_slice %arg16[%dma_start3A_91, %dma_start3A_92] : memref<320x128xf32, #tpu.memory_space<vmem>> -> memref<128x128xf32, #tpu.memory_space<vmem>>
      %dma_start3A_94 = tpu.memref_slice %arg10[%add3A_73] : memref<10240xi32, #tpu.memory_space<vmem>> -> memref<128xi32, #tpu.memory_space<vmem>>
      %dma_start3A_95 = arith.constant 0 : i32
      %dma_start3A_96 = arith.constant 0 : i32
      %dma_start3A_97 = tpu.memref_slice %arg3[%dma_start3A_95, %dma_start3A_96] : memref<100000x128xf32, #tpu.memory_space<hbm>> -> memref<100000x128xf32, #tpu.memory_space<hbm>>
      tpu.enqueue_indirect_dma source(%dma_start3A_97 : memref<100000x128xf32, #tpu.memory_space<hbm>>) target(%dma_start3A_93 : memref<128x128xf32, #tpu.memory_space<vmem>>) offsets(%dma_start3A_94 : memref<128xi32, #tpu.memory_space<vmem>>) semaphore(%arg19 : memref<!tpu.dma_semaphore, #tpu.memory_space<semaphore_mem>>)
      %dma_start3A_98 = arith.constant 256 : i32
      %dma_start3A_99 = arith.constant 0 : i32
      %dma_start3A_100 = tpu.memref_slice %arg16[%dma_start3A_98, %dma_start3A_99] : memref<320x128xf32, #tpu.memory_space<vmem>> -> memref<64x128xf32, #tpu.memory_space<vmem>>
      %dma_start3A_101 = tpu.memref_slice %arg10[%add3A_75] : memref<10240xi32, #tpu.memory_space<vmem>> -> memref<64xi32, #tpu.memory_space<vmem>>
      %dma_start3A_102 = arith.constant 0 : i32
      %dma_start3A_103 = arith.constant 0 : i32
      %dma_start3A_104 = tpu.memref_slice %arg3[%dma_start3A_102, %dma_start3A_103] : memref<100000x128xf32, #tpu.memory_space<hbm>> -> memref<100000x128xf32, #tpu.memory_space<hbm>>
      tpu.enqueue_indirect_dma source(%dma_start3A_104 : memref<100000x128xf32, #tpu.memory_space<hbm>>) target(%dma_start3A_100 : memref<64x128xf32, #tpu.memory_space<vmem>>) offsets(%dma_start3A_101 : memref<64xi32, #tpu.memory_space<vmem>>) semaphore(%arg19 : memref<!tpu.dma_semaphore, #tpu.memory_space<semaphore_mem>>)
      %mul3A_105 = arith.constant 16 : i32
      %mul3A_106 = arith.muli %add3A_63, %mul3A_105 : i32
      %multiple_of3A_107 = tpu.assume_multiple %mul3A_106, 16 : i32
      %mul3A_108 = arith.constant 320 : i32
      %mul3A_109 = arith.muli %add3A_63, %mul3A_108 : i32
      %multiple_of3A_110 = tpu.assume_multiple %mul3A_109, 320 : i32
      %add3A_111 = arith.constant 128 : i32
      %add3A_112 = arith.addi %multiple_of3A_110, %add3A_111 : i32
      %add3A_113 = arith.constant 256 : i32
      %add3A_114 = arith.addi %multiple_of3A_110, %add3A_113 : i32
      %dma_wait3A_115 = tpu.memref_slice %arg8[%multiple_of3A_107] : memref<512xi32, #tpu.memory_space<vmem>> -> memref<16xi32, #tpu.memory_space<vmem>>
      %dma_wait3A_116 = arith.constant 0 : i32
      %dma_wait3A_117 = arith.constant 0 : i32
      %dma_wait3A_118 = tpu.memref_slice %arg2[%dma_wait3A_116, %dma_wait3A_117] : memref<100000x128xf32, #tpu.memory_space<hbm>> -> memref<100000x128xf32, #tpu.memory_space<hbm>>
      tpu.wait_indirect_dma semaphore(%arg18 : memref<!tpu.dma_semaphore, #tpu.memory_space<semaphore_mem>>) src(%dma_wait3A_118 : memref<100000x128xf32, #tpu.memory_space<hbm>>) dst(%arg11 : memref<16x128xf32, #tpu.memory_space<vmem>>)
      %dma_wait3A_119 = tpu.memref_slice %arg9[%multiple_of3A_107] : memref<512xi32, #tpu.memory_space<vmem>> -> memref<16xi32, #tpu.memory_space<vmem>>
      %dma_wait3A_120 = arith.constant 0 : i32
      %dma_wait3A_121 = arith.constant 0 : i32
      %dma_wait3A_122 = tpu.memref_slice %arg3[%dma_wait3A_120, %dma_wait3A_121] : memref<100000x128xf32, #tpu.memory_space<hbm>> -> memref<100000x128xf32, #tpu.memory_space<hbm>>
      tpu.wait_indirect_dma semaphore(%arg18 : memref<!tpu.dma_semaphore, #tpu.memory_space<semaphore_mem>>) src(%dma_wait3A_122 : memref<100000x128xf32, #tpu.memory_space<hbm>>) dst(%arg12 : memref<16x128xf32, #tpu.memory_space<vmem>>)
      %dma_wait3A_123 = arith.constant 0 : i32
      %dma_wait3A_124 = arith.constant 0 : i32
      %dma_wait3A_125 = tpu.memref_slice %arg13[%dma_wait3A_123, %dma_wait3A_124] : memref<320x128xf32, #tpu.memory_space<vmem>> -> memref<128x128xf32, #tpu.memory_space<vmem>>
      %dma_wait3A_126 = tpu.memref_slice %arg10[%multiple_of3A_110] : memref<10240xi32, #tpu.memory_space<vmem>> -> memref<128xi32, #tpu.memory_space<vmem>>
      %dma_wait3A_127 = arith.constant 0 : i32
      %dma_wait3A_128 = arith.constant 0 : i32
      %dma_wait3A_129 = tpu.memref_slice %arg3[%dma_wait3A_127, %dma_wait3A_128] : memref<100000x128xf32, #tpu.memory_space<hbm>> -> memref<100000x128xf32, #tpu.memory_space<hbm>>
      tpu.wait_indirect_dma semaphore(%arg18 : memref<!tpu.dma_semaphore, #tpu.memory_space<semaphore_mem>>) src(%dma_wait3A_129 : memref<100000x128xf32, #tpu.memory_space<hbm>>) dst(%dma_wait3A_125 : memref<128x128xf32, #tpu.memory_space<vmem>>)
      %dma_wait3A_130 = arith.constant 128 : i32
      %dma_wait3A_131 = arith.constant 0 : i32
      %dma_wait3A_132 = tpu.memref_slice %arg13[%dma_wait3A_130, %dma_wait3A_131] : memref<320x128xf32, #tpu.memory_space<vmem>> -> memref<128x128xf32, #tpu.memory_space<vmem>>
      %dma_wait3A_133 = tpu.memref_slice %arg10[%add3A_112] : memref<10240xi32, #tpu.memory_space<vmem>> -> memref<128xi32, #tpu.memory_space<vmem>>
      %dma_wait3A_134 = arith.constant 0 : i32
      %dma_wait3A_135 = arith.constant 0 : i32
      %dma_wait3A_136 = tpu.memref_slice %arg3[%dma_wait3A_134, %dma_wait3A_135] : memref<100000x128xf32, #tpu.memory_space<hbm>> -> memref<100000x128xf32, #tpu.memory_space<hbm>>
      tpu.wait_indirect_dma semaphore(%arg18 : memref<!tpu.dma_semaphore, #tpu.memory_space<semaphore_mem>>) src(%dma_wait3A_136 : memref<100000x128xf32, #tpu.memory_space<hbm>>) dst(%dma_wait3A_132 : memref<128x128xf32, #tpu.memory_space<vmem>>)
      %dma_wait3A_137 = arith.constant 256 : i32
      %dma_wait3A_138 = arith.constant 0 : i32
      %dma_wait3A_139 = tpu.memref_slice %arg13[%dma_wait3A_137, %dma_wait3A_138] : memref<320x128xf32, #tpu.memory_space<vmem>> -> memref<64x128xf32, #tpu.memory_space<vmem>>
      %dma_wait3A_140 = tpu.memref_slice %arg10[%add3A_114] : memref<10240xi32, #tpu.memory_space<vmem>> -> memref<64xi32, #tpu.memory_space<vmem>>
      %dma_wait3A_141 = arith.constant 0 : i32
      %dma_wait3A_142 = arith.constant 0 : i32
      %dma_wait3A_143 = tpu.memref_slice %arg3[%dma_wait3A_141, %dma_wait3A_142] : memref<100000x128xf32, #tpu.memory_space<hbm>> -> memref<100000x128xf32, #tpu.memory_space<hbm>>
      tpu.wait_indirect_dma semaphore(%arg18 : memref<!tpu.dma_semaphore, #tpu.memory_space<semaphore_mem>>) src(%dma_wait3A_143 : memref<100000x128xf32, #tpu.memory_space<hbm>>) dst(%dma_wait3A_139 : memref<64x128xf32, #tpu.memory_space<vmem>>)
      %mul3A_144 = arith.constant 20 : i32
      %mul3A_145 = vector.broadcast %mul3A_144 : i32 to vector<16xi32>
      %mul3A_146 = arith.muli %iota3A, %mul3A_145 : vector<16xi32>
      %add3A_147 = arith.constant 0 : i32
      %add3A_148 = vector.broadcast %add3A_147 : i32 to vector<16xi32>
      %add3A_149 = arith.addi %mul3A_146, %add3A_148 : vector<16xi32>
      %mul3A_150 = arith.constant 20 : i32
      %mul3A_151 = vector.broadcast %mul3A_150 : i32 to vector<16xi32>
      %mul3A_152 = arith.muli %iota3A, %mul3A_151 : vector<16xi32>
      %add3A_153 = arith.constant 1 : i32
      %add3A_154 = vector.broadcast %add3A_153 : i32 to vector<16xi32>
      %add3A_155 = arith.addi %mul3A_152, %add3A_154 : vector<16xi32>
      %mul3A_156 = arith.constant 20 : i32
      %mul3A_157 = vector.broadcast %mul3A_156 : i32 to vector<16xi32>
      %mul3A_158 = arith.muli %iota3A, %mul3A_157 : vector<16xi32>
      %add3A_159 = arith.constant 2 : i32
      %add3A_160 = vector.broadcast %add3A_159 : i32 to vector<16xi32>
      %add3A_161 = arith.addi %mul3A_158, %add3A_160 : vector<16xi32>
      %mul3A_162 = arith.constant 20 : i32
      %mul3A_163 = vector.broadcast %mul3A_162 : i32 to vector<16xi32>
      %mul3A_164 = arith.muli %iota3A, %mul3A_163 : vector<16xi32>
      %add3A_165 = arith.constant 3 : i32
      %add3A_166 = vector.broadcast %add3A_165 : i32 to vector<16xi32>
      %add3A_167 = arith.addi %mul3A_164, %add3A_166 : vector<16xi32>
      %mul3A_168 = arith.constant 20 : i32
      %mul3A_169 = vector.broadcast %mul3A_168 : i32 to vector<16xi32>
      %mul3A_170 = arith.muli %iota3A, %mul3A_169 : vector<16xi32>
      %add3A_171 = arith.constant 4 : i32
      %add3A_172 = vector.broadcast %add3A_171 : i32 to vector<16xi32>
      %add3A_173 = arith.addi %mul3A_170, %add3A_172 : vector<16xi32>
      %mul3A_174 = arith.constant 20 : i32
      %mul3A_175 = vector.broadcast %mul3A_174 : i32 to vector<16xi32>
      %mul3A_176 = arith.muli %iota3A, %mul3A_175 : vector<16xi32>
      %add3A_177 = arith.constant 5 : i32
      %add3A_178 = vector.broadcast %add3A_177 : i32 to vector<16xi32>
      %add3A_179 = arith.addi %mul3A_176, %add3A_178 : vector<16xi32>
      %mul3A_180 = arith.constant 20 : i32
      %mul3A_181 = vector.broadcast %mul3A_180 : i32 to vector<16xi32>
      %mul3A_182 = arith.muli %iota3A, %mul3A_181 : vector<16xi32>
      %add3A_183 = arith.constant 6 : i32
      %add3A_184 = vector.broadcast %add3A_183 : i32 to vector<16xi32>
      %add3A_185 = arith.addi %mul3A_182, %add3A_184 : vector<16xi32>
      %mul3A_186 = arith.constant 20 : i32
      %mul3A_187 = vector.broadcast %mul3A_186 : i32 to vector<16xi32>
      %mul3A_188 = arith.muli %iota3A, %mul3A_187 : vector<16xi32>
      %add3A_189 = arith.constant 7 : i32
      %add3A_190 = vector.broadcast %add3A_189 : i32 to vector<16xi32>
      %add3A_191 = arith.addi %mul3A_188, %add3A_190 : vector<16xi32>
      %mul3A_192 = arith.constant 20 : i32
      %mul3A_193 = vector.broadcast %mul3A_192 : i32 to vector<16xi32>
      %mul3A_194 = arith.muli %iota3A, %mul3A_193 : vector<16xi32>
      %add3A_195 = arith.constant 8 : i32
      %add3A_196 = vector.broadcast %add3A_195 : i32 to vector<16xi32>
      %add3A_197 = arith.addi %mul3A_194, %add3A_196 : vector<16xi32>
      %mul3A_198 = arith.constant 20 : i32
      %mul3A_199 = vector.broadcast %mul3A_198 : i32 to vector<16xi32>
      %mul3A_200 = arith.muli %iota3A, %mul3A_199 : vector<16xi32>
      %add3A_201 = arith.constant 9 : i32
      %add3A_202 = vector.broadcast %add3A_201 : i32 to vector<16xi32>
      %add3A_203 = arith.addi %mul3A_200, %add3A_202 : vector<16xi32>
      %mul3A_204 = arith.constant 20 : i32
      %mul3A_205 = vector.broadcast %mul3A_204 : i32 to vector<16xi32>
      %mul3A_206 = arith.muli %iota3A, %mul3A_205 : vector<16xi32>
      %add3A_207 = arith.constant 10 : i32
      %add3A_208 = vector.broadcast %add3A_207 : i32 to vector<16xi32>
      %add3A_209 = arith.addi %mul3A_206, %add3A_208 : vector<16xi32>
      %mul3A_210 = arith.constant 20 : i32
      %mul3A_211 = vector.broadcast %mul3A_210 : i32 to vector<16xi32>
      %mul3A_212 = arith.muli %iota3A, %mul3A_211 : vector<16xi32>
      %add3A_213 = arith.constant 11 : i32
      %add3A_214 = vector.broadcast %add3A_213 : i32 to vector<16xi32>
      %add3A_215 = arith.addi %mul3A_212, %add3A_214 : vector<16xi32>
      %mul3A_216 = arith.constant 20 : i32
      %mul3A_217 = vector.broadcast %mul3A_216 : i32 to vector<16xi32>
      %mul3A_218 = arith.muli %iota3A, %mul3A_217 : vector<16xi32>
      %add3A_219 = arith.constant 12 : i32
      %add3A_220 = vector.broadcast %add3A_219 : i32 to vector<16xi32>
      %add3A_221 = arith.addi %mul3A_218, %add3A_220 : vector<16xi32>
      %mul3A_222 = arith.constant 20 : i32
      %mul3A_223 = vector.broadcast %mul3A_222 : i32 to vector<16xi32>
      %mul3A_224 = arith.muli %iota3A, %mul3A_223 : vector<16xi32>
      %add3A_225 = arith.constant 13 : i32
      %add3A_226 = vector.broadcast %add3A_225 : i32 to vector<16xi32>
      %add3A_227 = arith.addi %mul3A_224, %add3A_226 : vector<16xi32>
      %mul3A_228 = arith.constant 20 : i32
      %mul3A_229 = vector.broadcast %mul3A_228 : i32 to vector<16xi32>
      %mul3A_230 = arith.muli %iota3A, %mul3A_229 : vector<16xi32>
      %add3A_231 = arith.constant 14 : i32
      %add3A_232 = vector.broadcast %add3A_231 : i32 to vector<16xi32>
      %add3A_233 = arith.addi %mul3A_230, %add3A_232 : vector<16xi32>
      %mul3A_234 = arith.constant 20 : i32
      %mul3A_235 = vector.broadcast %mul3A_234 : i32 to vector<16xi32>
      %mul3A_236 = arith.muli %iota3A, %mul3A_235 : vector<16xi32>
      %add3A_237 = arith.constant 15 : i32
      %add3A_238 = vector.broadcast %add3A_237 : i32 to vector<16xi32>
      %add3A_239 = arith.addi %mul3A_236, %add3A_238 : vector<16xi32>
      %mul3A_240 = arith.constant 20 : i32
      %mul3A_241 = vector.broadcast %mul3A_240 : i32 to vector<16xi32>
      %mul3A_242 = arith.muli %iota3A, %mul3A_241 : vector<16xi32>
      %add3A_243 = arith.constant 16 : i32
      %add3A_244 = vector.broadcast %add3A_243 : i32 to vector<16xi32>
      %add3A_245 = arith.addi %mul3A_242, %add3A_244 : vector<16xi32>
      %mul3A_246 = arith.constant 20 : i32
      %mul3A_247 = vector.broadcast %mul3A_246 : i32 to vector<16xi32>
      %mul3A_248 = arith.muli %iota3A, %mul3A_247 : vector<16xi32>
      %add3A_249 = arith.constant 17 : i32
      %add3A_250 = vector.broadcast %add3A_249 : i32 to vector<16xi32>
      %add3A_251 = arith.addi %mul3A_248, %add3A_250 : vector<16xi32>
      %mul3A_252 = arith.constant 20 : i32
      %mul3A_253 = vector.broadcast %mul3A_252 : i32 to vector<16xi32>
      %mul3A_254 = arith.muli %iota3A, %mul3A_253 : vector<16xi32>
      %add3A_255 = arith.constant 18 : i32
      %add3A_256 = vector.broadcast %add3A_255 : i32 to vector<16xi32>
      %add3A_257 = arith.addi %mul3A_254, %add3A_256 : vector<16xi32>
      %mul3A_258 = arith.constant 20 : i32
      %mul3A_259 = vector.broadcast %mul3A_258 : i32 to vector<16xi32>
      %mul3A_260 = arith.muli %iota3A, %mul3A_259 : vector<16xi32>
      %add3A_261 = arith.constant 19 : i32
      %add3A_262 = vector.broadcast %add3A_261 : i32 to vector<16xi32>
      %add3A_263 = arith.addi %mul3A_260, %add3A_262 : vector<16xi32>
      %get3A = arith.constant 0 : index
      %get3A_264 = tpu.vector_load %arg17[%get3A] {strides = array<i32>} : memref<16xf32, #tpu.memory_space<vmem>>, vector<16xf32>,
      %scan3A_265 = arith.constant 0 : i32
      %scan3A_266 = arith.constant 128 : i32
      %scan3A_267 = arith.addi %scan3A_265, %scan3A_266 : i32
      %scan3A_268 = arith.constant 4 : i32
      %scan3A_269:7 = scf.for %scan3A_811 = %scan3A_265 to %scan3A_267 step %scan3A_268 iter_args(%scan3A_812 = %broadcast_in_dim3A_16, %scan3A_813 = %broadcast_in_dim3A_16, %scan3A_814 = %broadcast_in_dim3A_16, %scan3A_815 = %broadcast_in_dim3A_16, %scan3A_816 = %broadcast_in_dim3A_16, %scan3A_817 = %broadcast_in_dim3A_16, %scan3A_818 = %broadcast_in_dim3A_16) -> (vector<16xf32>, vector<16xf32>, vector<16xf32>, vector<16xf32>, vector<16xf32>, vector<16xf32>, vector<16xf32>)  : i32 {
        %add3A_819 = vector.broadcast %scan3A_811 : i32 to vector<16xi32>
        %add3A_820 = arith.addi %iota3A, %add3A_819 : vector<16xi32>
        %and3A = arith.constant 127 : i32
        %and3A_821 = vector.broadcast %and3A : i32 to vector<16xi32>
        %and3A_822 = arith.andi %add3A_820, %and3A_821 : vector<16xi32>
        %gather3A = tpu.vector_load_idx %arg11[%iota3A, %and3A_822] : memref<16x128xf32, #tpu.memory_space<vmem>>[vector<16xi32>, vector<16xi32>], vector<16xf32>,
        %gather3A_823 = tpu.vector_load_idx %arg12[%iota3A, %and3A_822] : memref<16x128xf32, #tpu.memory_space<vmem>>[vector<16xi32>, vector<16xi32>], vector<16xf32>,
        %mul3A_824 = arith.mulf %gather3A, %gather3A_823 : vector<16xf32>
        %add3A_825 = arith.addf %scan3A_812, %mul3A_824 : vector<16xf32>
        %gather3A_826 = tpu.vector_load_idx %arg13[%add3A_149, %and3A_822] : memref<320x128xf32, #tpu.memory_space<vmem>>[vector<16xi32>, vector<16xi32>], vector<16xf32>,
        %mul3A_827 = arith.mulf %gather3A, %gather3A_826 : vector<16xf32>
        %add3A_828 = arith.addf %scan3A_813, %mul3A_827 : vector<16xf32>
        %gather3A_829 = tpu.vector_load_idx %arg13[%add3A_155, %and3A_822] : memref<320x128xf32, #tpu.memory_space<vmem>>[vector<16xi32>, vector<16xi32>], vector<16xf32>,
        %mul3A_830 = arith.mulf %gather3A, %gather3A_829 : vector<16xf32>
        %add3A_831 = arith.addf %scan3A_814, %mul3A_830 : vector<16xf32>
        %gather3A_832 = tpu.vector_load_idx %arg13[%add3A_161, %and3A_822] : memref<320x128xf32, #tpu.memory_space<vmem>>[vector<16xi32>, vector<16xi32>], vector<16xf32>,
        %mul3A_833 = arith.mulf %gather3A, %gather3A_832 : vector<16xf32>
        %add3A_834 = arith.addf %scan3A_815, %mul3A_833 : vector<16xf32>
        %gather3A_835 = tpu.vector_load_idx %arg13[%add3A_167, %and3A_822] : memref<320x128xf32, #tpu.memory_space<vmem>>[vector<16xi32>, vector<16xi32>], vector<16xf32>,
        %mul3A_836 = arith.mulf %gather3A, %gather3A_835 : vector<16xf32>
        %add3A_837 = arith.addf %scan3A_816, %mul3A_836 : vector<16xf32>
        %gather3A_838 = tpu.vector_load_idx %arg13[%add3A_173, %and3A_822] : memref<320x128xf32, #tpu.memory_space<vmem>>[vector<16xi32>, vector<16xi32>], vector<16xf32>,
        %mul3A_839 = arith.mulf %gather3A, %gather3A_838 : vector<16xf32>
        %add3A_840 = arith.addf %scan3A_817, %mul3A_839 : vector<16xf32>
        %gather3A_841 = tpu.vector_load_idx %arg13[%add3A_179, %and3A_822] : memref<320x128xf32, #tpu.memory_space<vmem>>[vector<16xi32>, vector<16xi32>], vector<16xf32>,
        %mul3A_842 = arith.mulf %gather3A, %gather3A_841 : vector<16xf32>
        %add3A_843 = arith.addf %scan3A_818, %mul3A_842 : vector<16xf32>
        %scan3A_844 = arith.constant 1 : i32
        %scan3A_845 = arith.addi %scan3A_811, %scan3A_844 : i32
        %add3A_846 = vector.broadcast %scan3A_845 : i32 to vector<16xi32>
        %add3A_847 = arith.addi %iota3A, %add3A_846 : vector<16xi32>
        %and3A_848 = arith.constant 127 : i32
        %and3A_849 = vector.broadcast %and3A_848 : i32 to vector<16xi32>
        %and3A_850 = arith.andi %add3A_847, %and3A_849 : vector<16xi32>
        %gather3A_851 = tpu.vector_load_idx %arg11[%iota3A, %and3A_850] : memref<16x128xf32, #tpu.memory_space<vmem>>[vector<16xi32>, vector<16xi32>], vector<16xf32>,
        %gather3A_852 = tpu.vector_load_idx %arg12[%iota3A, %and3A_850] : memref<16x128xf32, #tpu.memory_space<vmem>>[vector<16xi32>, vector<16xi32>], vector<16xf32>,
        %mul3A_853 = arith.mulf %gather3A_851, %gather3A_852 : vector<16xf32>
        %add3A_854 = arith.addf %add3A_825, %mul3A_853 : vector<16xf32>
        %gather3A_855 = tpu.vector_load_idx %arg13[%add3A_149, %and3A_850] : memref<320x128xf32, #tpu.memory_space<vmem>>[vector<16xi32>, vector<16xi32>], vector<16xf32>,
        %mul3A_856 = arith.mulf %gather3A_851, %gather3A_855 : vector<16xf32>
        %add3A_857 = arith.addf %add3A_828, %mul3A_856 : vector<16xf32>
        %gather3A_858 = tpu.vector_load_idx %arg13[%add3A_155, %and3A_850] : memref<320x128xf32, #tpu.memory_space<vmem>>[vector<16xi32>, vector<16xi32>], vector<16xf32>,
        %mul3A_859 = arith.mulf %gather3A_851, %gather3A_858 : vector<16xf32>
        %add3A_860 = arith.addf %add3A_831, %mul3A_859 : vector<16xf32>
        %gather3A_861 = tpu.vector_load_idx %arg13[%add3A_161, %and3A_850] : memref<320x128xf32, #tpu.memory_space<vmem>>[vector<16xi32>, vector<16xi32>], vector<16xf32>,
        %mul3A_862 = arith.mulf %gather3A_851, %gather3A_861 : vector<16xf32>
        %add3A_863 = arith.addf %add3A_834, %mul3A_862 : vector<16xf32>
        %gather3A_864 = tpu.vector_load_idx %arg13[%add3A_167, %and3A_850] : memref<320x128xf32, #tpu.memory_space<vmem>>[vector<16xi32>, vector<16xi32>], vector<16xf32>,
        %mul3A_865 = arith.mulf %gather3A_851, %gather3A_864 : vector<16xf32>
        %add3A_866 = arith.addf %add3A_837, %mul3A_865 : vector<16xf32>
        %gather3A_867 = tpu.vector_load_idx %arg13[%add3A_173, %and3A_850] : memref<320x128xf32, #tpu.memory_space<vmem>>[vector<16xi32>, vector<16xi32>], vector<16xf32>,
        %mul3A_868 = arith.mulf %gather3A_851, %gather3A_867 : vector<16xf32>
        %add3A_869 = arith.addf %add3A_840, %mul3A_868 : vector<16xf32>
        %gather3A_870 = tpu.vector_load_idx %arg13[%add3A_179, %and3A_850] : memref<320x128xf32, #tpu.memory_space<vmem>>[vector<16xi32>, vector<16xi32>], vector<16xf32>,
        %mul3A_871 = arith.mulf %gather3A_851, %gather3A_870 : vector<16xf32>
        %add3A_872 = arith.addf %add3A_843, %mul3A_871 : vector<16xf32>
        %scan3A_873 = arith.constant 2 : i32
        %scan3A_874 = arith.addi %scan3A_811, %scan3A_873 : i32
        %add3A_875 = vector.broadcast %scan3A_874 : i32 to vector<16xi32>
        %add3A_876 = arith.addi %iota3A, %add3A_875 : vector<16xi32>
        %and3A_877 = arith.constant 127 : i32
        %and3A_878 = vector.broadcast %and3A_877 : i32 to vector<16xi32>
        %and3A_879 = arith.andi %add3A_876, %and3A_878 : vector<16xi32>
        %gather3A_880 = tpu.vector_load_idx %arg11[%iota3A, %and3A_879] : memref<16x128xf32, #tpu.memory_space<vmem>>[vector<16xi32>, vector<16xi32>], vector<16xf32>,
        %gather3A_881 = tpu.vector_load_idx %arg12[%iota3A, %and3A_879] : memref<16x128xf32, #tpu.memory_space<vmem>>[vector<16xi32>, vector<16xi32>], vector<16xf32>,
        %mul3A_882 = arith.mulf %gather3A_880, %gather3A_881 : vector<16xf32>
        %add3A_883 = arith.addf %add3A_854, %mul3A_882 : vector<16xf32>
        %gather3A_884 = tpu.vector_load_idx %arg13[%add3A_149, %and3A_879] : memref<320x128xf32, #tpu.memory_space<vmem>>[vector<16xi32>, vector<16xi32>], vector<16xf32>,
        %mul3A_885 = arith.mulf %gather3A_880, %gather3A_884 : vector<16xf32>
        %add3A_886 = arith.addf %add3A_857, %mul3A_885 : vector<16xf32>
        %gather3A_887 = tpu.vector_load_idx %arg13[%add3A_155, %and3A_879] : memref<320x128xf32, #tpu.memory_space<vmem>>[vector<16xi32>, vector<16xi32>], vector<16xf32>,
        %mul3A_888 = arith.mulf %gather3A_880, %gather3A_887 : vector<16xf32>
        %add3A_889 = arith.addf %add3A_860, %mul3A_888 : vector<16xf32>
        %gather3A_890 = tpu.vector_load_idx %arg13[%add3A_161, %and3A_879] : memref<320x128xf32, #tpu.memory_space<vmem>>[vector<16xi32>, vector<16xi32>], vector<16xf32>,
        %mul3A_891 = arith.mulf %gather3A_880, %gather3A_890 : vector<16xf32>
        %add3A_892 = arith.addf %add3A_863, %mul3A_891 : vector<16xf32>
        %gather3A_893 = tpu.vector_load_idx %arg13[%add3A_167, %and3A_879] : memref<320x128xf32, #tpu.memory_space<vmem>>[vector<16xi32>, vector<16xi32>], vector<16xf32>,
        %mul3A_894 = arith.mulf %gather3A_880, %gather3A_893 : vector<16xf32>
        %add3A_895 = arith.addf %add3A_866, %mul3A_894 : vector<16xf32>
        %gather3A_896 = tpu.vector_load_idx %arg13[%add3A_173, %and3A_879] : memref<320x128xf32, #tpu.memory_space<vmem>>[vector<16xi32>, vector<16xi32>], vector<16xf32>,
        %mul3A_897 = arith.mulf %gather3A_880, %gather3A_896 : vector<16xf32>
        %add3A_898 = arith.addf %add3A_869, %mul3A_897 : vector<16xf32>
        %gather3A_899 = tpu.vector_load_idx %arg13[%add3A_179, %and3A_879] : memref<320x128xf32, #tpu.memory_space<vmem>>[vector<16xi32>, vector<16xi32>], vector<16xf32>,
        %mul3A_900 = arith.mulf %gather3A_880, %gather3A_899 : vector<16xf32>
        %add3A_901 = arith.addf %add3A_872, %mul3A_900 : vector<16xf32>
        %scan3A_902 = arith.constant 3 : i32
        %scan3A_903 = arith.addi %scan3A_811, %scan3A_902 : i32
        %add3A_904 = vector.broadcast %scan3A_903 : i32 to vector<16xi32>
        %add3A_905 = arith.addi %iota3A, %add3A_904 : vector<16xi32>
        %and3A_906 = arith.constant 127 : i32
        %and3A_907 = vector.broadcast %and3A_906 : i32 to vector<16xi32>
        %and3A_908 = arith.andi %add3A_905, %and3A_907 : vector<16xi32>
        %gather3A_909 = tpu.vector_load_idx %arg11[%iota3A, %and3A_908] : memref<16x128xf32, #tpu.memory_space<vmem>>[vector<16xi32>, vector<16xi32>], vector<16xf32>,
        %gather3A_910 = tpu.vector_load_idx %arg12[%iota3A, %and3A_908] : memref<16x128xf32, #tpu.memory_space<vmem>>[vector<16xi32>, vector<16xi32>], vector<16xf32>,
        %mul3A_911 = arith.mulf %gather3A_909, %gather3A_910 : vector<16xf32>
        %add3A_912 = arith.addf %add3A_883, %mul3A_911 : vector<16xf32>
        %gather3A_913 = tpu.vector_load_idx %arg13[%add3A_149, %and3A_908] : memref<320x128xf32, #tpu.memory_space<vmem>>[vector<16xi32>, vector<16xi32>], vector<16xf32>,
        %mul3A_914 = arith.mulf %gather3A_909, %gather3A_913 : vector<16xf32>
        %add3A_915 = arith.addf %add3A_886, %mul3A_914 : vector<16xf32>
        %gather3A_916 = tpu.vector_load_idx %arg13[%add3A_155, %and3A_908] : memref<320x128xf32, #tpu.memory_space<vmem>>[vector<16xi32>, vector<16xi32>], vector<16xf32>,
        %mul3A_917 = arith.mulf %gather3A_909, %gather3A_916 : vector<16xf32>
        %add3A_918 = arith.addf %add3A_889, %mul3A_917 : vector<16xf32>
        %gather3A_919 = tpu.vector_load_idx %arg13[%add3A_161, %and3A_908] : memref<320x128xf32, #tpu.memory_space<vmem>>[vector<16xi32>, vector<16xi32>], vector<16xf32>,
        %mul3A_920 = arith.mulf %gather3A_909, %gather3A_919 : vector<16xf32>
        %add3A_921 = arith.addf %add3A_892, %mul3A_920 : vector<16xf32>
        %gather3A_922 = tpu.vector_load_idx %arg13[%add3A_167, %and3A_908] : memref<320x128xf32, #tpu.memory_space<vmem>>[vector<16xi32>, vector<16xi32>], vector<16xf32>,
        %mul3A_923 = arith.mulf %gather3A_909, %gather3A_922 : vector<16xf32>
        %add3A_924 = arith.addf %add3A_895, %mul3A_923 : vector<16xf32>
        %gather3A_925 = tpu.vector_load_idx %arg13[%add3A_173, %and3A_908] : memref<320x128xf32, #tpu.memory_space<vmem>>[vector<16xi32>, vector<16xi32>], vector<16xf32>,
        %mul3A_926 = arith.mulf %gather3A_909, %gather3A_925 : vector<16xf32>
        %add3A_927 = arith.addf %add3A_898, %mul3A_926 : vector<16xf32>
        %gather3A_928 = tpu.vector_load_idx %arg13[%add3A_179, %and3A_908] : memref<320x128xf32, #tpu.memory_space<vmem>>[vector<16xi32>, vector<16xi32>], vector<16xf32>,
        %mul3A_929 = arith.mulf %gather3A_909, %gather3A_928 : vector<16xf32>
        %add3A_930 = arith.addf %add3A_901, %mul3A_929 : vector<16xf32>
        scf.yield %add3A_912, %add3A_915, %add3A_918, %add3A_921, %add3A_924, %add3A_927, %add3A_930 : vector<16xf32>, vector<16xf32>, vector<16xf32>, vector<16xf32>, vector<16xf32>, vector<16xf32>, vector<16xf32>
      }
      %scan3A_270 = arith.constant 128 : i32
      %neg3A = arith.constant 0.000000e+00 : f32
      %neg3A_271 = vector.broadcast %neg3A : f32 to vector<16xf32>
      %neg3A_272 = arith.subf %neg3A_271, %scan3A_269#0 : vector<16xf32>
      %exp3A = math.exp %neg3A_272 : vector<16xf32>
      %add3A_273 = arith.constant 1.000000e+00 : f32
      %add3A_274 = vector.broadcast %add3A_273 : f32 to vector<16xf32>
      %add3A_275 = arith.addf %add3A_274, %exp3A : vector<16xf32>
      %div3A = arith.constant 1.000000e+00 : f32
      %div3A_276 = vector.broadcast %div3A : f32 to vector<16xf32>
      %div3A_277 = arith.divf %div3A_276, %add3A_275 : vector<16xf32>
      %add3A_278 = arith.addf %get3A_264, %div3A_277 : vector<16xf32>
      %exp3A_279 = math.exp %scan3A_269#1 : vector<16xf32>
      %add3A_280 = arith.constant 1.000000e+00 : f32
      %add3A_281 = vector.broadcast %add3A_280 : f32 to vector<16xf32>
      %add3A_282 = arith.addf %add3A_281, %exp3A_279 : vector<16xf32>
      %div3A_283 = arith.constant 1.000000e+00 : f32
      %div3A_284 = vector.broadcast %div3A_283 : f32 to vector<16xf32>
      %div3A_285 = arith.divf %div3A_284, %add3A_282 : vector<16xf32>
      %add3A_286 = arith.addf %add3A_278, %div3A_285 : vector<16xf32>
      %exp3A_287 = math.exp %scan3A_269#2 : vector<16xf32>
      %add3A_288 = arith.constant 1.000000e+00 : f32
      %add3A_289 = vector.broadcast %add3A_288 : f32 to vector<16xf32>
      %add3A_290 = arith.addf %add3A_289, %exp3A_287 : vector<16xf32>
      %div3A_291 = arith.constant 1.000000e+00 : f32
      %div3A_292 = vector.broadcast %div3A_291 : f32 to vector<16xf32>
      %div3A_293 = arith.divf %div3A_292, %add3A_290 : vector<16xf32>
      %add3A_294 = arith.addf %add3A_286, %div3A_293 : vector<16xf32>
      %exp3A_295 = math.exp %scan3A_269#3 : vector<16xf32>
      %add3A_296 = arith.constant 1.000000e+00 : f32
      %add3A_297 = vector.broadcast %add3A_296 : f32 to vector<16xf32>
      %add3A_298 = arith.addf %add3A_297, %exp3A_295 : vector<16xf32>
      %div3A_299 = arith.constant 1.000000e+00 : f32
      %div3A_300 = vector.broadcast %div3A_299 : f32 to vector<16xf32>
      %div3A_301 = arith.divf %div3A_300, %add3A_298 : vector<16xf32>
      %add3A_302 = arith.addf %add3A_294, %div3A_301 : vector<16xf32>
      %exp3A_303 = math.exp %scan3A_269#4 : vector<16xf32>
      %add3A_304 = arith.constant 1.000000e+00 : f32
      %add3A_305 = vector.broadcast %add3A_304 : f32 to vector<16xf32>
      %add3A_306 = arith.addf %add3A_305, %exp3A_303 : vector<16xf32>
      %div3A_307 = arith.constant 1.000000e+00 : f32
      %div3A_308 = vector.broadcast %div3A_307 : f32 to vector<16xf32>
      %div3A_309 = arith.divf %div3A_308, %add3A_306 : vector<16xf32>
      %add3A_310 = arith.addf %add3A_302, %div3A_309 : vector<16xf32>
      %exp3A_311 = math.exp %scan3A_269#5 : vector<16xf32>
      %add3A_312 = arith.constant 1.000000e+00 : f32
      %add3A_313 = vector.broadcast %add3A_312 : f32 to vector<16xf32>
      %add3A_314 = arith.addf %add3A_313, %exp3A_311 : vector<16xf32>
      %div3A_315 = arith.constant 1.000000e+00 : f32
      %div3A_316 = vector.broadcast %div3A_315 : f32 to vector<16xf32>
      %div3A_317 = arith.divf %div3A_316, %add3A_314 : vector<16xf32>
      %add3A_318 = arith.addf %add3A_310, %div3A_317 : vector<16xf32>
      %exp3A_319 = math.exp %scan3A_269#6 : vector<16xf32>
      %add3A_320 = arith.constant 1.000000e+00 : f32
      %add3A_321 = vector.broadcast %add3A_320 : f32 to vector<16xf32>
      %add3A_322 = arith.addf %add3A_321, %exp3A_319 : vector<16xf32>
      %div3A_323 = arith.constant 1.000000e+00 : f32
      %div3A_324 = vector.broadcast %div3A_323 : f32 to vector<16xf32>
      %div3A_325 = arith.divf %div3A_324, %add3A_322 : vector<16xf32>
      %add3A_326 = arith.addf %add3A_318, %div3A_325 : vector<16xf32>
      %scan3A_327 = arith.constant 0 : i32
      %scan3A_328 = arith.constant 128 : i32
      %scan3A_329 = arith.addi %scan3A_327, %scan3A_328 : i32
      %scan3A_330 = arith.constant 4 : i32
      %scan3A_331:7 = scf.for %scan3A_811 = %scan3A_327 to %scan3A_329 step %scan3A_330 iter_args(%scan3A_812 = %broadcast_in_dim3A_16, %scan3A_813 = %broadcast_in_dim3A_16, %scan3A_814 = %broadcast_in_dim3A_16, %scan3A_815 = %broadcast_in_dim3A_16, %scan3A_816 = %broadcast_in_dim3A_16, %scan3A_817 = %broadcast_in_dim3A_16, %scan3A_818 = %broadcast_in_dim3A_16) -> (vector<16xf32>, vector<16xf32>, vector<16xf32>, vector<16xf32>, vector<16xf32>, vector<16xf32>, vector<16xf32>)  : i32 {
        %add3A_819 = vector.broadcast %scan3A_811 : i32 to vector<16xi32>
        %add3A_820 = arith.addi %iota3A, %add3A_819 : vector<16xi32>
        %and3A = arith.constant 127 : i32
        %and3A_821 = vector.broadcast %and3A : i32 to vector<16xi32>
        %and3A_822 = arith.andi %add3A_820, %and3A_821 : vector<16xi32>
        %gather3A = tpu.vector_load_idx %arg11[%iota3A, %and3A_822] : memref<16x128xf32, #tpu.memory_space<vmem>>[vector<16xi32>, vector<16xi32>], vector<16xf32>,
        %gather3A_823 = tpu.vector_load_idx %arg13[%add3A_185, %and3A_822] : memref<320x128xf32, #tpu.memory_space<vmem>>[vector<16xi32>, vector<16xi32>], vector<16xf32>,
        %mul3A_824 = arith.mulf %gather3A, %gather3A_823 : vector<16xf32>
        %add3A_825 = arith.addf %scan3A_812, %mul3A_824 : vector<16xf32>
        %gather3A_826 = tpu.vector_load_idx %arg13[%add3A_191, %and3A_822] : memref<320x128xf32, #tpu.memory_space<vmem>>[vector<16xi32>, vector<16xi32>], vector<16xf32>,
        %mul3A_827 = arith.mulf %gather3A, %gather3A_826 : vector<16xf32>
        %add3A_828 = arith.addf %scan3A_813, %mul3A_827 : vector<16xf32>
        %gather3A_829 = tpu.vector_load_idx %arg13[%add3A_197, %and3A_822] : memref<320x128xf32, #tpu.memory_space<vmem>>[vector<16xi32>, vector<16xi32>], vector<16xf32>,
        %mul3A_830 = arith.mulf %gather3A, %gather3A_829 : vector<16xf32>
        %add3A_831 = arith.addf %scan3A_814, %mul3A_830 : vector<16xf32>
        %gather3A_832 = tpu.vector_load_idx %arg13[%add3A_203, %and3A_822] : memref<320x128xf32, #tpu.memory_space<vmem>>[vector<16xi32>, vector<16xi32>], vector<16xf32>,
        %mul3A_833 = arith.mulf %gather3A, %gather3A_832 : vector<16xf32>
        %add3A_834 = arith.addf %scan3A_815, %mul3A_833 : vector<16xf32>
        %gather3A_835 = tpu.vector_load_idx %arg13[%add3A_209, %and3A_822] : memref<320x128xf32, #tpu.memory_space<vmem>>[vector<16xi32>, vector<16xi32>], vector<16xf32>,
        %mul3A_836 = arith.mulf %gather3A, %gather3A_835 : vector<16xf32>
        %add3A_837 = arith.addf %scan3A_816, %mul3A_836 : vector<16xf32>
        %gather3A_838 = tpu.vector_load_idx %arg13[%add3A_215, %and3A_822] : memref<320x128xf32, #tpu.memory_space<vmem>>[vector<16xi32>, vector<16xi32>], vector<16xf32>,
        %mul3A_839 = arith.mulf %gather3A, %gather3A_838 : vector<16xf32>
        %add3A_840 = arith.addf %scan3A_817, %mul3A_839 : vector<16xf32>
        %gather3A_841 = tpu.vector_load_idx %arg13[%add3A_221, %and3A_822] : memref<320x128xf32, #tpu.memory_space<vmem>>[vector<16xi32>, vector<16xi32>], vector<16xf32>,
        %mul3A_842 = arith.mulf %gather3A, %gather3A_841 : vector<16xf32>
        %add3A_843 = arith.addf %scan3A_818, %mul3A_842 : vector<16xf32>
        %scan3A_844 = arith.constant 1 : i32
        %scan3A_845 = arith.addi %scan3A_811, %scan3A_844 : i32
        %add3A_846 = vector.broadcast %scan3A_845 : i32 to vector<16xi32>
        %add3A_847 = arith.addi %iota3A, %add3A_846 : vector<16xi32>
        %and3A_848 = arith.constant 127 : i32
        %and3A_849 = vector.broadcast %and3A_848 : i32 to vector<16xi32>
        %and3A_850 = arith.andi %add3A_847, %and3A_849 : vector<16xi32>
        %gather3A_851 = tpu.vector_load_idx %arg11[%iota3A, %and3A_850] : memref<16x128xf32, #tpu.memory_space<vmem>>[vector<16xi32>, vector<16xi32>], vector<16xf32>,
        %gather3A_852 = tpu.vector_load_idx %arg13[%add3A_185, %and3A_850] : memref<320x128xf32, #tpu.memory_space<vmem>>[vector<16xi32>, vector<16xi32>], vector<16xf32>,
        %mul3A_853 = arith.mulf %gather3A_851, %gather3A_852 : vector<16xf32>
        %add3A_854 = arith.addf %add3A_825, %mul3A_853 : vector<16xf32>
        %gather3A_855 = tpu.vector_load_idx %arg13[%add3A_191, %and3A_850] : memref<320x128xf32, #tpu.memory_space<vmem>>[vector<16xi32>, vector<16xi32>], vector<16xf32>,
        %mul3A_856 = arith.mulf %gather3A_851, %gather3A_855 : vector<16xf32>
        %add3A_857 = arith.addf %add3A_828, %mul3A_856 : vector<16xf32>
        %gather3A_858 = tpu.vector_load_idx %arg13[%add3A_197, %and3A_850] : memref<320x128xf32, #tpu.memory_space<vmem>>[vector<16xi32>, vector<16xi32>], vector<16xf32>,
        %mul3A_859 = arith.mulf %gather3A_851, %gather3A_858 : vector<16xf32>
        %add3A_860 = arith.addf %add3A_831, %mul3A_859 : vector<16xf32>
        %gather3A_861 = tpu.vector_load_idx %arg13[%add3A_203, %and3A_850] : memref<320x128xf32, #tpu.memory_space<vmem>>[vector<16xi32>, vector<16xi32>], vector<16xf32>,
        %mul3A_862 = arith.mulf %gather3A_851, %gather3A_861 : vector<16xf32>
        %add3A_863 = arith.addf %add3A_834, %mul3A_862 : vector<16xf32>
        %gather3A_864 = tpu.vector_load_idx %arg13[%add3A_209, %and3A_850] : memref<320x128xf32, #tpu.memory_space<vmem>>[vector<16xi32>, vector<16xi32>], vector<16xf32>,
        %mul3A_865 = arith.mulf %gather3A_851, %gather3A_864 : vector<16xf32>
        %add3A_866 = arith.addf %add3A_837, %mul3A_865 : vector<16xf32>
        %gather3A_867 = tpu.vector_load_idx %arg13[%add3A_215, %and3A_850] : memref<320x128xf32, #tpu.memory_space<vmem>>[vector<16xi32>, vector<16xi32>], vector<16xf32>,
        %mul3A_868 = arith.mulf %gather3A_851, %gather3A_867 : vector<16xf32>
        %add3A_869 = arith.addf %add3A_840, %mul3A_868 : vector<16xf32>
        %gather3A_870 = tpu.vector_load_idx %arg13[%add3A_221, %and3A_850] : memref<320x128xf32, #tpu.memory_space<vmem>>[vector<16xi32>, vector<16xi32>], vector<16xf32>,
        %mul3A_871 = arith.mulf %gather3A_851, %gather3A_870 : vector<16xf32>
        %add3A_872 = arith.addf %add3A_843, %mul3A_871 : vector<16xf32>
        %scan3A_873 = arith.constant 2 : i32
        %scan3A_874 = arith.addi %scan3A_811, %scan3A_873 : i32
        %add3A_875 = vector.broadcast %scan3A_874 : i32 to vector<16xi32>
        %add3A_876 = arith.addi %iota3A, %add3A_875 : vector<16xi32>
        %and3A_877 = arith.constant 127 : i32
        %and3A_878 = vector.broadcast %and3A_877 : i32 to vector<16xi32>
        %and3A_879 = arith.andi %add3A_876, %and3A_878 : vector<16xi32>
        %gather3A_880 = tpu.vector_load_idx %arg11[%iota3A, %and3A_879] : memref<16x128xf32, #tpu.memory_space<vmem>>[vector<16xi32>, vector<16xi32>], vector<16xf32>,
        %gather3A_881 = tpu.vector_load_idx %arg13[%add3A_185, %and3A_879] : memref<320x128xf32, #tpu.memory_space<vmem>>[vector<16xi32>, vector<16xi32>], vector<16xf32>,
        %mul3A_882 = arith.mulf %gather3A_880, %gather3A_881 : vector<16xf32>
        %add3A_883 = arith.addf %add3A_854, %mul3A_882 : vector<16xf32>
        %gather3A_884 = tpu.vector_load_idx %arg13[%add3A_191, %and3A_879] : memref<320x128xf32, #tpu.memory_space<vmem>>[vector<16xi32>, vector<16xi32>], vector<16xf32>,
        %mul3A_885 = arith.mulf %gather3A_880, %gather3A_884 : vector<16xf32>
        %add3A_886 = arith.addf %add3A_857, %mul3A_885 : vector<16xf32>
        %gather3A_887 = tpu.vector_load_idx %arg13[%add3A_197, %and3A_879] : memref<320x128xf32, #tpu.memory_space<vmem>>[vector<16xi32>, vector<16xi32>], vector<16xf32>,
        %mul3A_888 = arith.mulf %gather3A_880, %gather3A_887 : vector<16xf32>
        %add3A_889 = arith.addf %add3A_860, %mul3A_888 : vector<16xf32>
        %gather3A_890 = tpu.vector_load_idx %arg13[%add3A_203, %and3A_879] : memref<320x128xf32, #tpu.memory_space<vmem>>[vector<16xi32>, vector<16xi32>], vector<16xf32>,
        %mul3A_891 = arith.mulf %gather3A_880, %gather3A_890 : vector<16xf32>
        %add3A_892 = arith.addf %add3A_863, %mul3A_891 : vector<16xf32>
        %gather3A_893 = tpu.vector_load_idx %arg13[%add3A_209, %and3A_879] : memref<320x128xf32, #tpu.memory_space<vmem>>[vector<16xi32>, vector<16xi32>], vector<16xf32>,
        %mul3A_894 = arith.mulf %gather3A_880, %gather3A_893 : vector<16xf32>
        %add3A_895 = arith.addf %add3A_866, %mul3A_894 : vector<16xf32>
        %gather3A_896 = tpu.vector_load_idx %arg13[%add3A_215, %and3A_879] : memref<320x128xf32, #tpu.memory_space<vmem>>[vector<16xi32>, vector<16xi32>], vector<16xf32>,
        %mul3A_897 = arith.mulf %gather3A_880, %gather3A_896 : vector<16xf32>
        %add3A_898 = arith.addf %add3A_869, %mul3A_897 : vector<16xf32>
        %gather3A_899 = tpu.vector_load_idx %arg13[%add3A_221, %and3A_879] : memref<320x128xf32, #tpu.memory_space<vmem>>[vector<16xi32>, vector<16xi32>], vector<16xf32>,
        %mul3A_900 = arith.mulf %gather3A_880, %gather3A_899 : vector<16xf32>
        %add3A_901 = arith.addf %add3A_872, %mul3A_900 : vector<16xf32>
        %scan3A_902 = arith.constant 3 : i32
        %scan3A_903 = arith.addi %scan3A_811, %scan3A_902 : i32
        %add3A_904 = vector.broadcast %scan3A_903 : i32 to vector<16xi32>
        %add3A_905 = arith.addi %iota3A, %add3A_904 : vector<16xi32>
        %and3A_906 = arith.constant 127 : i32
        %and3A_907 = vector.broadcast %and3A_906 : i32 to vector<16xi32>
        %and3A_908 = arith.andi %add3A_905, %and3A_907 : vector<16xi32>
        %gather3A_909 = tpu.vector_load_idx %arg11[%iota3A, %and3A_908] : memref<16x128xf32, #tpu.memory_space<vmem>>[vector<16xi32>, vector<16xi32>], vector<16xf32>,
        %gather3A_910 = tpu.vector_load_idx %arg13[%add3A_185, %and3A_908] : memref<320x128xf32, #tpu.memory_space<vmem>>[vector<16xi32>, vector<16xi32>], vector<16xf32>,
        %mul3A_911 = arith.mulf %gather3A_909, %gather3A_910 : vector<16xf32>
        %add3A_912 = arith.addf %add3A_883, %mul3A_911 : vector<16xf32>
        %gather3A_913 = tpu.vector_load_idx %arg13[%add3A_191, %and3A_908] : memref<320x128xf32, #tpu.memory_space<vmem>>[vector<16xi32>, vector<16xi32>], vector<16xf32>,
        %mul3A_914 = arith.mulf %gather3A_909, %gather3A_913 : vector<16xf32>
        %add3A_915 = arith.addf %add3A_886, %mul3A_914 : vector<16xf32>
        %gather3A_916 = tpu.vector_load_idx %arg13[%add3A_197, %and3A_908] : memref<320x128xf32, #tpu.memory_space<vmem>>[vector<16xi32>, vector<16xi32>], vector<16xf32>,
        %mul3A_917 = arith.mulf %gather3A_909, %gather3A_916 : vector<16xf32>
        %add3A_918 = arith.addf %add3A_889, %mul3A_917 : vector<16xf32>
        %gather3A_919 = tpu.vector_load_idx %arg13[%add3A_203, %and3A_908] : memref<320x128xf32, #tpu.memory_space<vmem>>[vector<16xi32>, vector<16xi32>], vector<16xf32>,
        %mul3A_920 = arith.mulf %gather3A_909, %gather3A_919 : vector<16xf32>
        %add3A_921 = arith.addf %add3A_892, %mul3A_920 : vector<16xf32>
        %gather3A_922 = tpu.vector_load_idx %arg13[%add3A_209, %and3A_908] : memref<320x128xf32, #tpu.memory_space<vmem>>[vector<16xi32>, vector<16xi32>], vector<16xf32>,
        %mul3A_923 = arith.mulf %gather3A_909, %gather3A_922 : vector<16xf32>
        %add3A_924 = arith.addf %add3A_895, %mul3A_923 : vector<16xf32>
        %gather3A_925 = tpu.vector_load_idx %arg13[%add3A_215, %and3A_908] : memref<320x128xf32, #tpu.memory_space<vmem>>[vector<16xi32>, vector<16xi32>], vector<16xf32>,
        %mul3A_926 = arith.mulf %gather3A_909, %gather3A_925 : vector<16xf32>
        %add3A_927 = arith.addf %add3A_898, %mul3A_926 : vector<16xf32>
        %gather3A_928 = tpu.vector_load_idx %arg13[%add3A_221, %and3A_908] : memref<320x128xf32, #tpu.memory_space<vmem>>[vector<16xi32>, vector<16xi32>], vector<16xf32>,
        %mul3A_929 = arith.mulf %gather3A_909, %gather3A_928 : vector<16xf32>
        %add3A_930 = arith.addf %add3A_901, %mul3A_929 : vector<16xf32>
        scf.yield %add3A_912, %add3A_915, %add3A_918, %add3A_921, %add3A_924, %add3A_927, %add3A_930 : vector<16xf32>, vector<16xf32>, vector<16xf32>, vector<16xf32>, vector<16xf32>, vector<16xf32>, vector<16xf32>
      }
      %scan3A_332 = arith.constant 128 : i32
      %exp3A_333 = math.exp %scan3A_331#0 : vector<16xf32>
      %add3A_334 = arith.constant 1.000000e+00 : f32
      %add3A_335 = vector.broadcast %add3A_334 : f32 to vector<16xf32>
      %add3A_336 = arith.addf %add3A_335, %exp3A_333 : vector<16xf32>
      %div3A_337 = arith.constant 1.000000e+00 : f32
      %div3A_338 = vector.broadcast %div3A_337 : f32 to vector<16xf32>
      %div3A_339 = arith.divf %div3A_338, %add3A_336 : vector<16xf32>
      %add3A_340 = arith.addf %add3A_326, %div3A_339 : vector<16xf32>
      %exp3A_341 = math.exp %scan3A_331#1 : vector<16xf32>
      %add3A_342 = arith.constant 1.000000e+00 : f32
      %add3A_343 = vector.broadcast %add3A_342 : f32 to vector<16xf32>
      %add3A_344 = arith.addf %add3A_343, %exp3A_341 : vector<16xf32>
      %div3A_345 = arith.constant 1.000000e+00 : f32
      %div3A_346 = vector.broadcast %div3A_345 : f32 to vector<16xf32>
      %div3A_347 = arith.divf %div3A_346, %add3A_344 : vector<16xf32>
      %add3A_348 = arith.addf %add3A_340, %div3A_347 : vector<16xf32>
      %exp3A_349 = math.exp %scan3A_331#2 : vector<16xf32>
      %add3A_350 = arith.constant 1.000000e+00 : f32
      %add3A_351 = vector.broadcast %add3A_350 : f32 to vector<16xf32>
      %add3A_352 = arith.addf %add3A_351, %exp3A_349 : vector<16xf32>
      %div3A_353 = arith.constant 1.000000e+00 : f32
      %div3A_354 = vector.broadcast %div3A_353 : f32 to vector<16xf32>
      %div3A_355 = arith.divf %div3A_354, %add3A_352 : vector<16xf32>
      %add3A_356 = arith.addf %add3A_348, %div3A_355 : vector<16xf32>
      %exp3A_357 = math.exp %scan3A_331#3 : vector<16xf32>
      %add3A_358 = arith.constant 1.000000e+00 : f32
      %add3A_359 = vector.broadcast %add3A_358 : f32 to vector<16xf32>
      %add3A_360 = arith.addf %add3A_359, %exp3A_357 : vector<16xf32>
      %div3A_361 = arith.constant 1.000000e+00 : f32
      %div3A_362 = vector.broadcast %div3A_361 : f32 to vector<16xf32>
      %div3A_363 = arith.divf %div3A_362, %add3A_360 : vector<16xf32>
      %add3A_364 = arith.addf %add3A_356, %div3A_363 : vector<16xf32>
      %exp3A_365 = math.exp %scan3A_331#4 : vector<16xf32>
      %add3A_366 = arith.constant 1.000000e+00 : f32
      %add3A_367 = vector.broadcast %add3A_366 : f32 to vector<16xf32>
      %add3A_368 = arith.addf %add3A_367, %exp3A_365 : vector<16xf32>
      %div3A_369 = arith.constant 1.000000e+00 : f32
      %div3A_370 = vector.broadcast %div3A_369 : f32 to vector<16xf32>
      %div3A_371 = arith.divf %div3A_370, %add3A_368 : vector<16xf32>
      %add3A_372 = arith.addf %add3A_364, %div3A_371 : vector<16xf32>
      %exp3A_373 = math.exp %scan3A_331#5 : vector<16xf32>
      %add3A_374 = arith.constant 1.000000e+00 : f32
      %add3A_375 = vector.broadcast %add3A_374 : f32 to vector<16xf32>
      %add3A_376 = arith.addf %add3A_375, %exp3A_373 : vector<16xf32>
      %div3A_377 = arith.constant 1.000000e+00 : f32
      %div3A_378 = vector.broadcast %div3A_377 : f32 to vector<16xf32>
      %div3A_379 = arith.divf %div3A_378, %add3A_376 : vector<16xf32>
      %add3A_380 = arith.addf %add3A_372, %div3A_379 : vector<16xf32>
      %exp3A_381 = math.exp %scan3A_331#6 : vector<16xf32>
      %add3A_382 = arith.constant 1.000000e+00 : f32
      %add3A_383 = vector.broadcast %add3A_382 : f32 to vector<16xf32>
      %add3A_384 = arith.addf %add3A_383, %exp3A_381 : vector<16xf32>
      %div3A_385 = arith.constant 1.000000e+00 : f32
      %div3A_386 = vector.broadcast %div3A_385 : f32 to vector<16xf32>
      %div3A_387 = arith.divf %div3A_386, %add3A_384 : vector<16xf32>
      %add3A_388 = arith.addf %add3A_380, %div3A_387 : vector<16xf32>
      %scan3A_389 = arith.constant 0 : i32
      %scan3A_390 = arith.constant 128 : i32
      %scan3A_391 = arith.addi %scan3A_389, %scan3A_390 : i32
      %scan3A_392 = arith.constant 4 : i32
      %scan3A_393:7 = scf.for %scan3A_811 = %scan3A_389 to %scan3A_391 step %scan3A_392 iter_args(%scan3A_812 = %broadcast_in_dim3A_16, %scan3A_813 = %broadcast_in_dim3A_16, %scan3A_814 = %broadcast_in_dim3A_16, %scan3A_815 = %broadcast_in_dim3A_16, %scan3A_816 = %broadcast_in_dim3A_16, %scan3A_817 = %broadcast_in_dim3A_16, %scan3A_818 = %broadcast_in_dim3A_16) -> (vector<16xf32>, vector<16xf32>, vector<16xf32>, vector<16xf32>, vector<16xf32>, vector<16xf32>, vector<16xf32>)  : i32 {
        %add3A_819 = vector.broadcast %scan3A_811 : i32 to vector<16xi32>
        %add3A_820 = arith.addi %iota3A, %add3A_819 : vector<16xi32>
        %and3A = arith.constant 127 : i32
        %and3A_821 = vector.broadcast %and3A : i32 to vector<16xi32>
        %and3A_822 = arith.andi %add3A_820, %and3A_821 : vector<16xi32>
        %gather3A = tpu.vector_load_idx %arg11[%iota3A, %and3A_822] : memref<16x128xf32, #tpu.memory_space<vmem>>[vector<16xi32>, vector<16xi32>], vector<16xf32>,
        %gather3A_823 = tpu.vector_load_idx %arg13[%add3A_227, %and3A_822] : memref<320x128xf32, #tpu.memory_space<vmem>>[vector<16xi32>, vector<16xi32>], vector<16xf32>,
        %mul3A_824 = arith.mulf %gather3A, %gather3A_823 : vector<16xf32>
        %add3A_825 = arith.addf %scan3A_812, %mul3A_824 : vector<16xf32>
        %gather3A_826 = tpu.vector_load_idx %arg13[%add3A_233, %and3A_822] : memref<320x128xf32, #tpu.memory_space<vmem>>[vector<16xi32>, vector<16xi32>], vector<16xf32>,
        %mul3A_827 = arith.mulf %gather3A, %gather3A_826 : vector<16xf32>
        %add3A_828 = arith.addf %scan3A_813, %mul3A_827 : vector<16xf32>
        %gather3A_829 = tpu.vector_load_idx %arg13[%add3A_239, %and3A_822] : memref<320x128xf32, #tpu.memory_space<vmem>>[vector<16xi32>, vector<16xi32>], vector<16xf32>,
        %mul3A_830 = arith.mulf %gather3A, %gather3A_829 : vector<16xf32>
        %add3A_831 = arith.addf %scan3A_814, %mul3A_830 : vector<16xf32>
        %gather3A_832 = tpu.vector_load_idx %arg13[%add3A_245, %and3A_822] : memref<320x128xf32, #tpu.memory_space<vmem>>[vector<16xi32>, vector<16xi32>], vector<16xf32>,
        %mul3A_833 = arith.mulf %gather3A, %gather3A_832 : vector<16xf32>
        %add3A_834 = arith.addf %scan3A_815, %mul3A_833 : vector<16xf32>
        %gather3A_835 = tpu.vector_load_idx %arg13[%add3A_251, %and3A_822] : memref<320x128xf32, #tpu.memory_space<vmem>>[vector<16xi32>, vector<16xi32>], vector<16xf32>,
        %mul3A_836 = arith.mulf %gather3A, %gather3A_835 : vector<16xf32>
        %add3A_837 = arith.addf %scan3A_816, %mul3A_836 : vector<16xf32>
        %gather3A_838 = tpu.vector_load_idx %arg13[%add3A_257, %and3A_822] : memref<320x128xf32, #tpu.memory_space<vmem>>[vector<16xi32>, vector<16xi32>], vector<16xf32>,
        %mul3A_839 = arith.mulf %gather3A, %gather3A_838 : vector<16xf32>
        %add3A_840 = arith.addf %scan3A_817, %mul3A_839 : vector<16xf32>
        %gather3A_841 = tpu.vector_load_idx %arg13[%add3A_263, %and3A_822] : memref<320x128xf32, #tpu.memory_space<vmem>>[vector<16xi32>, vector<16xi32>], vector<16xf32>,
        %mul3A_842 = arith.mulf %gather3A, %gather3A_841 : vector<16xf32>
        %add3A_843 = arith.addf %scan3A_818, %mul3A_842 : vector<16xf32>
        %scan3A_844 = arith.constant 1 : i32
        %scan3A_845 = arith.addi %scan3A_811, %scan3A_844 : i32
        %add3A_846 = vector.broadcast %scan3A_845 : i32 to vector<16xi32>
        %add3A_847 = arith.addi %iota3A, %add3A_846 : vector<16xi32>
        %and3A_848 = arith.constant 127 : i32
        %and3A_849 = vector.broadcast %and3A_848 : i32 to vector<16xi32>
        %and3A_850 = arith.andi %add3A_847, %and3A_849 : vector<16xi32>
        %gather3A_851 = tpu.vector_load_idx %arg11[%iota3A, %and3A_850] : memref<16x128xf32, #tpu.memory_space<vmem>>[vector<16xi32>, vector<16xi32>], vector<16xf32>,
        %gather3A_852 = tpu.vector_load_idx %arg13[%add3A_227, %and3A_850] : memref<320x128xf32, #tpu.memory_space<vmem>>[vector<16xi32>, vector<16xi32>], vector<16xf32>,
        %mul3A_853 = arith.mulf %gather3A_851, %gather3A_852 : vector<16xf32>
        %add3A_854 = arith.addf %add3A_825, %mul3A_853 : vector<16xf32>
        %gather3A_855 = tpu.vector_load_idx %arg13[%add3A_233, %and3A_850] : memref<320x128xf32, #tpu.memory_space<vmem>>[vector<16xi32>, vector<16xi32>], vector<16xf32>,
        %mul3A_856 = arith.mulf %gather3A_851, %gather3A_855 : vector<16xf32>
        %add3A_857 = arith.addf %add3A_828, %mul3A_856 : vector<16xf32>
        %gather3A_858 = tpu.vector_load_idx %arg13[%add3A_239, %and3A_850] : memref<320x128xf32, #tpu.memory_space<vmem>>[vector<16xi32>, vector<16xi32>], vector<16xf32>,
        %mul3A_859 = arith.mulf %gather3A_851, %gather3A_858 : vector<16xf32>
        %add3A_860 = arith.addf %add3A_831, %mul3A_859 : vector<16xf32>
        %gather3A_861 = tpu.vector_load_idx %arg13[%add3A_245, %and3A_850] : memref<320x128xf32, #tpu.memory_space<vmem>>[vector<16xi32>, vector<16xi32>], vector<16xf32>,
        %mul3A_862 = arith.mulf %gather3A_851, %gather3A_861 : vector<16xf32>
        %add3A_863 = arith.addf %add3A_834, %mul3A_862 : vector<16xf32>
        %gather3A_864 = tpu.vector_load_idx %arg13[%add3A_251, %and3A_850] : memref<320x128xf32, #tpu.memory_space<vmem>>[vector<16xi32>, vector<16xi32>], vector<16xf32>,
        %mul3A_865 = arith.mulf %gather3A_851, %gather3A_864 : vector<16xf32>
        %add3A_866 = arith.addf %add3A_837, %mul3A_865 : vector<16xf32>
        %gather3A_867 = tpu.vector_load_idx %arg13[%add3A_257, %and3A_850] : memref<320x128xf32, #tpu.memory_space<vmem>>[vector<16xi32>, vector<16xi32>], vector<16xf32>,
        %mul3A_868 = arith.mulf %gather3A_851, %gather3A_867 : vector<16xf32>
        %add3A_869 = arith.addf %add3A_840, %mul3A_868 : vector<16xf32>
        %gather3A_870 = tpu.vector_load_idx %arg13[%add3A_263, %and3A_850] : memref<320x128xf32, #tpu.memory_space<vmem>>[vector<16xi32>, vector<16xi32>], vector<16xf32>,
        %mul3A_871 = arith.mulf %gather3A_851, %gather3A_870 : vector<16xf32>
        %add3A_872 = arith.addf %add3A_843, %mul3A_871 : vector<16xf32>
        %scan3A_873 = arith.constant 2 : i32
        %scan3A_874 = arith.addi %scan3A_811, %scan3A_873 : i32
        %add3A_875 = vector.broadcast %scan3A_874 : i32 to vector<16xi32>
        %add3A_876 = arith.addi %iota3A, %add3A_875 : vector<16xi32>
        %and3A_877 = arith.constant 127 : i32
        %and3A_878 = vector.broadcast %and3A_877 : i32 to vector<16xi32>
        %and3A_879 = arith.andi %add3A_876, %and3A_878 : vector<16xi32>
        %gather3A_880 = tpu.vector_load_idx %arg11[%iota3A, %and3A_879] : memref<16x128xf32, #tpu.memory_space<vmem>>[vector<16xi32>, vector<16xi32>], vector<16xf32>,
        %gather3A_881 = tpu.vector_load_idx %arg13[%add3A_227, %and3A_879] : memref<320x128xf32, #tpu.memory_space<vmem>>[vector<16xi32>, vector<16xi32>], vector<16xf32>,
        %mul3A_882 = arith.mulf %gather3A_880, %gather3A_881 : vector<16xf32>
        %add3A_883 = arith.addf %add3A_854, %mul3A_882 : vector<16xf32>
        %gather3A_884 = tpu.vector_load_idx %arg13[%add3A_233, %and3A_879] : memref<320x128xf32, #tpu.memory_space<vmem>>[vector<16xi32>, vector<16xi32>], vector<16xf32>,
        %mul3A_885 = arith.mulf %gather3A_880, %gather3A_884 : vector<16xf32>
        %add3A_886 = arith.addf %add3A_857, %mul3A_885 : vector<16xf32>
        %gather3A_887 = tpu.vector_load_idx %arg13[%add3A_239, %and3A_879] : memref<320x128xf32, #tpu.memory_space<vmem>>[vector<16xi32>, vector<16xi32>], vector<16xf32>,
        %mul3A_888 = arith.mulf %gather3A_880, %gather3A_887 : vector<16xf32>
        %add3A_889 = arith.addf %add3A_860, %mul3A_888 : vector<16xf32>
        %gather3A_890 = tpu.vector_load_idx %arg13[%add3A_245, %and3A_879] : memref<320x128xf32, #tpu.memory_space<vmem>>[vector<16xi32>, vector<16xi32>], vector<16xf32>,
        %mul3A_891 = arith.mulf %gather3A_880, %gather3A_890 : vector<16xf32>
        %add3A_892 = arith.addf %add3A_863, %mul3A_891 : vector<16xf32>
        %gather3A_893 = tpu.vector_load_idx %arg13[%add3A_251, %and3A_879] : memref<320x128xf32, #tpu.memory_space<vmem>>[vector<16xi32>, vector<16xi32>], vector<16xf32>,
        %mul3A_894 = arith.mulf %gather3A_880, %gather3A_893 : vector<16xf32>
        %add3A_895 = arith.addf %add3A_866, %mul3A_894 : vector<16xf32>
        %gather3A_896 = tpu.vector_load_idx %arg13[%add3A_257, %and3A_879] : memref<320x128xf32, #tpu.memory_space<vmem>>[vector<16xi32>, vector<16xi32>], vector<16xf32>,
        %mul3A_897 = arith.mulf %gather3A_880, %gather3A_896 : vector<16xf32>
        %add3A_898 = arith.addf %add3A_869, %mul3A_897 : vector<16xf32>
        %gather3A_899 = tpu.vector_load_idx %arg13[%add3A_263, %and3A_879] : memref<320x128xf32, #tpu.memory_space<vmem>>[vector<16xi32>, vector<16xi32>], vector<16xf32>,
        %mul3A_900 = arith.mulf %gather3A_880, %gather3A_899 : vector<16xf32>
        %add3A_901 = arith.addf %add3A_872, %mul3A_900 : vector<16xf32>
        %scan3A_902 = arith.constant 3 : i32
        %scan3A_903 = arith.addi %scan3A_811, %scan3A_902 : i32
        %add3A_904 = vector.broadcast %scan3A_903 : i32 to vector<16xi32>
        %add3A_905 = arith.addi %iota3A, %add3A_904 : vector<16xi32>
        %and3A_906 = arith.constant 127 : i32
        %and3A_907 = vector.broadcast %and3A_906 : i32 to vector<16xi32>
        %and3A_908 = arith.andi %add3A_905, %and3A_907 : vector<16xi32>
        %gather3A_909 = tpu.vector_load_idx %arg11[%iota3A, %and3A_908] : memref<16x128xf32, #tpu.memory_space<vmem>>[vector<16xi32>, vector<16xi32>], vector<16xf32>,
        %gather3A_910 = tpu.vector_load_idx %arg13[%add3A_227, %and3A_908] : memref<320x128xf32, #tpu.memory_space<vmem>>[vector<16xi32>, vector<16xi32>], vector<16xf32>,
        %mul3A_911 = arith.mulf %gather3A_909, %gather3A_910 : vector<16xf32>
        %add3A_912 = arith.addf %add3A_883, %mul3A_911 : vector<16xf32>
        %gather3A_913 = tpu.vector_load_idx %arg13[%add3A_233, %and3A_908] : memref<320x128xf32, #tpu.memory_space<vmem>>[vector<16xi32>, vector<16xi32>], vector<16xf32>,
        %mul3A_914 = arith.mulf %gather3A_909, %gather3A_913 : vector<16xf32>
        %add3A_915 = arith.addf %add3A_886, %mul3A_914 : vector<16xf32>
        %gather3A_916 = tpu.vector_load_idx %arg13[%add3A_239, %and3A_908] : memref<320x128xf32, #tpu.memory_space<vmem>>[vector<16xi32>, vector<16xi32>], vector<16xf32>,
        %mul3A_917 = arith.mulf %gather3A_909, %gather3A_916 : vector<16xf32>
        %add3A_918 = arith.addf %add3A_889, %mul3A_917 : vector<16xf32>
        %gather3A_919 = tpu.vector_load_idx %arg13[%add3A_245, %and3A_908] : memref<320x128xf32, #tpu.memory_space<vmem>>[vector<16xi32>, vector<16xi32>], vector<16xf32>,
        %mul3A_920 = arith.mulf %gather3A_909, %gather3A_919 : vector<16xf32>
        %add3A_921 = arith.addf %add3A_892, %mul3A_920 : vector<16xf32>
        %gather3A_922 = tpu.vector_load_idx %arg13[%add3A_251, %and3A_908] : memref<320x128xf32, #tpu.memory_space<vmem>>[vector<16xi32>, vector<16xi32>], vector<16xf32>,
        %mul3A_923 = arith.mulf %gather3A_909, %gather3A_922 : vector<16xf32>
        %add3A_924 = arith.addf %add3A_895, %mul3A_923 : vector<16xf32>
        %gather3A_925 = tpu.vector_load_idx %arg13[%add3A_257, %and3A_908] : memref<320x128xf32, #tpu.memory_space<vmem>>[vector<16xi32>, vector<16xi32>], vector<16xf32>,
        %mul3A_926 = arith.mulf %gather3A_909, %gather3A_925 : vector<16xf32>
        %add3A_927 = arith.addf %add3A_898, %mul3A_926 : vector<16xf32>
        %gather3A_928 = tpu.vector_load_idx %arg13[%add3A_263, %and3A_908] : memref<320x128xf32, #tpu.memory_space<vmem>>[vector<16xi32>, vector<16xi32>], vector<16xf32>,
        %mul3A_929 = arith.mulf %gather3A_909, %gather3A_928 : vector<16xf32>
        %add3A_930 = arith.addf %add3A_901, %mul3A_929 : vector<16xf32>
        scf.yield %add3A_912, %add3A_915, %add3A_918, %add3A_921, %add3A_924, %add3A_927, %add3A_930 : vector<16xf32>, vector<16xf32>, vector<16xf32>, vector<16xf32>, vector<16xf32>, vector<16xf32>, vector<16xf32>
      }
      %scan3A_394 = arith.constant 128 : i32
      %exp3A_395 = math.exp %scan3A_393#0 : vector<16xf32>
      %add3A_396 = arith.constant 1.000000e+00 : f32
      %add3A_397 = vector.broadcast %add3A_396 : f32 to vector<16xf32>
      %add3A_398 = arith.addf %add3A_397, %exp3A_395 : vector<16xf32>
      %div3A_399 = arith.constant 1.000000e+00 : f32
      %div3A_400 = vector.broadcast %div3A_399 : f32 to vector<16xf32>
      %div3A_401 = arith.divf %div3A_400, %add3A_398 : vector<16xf32>
      %add3A_402 = arith.addf %add3A_388, %div3A_401 : vector<16xf32>
      %exp3A_403 = math.exp %scan3A_393#1 : vector<16xf32>
      %add3A_404 = arith.constant 1.000000e+00 : f32
      %add3A_405 = vector.broadcast %add3A_404 : f32 to vector<16xf32>
      %add3A_406 = arith.addf %add3A_405, %exp3A_403 : vector<16xf32>
      %div3A_407 = arith.constant 1.000000e+00 : f32
      %div3A_408 = vector.broadcast %div3A_407 : f32 to vector<16xf32>
      %div3A_409 = arith.divf %div3A_408, %add3A_406 : vector<16xf32>
      %add3A_410 = arith.addf %add3A_402, %div3A_409 : vector<16xf32>
      %exp3A_411 = math.exp %scan3A_393#2 : vector<16xf32>
      %add3A_412 = arith.constant 1.000000e+00 : f32
      %add3A_413 = vector.broadcast %add3A_412 : f32 to vector<16xf32>
      %add3A_414 = arith.addf %add3A_413, %exp3A_411 : vector<16xf32>
      %div3A_415 = arith.constant 1.000000e+00 : f32
      %div3A_416 = vector.broadcast %div3A_415 : f32 to vector<16xf32>
      %div3A_417 = arith.divf %div3A_416, %add3A_414 : vector<16xf32>
      %add3A_418 = arith.addf %add3A_410, %div3A_417 : vector<16xf32>
      %exp3A_419 = math.exp %scan3A_393#3 : vector<16xf32>
      %add3A_420 = arith.constant 1.000000e+00 : f32
      %add3A_421 = vector.broadcast %add3A_420 : f32 to vector<16xf32>
      %add3A_422 = arith.addf %add3A_421, %exp3A_419 : vector<16xf32>
      %div3A_423 = arith.constant 1.000000e+00 : f32
      %div3A_424 = vector.broadcast %div3A_423 : f32 to vector<16xf32>
      %div3A_425 = arith.divf %div3A_424, %add3A_422 : vector<16xf32>
      %add3A_426 = arith.addf %add3A_418, %div3A_425 : vector<16xf32>
      %exp3A_427 = math.exp %scan3A_393#4 : vector<16xf32>
      %add3A_428 = arith.constant 1.000000e+00 : f32
      %add3A_429 = vector.broadcast %add3A_428 : f32 to vector<16xf32>
      %add3A_430 = arith.addf %add3A_429, %exp3A_427 : vector<16xf32>
      %div3A_431 = arith.constant 1.000000e+00 : f32
      %div3A_432 = vector.broadcast %div3A_431 : f32 to vector<16xf32>
      %div3A_433 = arith.divf %div3A_432, %add3A_430 : vector<16xf32>
      %add3A_434 = arith.addf %add3A_426, %div3A_433 : vector<16xf32>
      %exp3A_435 = math.exp %scan3A_393#5 : vector<16xf32>
      %add3A_436 = arith.constant 1.000000e+00 : f32
      %add3A_437 = vector.broadcast %add3A_436 : f32 to vector<16xf32>
      %add3A_438 = arith.addf %add3A_437, %exp3A_435 : vector<16xf32>
      %div3A_439 = arith.constant 1.000000e+00 : f32
      %div3A_440 = vector.broadcast %div3A_439 : f32 to vector<16xf32>
      %div3A_441 = arith.divf %div3A_440, %add3A_438 : vector<16xf32>
      %add3A_442 = arith.addf %add3A_434, %div3A_441 : vector<16xf32>
      %exp3A_443 = math.exp %scan3A_393#6 : vector<16xf32>
      %add3A_444 = arith.constant 1.000000e+00 : f32
      %add3A_445 = vector.broadcast %add3A_444 : f32 to vector<16xf32>
      %add3A_446 = arith.addf %add3A_445, %exp3A_443 : vector<16xf32>
      %div3A_447 = arith.constant 1.000000e+00 : f32
      %div3A_448 = vector.broadcast %div3A_447 : f32 to vector<16xf32>
      %div3A_449 = arith.divf %div3A_448, %add3A_446 : vector<16xf32>
      %add3A_450 = arith.addf %add3A_442, %div3A_449 : vector<16xf32>
      %swap3A_451 = arith.constant 0 : index
      %swap3A_452 = tpu.vector_load %arg17[%swap3A_451] {strides = array<i32>} : memref<16xf32, #tpu.memory_space<vmem>>, vector<16xf32>,
      tpu.vector_store %arg17[%swap3A_451], %add3A_450 {strides = array<i32>} : memref<16xf32, #tpu.memory_space<vmem>>, vector<16xf32>,
      %add3A_453 = arith.constant 2 : i32
      %add3A_454 = arith.addi %add3A_63, %add3A_453 : i32
      %lt3A = arith.constant 32 : i32
      %lt3A_455 = arith.cmpi slt, %add3A_454, %lt3A : i32
      %convert_element_type3A = arith.extui %lt3A_455 : i1 to i32
      %cond3A = arith.constant 0 : i32
      %cond3A_456 = arith.cmpi ne, %convert_element_type3A, %cond3A : i32
      scf.if %cond3A_456 {
        %add3A_811 = arith.constant 2 : i32
        %add3A_812 = arith.addi %add3A_63, %add3A_811 : i32
        %mul3A_813 = arith.constant 16 : i32
        %mul3A_814 = arith.muli %add3A_812, %mul3A_813 : i32
        %multiple_of3A_815 = tpu.assume_multiple %mul3A_814, 16 : i32
        %mul3A_816 = arith.constant 320 : i32
        %mul3A_817 = arith.muli %add3A_812, %mul3A_816 : i32
        %multiple_of3A_818 = tpu.assume_multiple %mul3A_817, 320 : i32
        %add3A_819 = arith.constant 128 : i32
        %add3A_820 = arith.addi %multiple_of3A_818, %add3A_819 : i32
        %add3A_821 = arith.constant 256 : i32
        %add3A_822 = arith.addi %multiple_of3A_818, %add3A_821 : i32
        %dma_start3A_823 = tpu.memref_slice %arg8[%multiple_of3A_815] : memref<512xi32, #tpu.memory_space<vmem>> -> memref<16xi32, #tpu.memory_space<vmem>>
        %dma_start3A_824 = arith.constant 0 : i32
        %dma_start3A_825 = arith.constant 0 : i32
        %dma_start3A_826 = tpu.memref_slice %arg2[%dma_start3A_824, %dma_start3A_825] : memref<100000x128xf32, #tpu.memory_space<hbm>> -> memref<100000x128xf32, #tpu.memory_space<hbm>>
        tpu.enqueue_indirect_dma source(%dma_start3A_826 : memref<100000x128xf32, #tpu.memory_space<hbm>>) target(%arg11 : memref<16x128xf32, #tpu.memory_space<vmem>>) offsets(%dma_start3A_823 : memref<16xi32, #tpu.memory_space<vmem>>) semaphore(%arg18 : memref<!tpu.dma_semaphore, #tpu.memory_space<semaphore_mem>>)
        %dma_start3A_827 = tpu.memref_slice %arg9[%multiple_of3A_815] : memref<512xi32, #tpu.memory_space<vmem>> -> memref<16xi32, #tpu.memory_space<vmem>>
        %dma_start3A_828 = arith.constant 0 : i32
        %dma_start3A_829 = arith.constant 0 : i32
        %dma_start3A_830 = tpu.memref_slice %arg3[%dma_start3A_828, %dma_start3A_829] : memref<100000x128xf32, #tpu.memory_space<hbm>> -> memref<100000x128xf32, #tpu.memory_space<hbm>>
        tpu.enqueue_indirect_dma source(%dma_start3A_830 : memref<100000x128xf32, #tpu.memory_space<hbm>>) target(%arg12 : memref<16x128xf32, #tpu.memory_space<vmem>>) offsets(%dma_start3A_827 : memref<16xi32, #tpu.memory_space<vmem>>) semaphore(%arg18 : memref<!tpu.dma_semaphore, #tpu.memory_space<semaphore_mem>>)
        %dma_start3A_831 = arith.constant 0 : i32
        %dma_start3A_832 = arith.constant 0 : i32
        %dma_start3A_833 = tpu.memref_slice %arg13[%dma_start3A_831, %dma_start3A_832] : memref<320x128xf32, #tpu.memory_space<vmem>> -> memref<128x128xf32, #tpu.memory_space<vmem>>
        %dma_start3A_834 = tpu.memref_slice %arg10[%multiple_of3A_818] : memref<10240xi32, #tpu.memory_space<vmem>> -> memref<128xi32, #tpu.memory_space<vmem>>
        %dma_start3A_835 = arith.constant 0 : i32
        %dma_start3A_836 = arith.constant 0 : i32
        %dma_start3A_837 = tpu.memref_slice %arg3[%dma_start3A_835, %dma_start3A_836] : memref<100000x128xf32, #tpu.memory_space<hbm>> -> memref<100000x128xf32, #tpu.memory_space<hbm>>
        tpu.enqueue_indirect_dma source(%dma_start3A_837 : memref<100000x128xf32, #tpu.memory_space<hbm>>) target(%dma_start3A_833 : memref<128x128xf32, #tpu.memory_space<vmem>>) offsets(%dma_start3A_834 : memref<128xi32, #tpu.memory_space<vmem>>) semaphore(%arg18 : memref<!tpu.dma_semaphore, #tpu.memory_space<semaphore_mem>>)
        %dma_start3A_838 = arith.constant 128 : i32
        %dma_start3A_839 = arith.constant 0 : i32
        %dma_start3A_840 = tpu.memref_slice %arg13[%dma_start3A_838, %dma_start3A_839] : memref<320x128xf32, #tpu.memory_space<vmem>> -> memref<128x128xf32, #tpu.memory_space<vmem>>
        %dma_start3A_841 = tpu.memref_slice %arg10[%add3A_820] : memref<10240xi32, #tpu.memory_space<vmem>> -> memref<128xi32, #tpu.memory_space<vmem>>
        %dma_start3A_842 = arith.constant 0 : i32
        %dma_start3A_843 = arith.constant 0 : i32
        %dma_start3A_844 = tpu.memref_slice %arg3[%dma_start3A_842, %dma_start3A_843] : memref<100000x128xf32, #tpu.memory_space<hbm>> -> memref<100000x128xf32, #tpu.memory_space<hbm>>
        tpu.enqueue_indirect_dma source(%dma_start3A_844 : memref<100000x128xf32, #tpu.memory_space<hbm>>) target(%dma_start3A_840 : memref<128x128xf32, #tpu.memory_space<vmem>>) offsets(%dma_start3A_841 : memref<128xi32, #tpu.memory_space<vmem>>) semaphore(%arg18 : memref<!tpu.dma_semaphore, #tpu.memory_space<semaphore_mem>>)
        %dma_start3A_845 = arith.constant 256 : i32
        %dma_start3A_846 = arith.constant 0 : i32
        %dma_start3A_847 = tpu.memref_slice %arg13[%dma_start3A_845, %dma_start3A_846] : memref<320x128xf32, #tpu.memory_space<vmem>> -> memref<64x128xf32, #tpu.memory_space<vmem>>
        %dma_start3A_848 = tpu.memref_slice %arg10[%add3A_822] : memref<10240xi32, #tpu.memory_space<vmem>> -> memref<64xi32, #tpu.memory_space<vmem>>
        %dma_start3A_849 = arith.constant 0 : i32
        %dma_start3A_850 = arith.constant 0 : i32
        %dma_start3A_851 = tpu.memref_slice %arg3[%dma_start3A_849, %dma_start3A_850] : memref<100000x128xf32, #tpu.memory_space<hbm>> -> memref<100000x128xf32, #tpu.memory_space<hbm>>
        tpu.enqueue_indirect_dma source(%dma_start3A_851 : memref<100000x128xf32, #tpu.memory_space<hbm>>) target(%dma_start3A_847 : memref<64x128xf32, #tpu.memory_space<vmem>>) offsets(%dma_start3A_848 : memref<64xi32, #tpu.memory_space<vmem>>) semaphore(%arg18 : memref<!tpu.dma_semaphore, #tpu.memory_space<semaphore_mem>>)
      } else {
      }
      %add3A_457 = arith.constant 1 : i32
      %add3A_458 = arith.addi %add3A_63, %add3A_457 : i32
      %mul3A_459 = arith.constant 16 : i32
      %mul3A_460 = arith.muli %add3A_458, %mul3A_459 : i32
      %multiple_of3A_461 = tpu.assume_multiple %mul3A_460, 16 : i32
      %mul3A_462 = arith.constant 320 : i32
      %mul3A_463 = arith.muli %add3A_458, %mul3A_462 : i32
      %multiple_of3A_464 = tpu.assume_multiple %mul3A_463, 320 : i32
      %add3A_465 = arith.constant 128 : i32
      %add3A_466 = arith.addi %multiple_of3A_464, %add3A_465 : i32
      %add3A_467 = arith.constant 256 : i32
      %add3A_468 = arith.addi %multiple_of3A_464, %add3A_467 : i32
      %dma_wait3A_469 = tpu.memref_slice %arg8[%multiple_of3A_461] : memref<512xi32, #tpu.memory_space<vmem>> -> memref<16xi32, #tpu.memory_space<vmem>>
      %dma_wait3A_470 = arith.constant 0 : i32
      %dma_wait3A_471 = arith.constant 0 : i32
      %dma_wait3A_472 = tpu.memref_slice %arg2[%dma_wait3A_470, %dma_wait3A_471] : memref<100000x128xf32, #tpu.memory_space<hbm>> -> memref<100000x128xf32, #tpu.memory_space<hbm>>
      tpu.wait_indirect_dma semaphore(%arg19 : memref<!tpu.dma_semaphore, #tpu.memory_space<semaphore_mem>>) src(%dma_wait3A_472 : memref<100000x128xf32, #tpu.memory_space<hbm>>) dst(%arg14 : memref<16x128xf32, #tpu.memory_space<vmem>>)
      %dma_wait3A_473 = tpu.memref_slice %arg9[%multiple_of3A_461] : memref<512xi32, #tpu.memory_space<vmem>> -> memref<16xi32, #tpu.memory_space<vmem>>
      %dma_wait3A_474 = arith.constant 0 : i32
      %dma_wait3A_475 = arith.constant 0 : i32
      %dma_wait3A_476 = tpu.memref_slice %arg3[%dma_wait3A_474, %dma_wait3A_475] : memref<100000x128xf32, #tpu.memory_space<hbm>> -> memref<100000x128xf32, #tpu.memory_space<hbm>>
      tpu.wait_indirect_dma semaphore(%arg19 : memref<!tpu.dma_semaphore, #tpu.memory_space<semaphore_mem>>) src(%dma_wait3A_476 : memref<100000x128xf32, #tpu.memory_space<hbm>>) dst(%arg15 : memref<16x128xf32, #tpu.memory_space<vmem>>)
      %dma_wait3A_477 = arith.constant 0 : i32
      %dma_wait3A_478 = arith.constant 0 : i32
      %dma_wait3A_479 = tpu.memref_slice %arg16[%dma_wait3A_477, %dma_wait3A_478] : memref<320x128xf32, #tpu.memory_space<vmem>> -> memref<128x128xf32, #tpu.memory_space<vmem>>
      %dma_wait3A_480 = tpu.memref_slice %arg10[%multiple_of3A_464] : memref<10240xi32, #tpu.memory_space<vmem>> -> memref<128xi32, #tpu.memory_space<vmem>>
      %dma_wait3A_481 = arith.constant 0 : i32
      %dma_wait3A_482 = arith.constant 0 : i32
      %dma_wait3A_483 = tpu.memref_slice %arg3[%dma_wait3A_481, %dma_wait3A_482] : memref<100000x128xf32, #tpu.memory_space<hbm>> -> memref<100000x128xf32, #tpu.memory_space<hbm>>
      tpu.wait_indirect_dma semaphore(%arg19 : memref<!tpu.dma_semaphore, #tpu.memory_space<semaphore_mem>>) src(%dma_wait3A_483 : memref<100000x128xf32, #tpu.memory_space<hbm>>) dst(%dma_wait3A_479 : memref<128x128xf32, #tpu.memory_space<vmem>>)
      %dma_wait3A_484 = arith.constant 128 : i32
      %dma_wait3A_485 = arith.constant 0 : i32
      %dma_wait3A_486 = tpu.memref_slice %arg16[%dma_wait3A_484, %dma_wait3A_485] : memref<320x128xf32, #tpu.memory_space<vmem>> -> memref<128x128xf32, #tpu.memory_space<vmem>>
      %dma_wait3A_487 = tpu.memref_slice %arg10[%add3A_466] : memref<10240xi32, #tpu.memory_space<vmem>> -> memref<128xi32, #tpu.memory_space<vmem>>
      %dma_wait3A_488 = arith.constant 0 : i32
      %dma_wait3A_489 = arith.constant 0 : i32
      %dma_wait3A_490 = tpu.memref_slice %arg3[%dma_wait3A_488, %dma_wait3A_489] : memref<100000x128xf32, #tpu.memory_space<hbm>> -> memref<100000x128xf32, #tpu.memory_space<hbm>>
      tpu.wait_indirect_dma semaphore(%arg19 : memref<!tpu.dma_semaphore, #tpu.memory_space<semaphore_mem>>) src(%dma_wait3A_490 : memref<100000x128xf32, #tpu.memory_space<hbm>>) dst(%dma_wait3A_486 : memref<128x128xf32, #tpu.memory_space<vmem>>)
      %dma_wait3A_491 = arith.constant 256 : i32
      %dma_wait3A_492 = arith.constant 0 : i32
      %dma_wait3A_493 = tpu.memref_slice %arg16[%dma_wait3A_491, %dma_wait3A_492] : memref<320x128xf32, #tpu.memory_space<vmem>> -> memref<64x128xf32, #tpu.memory_space<vmem>>
      %dma_wait3A_494 = tpu.memref_slice %arg10[%add3A_468] : memref<10240xi32, #tpu.memory_space<vmem>> -> memref<64xi32, #tpu.memory_space<vmem>>
      %dma_wait3A_495 = arith.constant 0 : i32
      %dma_wait3A_496 = arith.constant 0 : i32
      %dma_wait3A_497 = tpu.memref_slice %arg3[%dma_wait3A_495, %dma_wait3A_496] : memref<100000x128xf32, #tpu.memory_space<hbm>> -> memref<100000x128xf32, #tpu.memory_space<hbm>>
      tpu.wait_indirect_dma semaphore(%arg19 : memref<!tpu.dma_semaphore, #tpu.memory_space<semaphore_mem>>) src(%dma_wait3A_497 : memref<100000x128xf32, #tpu.memory_space<hbm>>) dst(%dma_wait3A_493 : memref<64x128xf32, #tpu.memory_space<vmem>>)
      %mul3A_498 = arith.constant 20 : i32
      %mul3A_499 = vector.broadcast %mul3A_498 : i32 to vector<16xi32>
      %mul3A_500 = arith.muli %iota3A, %mul3A_499 : vector<16xi32>
      %add3A_501 = arith.constant 0 : i32
      %add3A_502 = vector.broadcast %add3A_501 : i32 to vector<16xi32>
      %add3A_503 = arith.addi %mul3A_500, %add3A_502 : vector<16xi32>
      %mul3A_504 = arith.constant 20 : i32
      %mul3A_505 = vector.broadcast %mul3A_504 : i32 to vector<16xi32>
      %mul3A_506 = arith.muli %iota3A, %mul3A_505 : vector<16xi32>
      %add3A_507 = arith.constant 1 : i32
      %add3A_508 = vector.broadcast %add3A_507 : i32 to vector<16xi32>
      %add3A_509 = arith.addi %mul3A_506, %add3A_508 : vector<16xi32>
      %mul3A_510 = arith.constant 20 : i32
      %mul3A_511 = vector.broadcast %mul3A_510 : i32 to vector<16xi32>
      %mul3A_512 = arith.muli %iota3A, %mul3A_511 : vector<16xi32>
      %add3A_513 = arith.constant 2 : i32
      %add3A_514 = vector.broadcast %add3A_513 : i32 to vector<16xi32>
      %add3A_515 = arith.addi %mul3A_512, %add3A_514 : vector<16xi32>
      %mul3A_516 = arith.constant 20 : i32
      %mul3A_517 = vector.broadcast %mul3A_516 : i32 to vector<16xi32>
      %mul3A_518 = arith.muli %iota3A, %mul3A_517 : vector<16xi32>
      %add3A_519 = arith.constant 3 : i32
      %add3A_520 = vector.broadcast %add3A_519 : i32 to vector<16xi32>
      %add3A_521 = arith.addi %mul3A_518, %add3A_520 : vector<16xi32>
      %mul3A_522 = arith.constant 20 : i32
      %mul3A_523 = vector.broadcast %mul3A_522 : i32 to vector<16xi32>
      %mul3A_524 = arith.muli %iota3A, %mul3A_523 : vector<16xi32>
      %add3A_525 = arith.constant 4 : i32
      %add3A_526 = vector.broadcast %add3A_525 : i32 to vector<16xi32>
      %add3A_527 = arith.addi %mul3A_524, %add3A_526 : vector<16xi32>
      %mul3A_528 = arith.constant 20 : i32
      %mul3A_529 = vector.broadcast %mul3A_528 : i32 to vector<16xi32>
      %mul3A_530 = arith.muli %iota3A, %mul3A_529 : vector<16xi32>
      %add3A_531 = arith.constant 5 : i32
      %add3A_532 = vector.broadcast %add3A_531 : i32 to vector<16xi32>
      %add3A_533 = arith.addi %mul3A_530, %add3A_532 : vector<16xi32>
      %mul3A_534 = arith.constant 20 : i32
      %mul3A_535 = vector.broadcast %mul3A_534 : i32 to vector<16xi32>
      %mul3A_536 = arith.muli %iota3A, %mul3A_535 : vector<16xi32>
      %add3A_537 = arith.constant 6 : i32
      %add3A_538 = vector.broadcast %add3A_537 : i32 to vector<16xi32>
      %add3A_539 = arith.addi %mul3A_536, %add3A_538 : vector<16xi32>
      %mul3A_540 = arith.constant 20 : i32
      %mul3A_541 = vector.broadcast %mul3A_540 : i32 to vector<16xi32>
      %mul3A_542 = arith.muli %iota3A, %mul3A_541 : vector<16xi32>
      %add3A_543 = arith.constant 7 : i32
      %add3A_544 = vector.broadcast %add3A_543 : i32 to vector<16xi32>
      %add3A_545 = arith.addi %mul3A_542, %add3A_544 : vector<16xi32>
      %mul3A_546 = arith.constant 20 : i32
      %mul3A_547 = vector.broadcast %mul3A_546 : i32 to vector<16xi32>
      %mul3A_548 = arith.muli %iota3A, %mul3A_547 : vector<16xi32>
      %add3A_549 = arith.constant 8 : i32
      %add3A_550 = vector.broadcast %add3A_549 : i32 to vector<16xi32>
      %add3A_551 = arith.addi %mul3A_548, %add3A_550 : vector<16xi32>
      %mul3A_552 = arith.constant 20 : i32
      %mul3A_553 = vector.broadcast %mul3A_552 : i32 to vector<16xi32>
      %mul3A_554 = arith.muli %iota3A, %mul3A_553 : vector<16xi32>
      %add3A_555 = arith.constant 9 : i32
      %add3A_556 = vector.broadcast %add3A_555 : i32 to vector<16xi32>
      %add3A_557 = arith.addi %mul3A_554, %add3A_556 : vector<16xi32>
      %mul3A_558 = arith.constant 20 : i32
      %mul3A_559 = vector.broadcast %mul3A_558 : i32 to vector<16xi32>
      %mul3A_560 = arith.muli %iota3A, %mul3A_559 : vector<16xi32>
      %add3A_561 = arith.constant 10 : i32
      %add3A_562 = vector.broadcast %add3A_561 : i32 to vector<16xi32>
      %add3A_563 = arith.addi %mul3A_560, %add3A_562 : vector<16xi32>
      %mul3A_564 = arith.constant 20 : i32
      %mul3A_565 = vector.broadcast %mul3A_564 : i32 to vector<16xi32>
      %mul3A_566 = arith.muli %iota3A, %mul3A_565 : vector<16xi32>
      %add3A_567 = arith.constant 11 : i32
      %add3A_568 = vector.broadcast %add3A_567 : i32 to vector<16xi32>
      %add3A_569 = arith.addi %mul3A_566, %add3A_568 : vector<16xi32>
      %mul3A_570 = arith.constant 20 : i32
      %mul3A_571 = vector.broadcast %mul3A_570 : i32 to vector<16xi32>
      %mul3A_572 = arith.muli %iota3A, %mul3A_571 : vector<16xi32>
      %add3A_573 = arith.constant 12 : i32
      %add3A_574 = vector.broadcast %add3A_573 : i32 to vector<16xi32>
      %add3A_575 = arith.addi %mul3A_572, %add3A_574 : vector<16xi32>
      %mul3A_576 = arith.constant 20 : i32
      %mul3A_577 = vector.broadcast %mul3A_576 : i32 to vector<16xi32>
      %mul3A_578 = arith.muli %iota3A, %mul3A_577 : vector<16xi32>
      %add3A_579 = arith.constant 13 : i32
      %add3A_580 = vector.broadcast %add3A_579 : i32 to vector<16xi32>
      %add3A_581 = arith.addi %mul3A_578, %add3A_580 : vector<16xi32>
      %mul3A_582 = arith.constant 20 : i32
      %mul3A_583 = vector.broadcast %mul3A_582 : i32 to vector<16xi32>
      %mul3A_584 = arith.muli %iota3A, %mul3A_583 : vector<16xi32>
      %add3A_585 = arith.constant 14 : i32
      %add3A_586 = vector.broadcast %add3A_585 : i32 to vector<16xi32>
      %add3A_587 = arith.addi %mul3A_584, %add3A_586 : vector<16xi32>
      %mul3A_588 = arith.constant 20 : i32
      %mul3A_589 = vector.broadcast %mul3A_588 : i32 to vector<16xi32>
      %mul3A_590 = arith.muli %iota3A, %mul3A_589 : vector<16xi32>
      %add3A_591 = arith.constant 15 : i32
      %add3A_592 = vector.broadcast %add3A_591 : i32 to vector<16xi32>
      %add3A_593 = arith.addi %mul3A_590, %add3A_592 : vector<16xi32>
      %mul3A_594 = arith.constant 20 : i32
      %mul3A_595 = vector.broadcast %mul3A_594 : i32 to vector<16xi32>
      %mul3A_596 = arith.muli %iota3A, %mul3A_595 : vector<16xi32>
      %add3A_597 = arith.constant 16 : i32
      %add3A_598 = vector.broadcast %add3A_597 : i32 to vector<16xi32>
      %add3A_599 = arith.addi %mul3A_596, %add3A_598 : vector<16xi32>
      %mul3A_600 = arith.constant 20 : i32
      %mul3A_601 = vector.broadcast %mul3A_600 : i32 to vector<16xi32>
      %mul3A_602 = arith.muli %iota3A, %mul3A_601 : vector<16xi32>
      %add3A_603 = arith.constant 17 : i32
      %add3A_604 = vector.broadcast %add3A_603 : i32 to vector<16xi32>
      %add3A_605 = arith.addi %mul3A_602, %add3A_604 : vector<16xi32>
      %mul3A_606 = arith.constant 20 : i32
      %mul3A_607 = vector.broadcast %mul3A_606 : i32 to vector<16xi32>
      %mul3A_608 = arith.muli %iota3A, %mul3A_607 : vector<16xi32>
      %add3A_609 = arith.constant 18 : i32
      %add3A_610 = vector.broadcast %add3A_609 : i32 to vector<16xi32>
      %add3A_611 = arith.addi %mul3A_608, %add3A_610 : vector<16xi32>
      %mul3A_612 = arith.constant 20 : i32
      %mul3A_613 = vector.broadcast %mul3A_612 : i32 to vector<16xi32>
      %mul3A_614 = arith.muli %iota3A, %mul3A_613 : vector<16xi32>
      %add3A_615 = arith.constant 19 : i32
      %add3A_616 = vector.broadcast %add3A_615 : i32 to vector<16xi32>
      %add3A_617 = arith.addi %mul3A_614, %add3A_616 : vector<16xi32>
      %get3A_618 = arith.constant 0 : index
      %get3A_619 = tpu.vector_load %arg17[%get3A_618] {strides = array<i32>} : memref<16xf32, #tpu.memory_space<vmem>>, vector<16xf32>,
      %scan3A_620 = arith.constant 0 : i32
      %scan3A_621 = arith.constant 128 : i32
      %scan3A_622 = arith.addi %scan3A_620, %scan3A_621 : i32
      %scan3A_623 = arith.constant 4 : i32
      %scan3A_624:7 = scf.for %scan3A_811 = %scan3A_620 to %scan3A_622 step %scan3A_623 iter_args(%scan3A_812 = %broadcast_in_dim3A_16, %scan3A_813 = %broadcast_in_dim3A_16, %scan3A_814 = %broadcast_in_dim3A_16, %scan3A_815 = %broadcast_in_dim3A_16, %scan3A_816 = %broadcast_in_dim3A_16, %scan3A_817 = %broadcast_in_dim3A_16, %scan3A_818 = %broadcast_in_dim3A_16) -> (vector<16xf32>, vector<16xf32>, vector<16xf32>, vector<16xf32>, vector<16xf32>, vector<16xf32>, vector<16xf32>)  : i32 {
        %add3A_819 = vector.broadcast %scan3A_811 : i32 to vector<16xi32>
        %add3A_820 = arith.addi %iota3A, %add3A_819 : vector<16xi32>
        %and3A = arith.constant 127 : i32
        %and3A_821 = vector.broadcast %and3A : i32 to vector<16xi32>
        %and3A_822 = arith.andi %add3A_820, %and3A_821 : vector<16xi32>
        %gather3A = tpu.vector_load_idx %arg14[%iota3A, %and3A_822] : memref<16x128xf32, #tpu.memory_space<vmem>>[vector<16xi32>, vector<16xi32>], vector<16xf32>,
        %gather3A_823 = tpu.vector_load_idx %arg15[%iota3A, %and3A_822] : memref<16x128xf32, #tpu.memory_space<vmem>>[vector<16xi32>, vector<16xi32>], vector<16xf32>,
        %mul3A_824 = arith.mulf %gather3A, %gather3A_823 : vector<16xf32>
        %add3A_825 = arith.addf %scan3A_812, %mul3A_824 : vector<16xf32>
        %gather3A_826 = tpu.vector_load_idx %arg16[%add3A_503, %and3A_822] : memref<320x128xf32, #tpu.memory_space<vmem>>[vector<16xi32>, vector<16xi32>], vector<16xf32>,
        %mul3A_827 = arith.mulf %gather3A, %gather3A_826 : vector<16xf32>
        %add3A_828 = arith.addf %scan3A_813, %mul3A_827 : vector<16xf32>
        %gather3A_829 = tpu.vector_load_idx %arg16[%add3A_509, %and3A_822] : memref<320x128xf32, #tpu.memory_space<vmem>>[vector<16xi32>, vector<16xi32>], vector<16xf32>,
        %mul3A_830 = arith.mulf %gather3A, %gather3A_829 : vector<16xf32>
        %add3A_831 = arith.addf %scan3A_814, %mul3A_830 : vector<16xf32>
        %gather3A_832 = tpu.vector_load_idx %arg16[%add3A_515, %and3A_822] : memref<320x128xf32, #tpu.memory_space<vmem>>[vector<16xi32>, vector<16xi32>], vector<16xf32>,
        %mul3A_833 = arith.mulf %gather3A, %gather3A_832 : vector<16xf32>
        %add3A_834 = arith.addf %scan3A_815, %mul3A_833 : vector<16xf32>
        %gather3A_835 = tpu.vector_load_idx %arg16[%add3A_521, %and3A_822] : memref<320x128xf32, #tpu.memory_space<vmem>>[vector<16xi32>, vector<16xi32>], vector<16xf32>,
        %mul3A_836 = arith.mulf %gather3A, %gather3A_835 : vector<16xf32>
        %add3A_837 = arith.addf %scan3A_816, %mul3A_836 : vector<16xf32>
        %gather3A_838 = tpu.vector_load_idx %arg16[%add3A_527, %and3A_822] : memref<320x128xf32, #tpu.memory_space<vmem>>[vector<16xi32>, vector<16xi32>], vector<16xf32>,
        %mul3A_839 = arith.mulf %gather3A, %gather3A_838 : vector<16xf32>
        %add3A_840 = arith.addf %scan3A_817, %mul3A_839 : vector<16xf32>
        %gather3A_841 = tpu.vector_load_idx %arg16[%add3A_533, %and3A_822] : memref<320x128xf32, #tpu.memory_space<vmem>>[vector<16xi32>, vector<16xi32>], vector<16xf32>,
        %mul3A_842 = arith.mulf %gather3A, %gather3A_841 : vector<16xf32>
        %add3A_843 = arith.addf %scan3A_818, %mul3A_842 : vector<16xf32>
        %scan3A_844 = arith.constant 1 : i32
        %scan3A_845 = arith.addi %scan3A_811, %scan3A_844 : i32
        %add3A_846 = vector.broadcast %scan3A_845 : i32 to vector<16xi32>
        %add3A_847 = arith.addi %iota3A, %add3A_846 : vector<16xi32>
        %and3A_848 = arith.constant 127 : i32
        %and3A_849 = vector.broadcast %and3A_848 : i32 to vector<16xi32>
        %and3A_850 = arith.andi %add3A_847, %and3A_849 : vector<16xi32>
        %gather3A_851 = tpu.vector_load_idx %arg14[%iota3A, %and3A_850] : memref<16x128xf32, #tpu.memory_space<vmem>>[vector<16xi32>, vector<16xi32>], vector<16xf32>,
        %gather3A_852 = tpu.vector_load_idx %arg15[%iota3A, %and3A_850] : memref<16x128xf32, #tpu.memory_space<vmem>>[vector<16xi32>, vector<16xi32>], vector<16xf32>,
        %mul3A_853 = arith.mulf %gather3A_851, %gather3A_852 : vector<16xf32>
        %add3A_854 = arith.addf %add3A_825, %mul3A_853 : vector<16xf32>
        %gather3A_855 = tpu.vector_load_idx %arg16[%add3A_503, %and3A_850] : memref<320x128xf32, #tpu.memory_space<vmem>>[vector<16xi32>, vector<16xi32>], vector<16xf32>,
        %mul3A_856 = arith.mulf %gather3A_851, %gather3A_855 : vector<16xf32>
        %add3A_857 = arith.addf %add3A_828, %mul3A_856 : vector<16xf32>
        %gather3A_858 = tpu.vector_load_idx %arg16[%add3A_509, %and3A_850] : memref<320x128xf32, #tpu.memory_space<vmem>>[vector<16xi32>, vector<16xi32>], vector<16xf32>,
        %mul3A_859 = arith.mulf %gather3A_851, %gather3A_858 : vector<16xf32>
        %add3A_860 = arith.addf %add3A_831, %mul3A_859 : vector<16xf32>
        %gather3A_861 = tpu.vector_load_idx %arg16[%add3A_515, %and3A_850] : memref<320x128xf32, #tpu.memory_space<vmem>>[vector<16xi32>, vector<16xi32>], vector<16xf32>,
        %mul3A_862 = arith.mulf %gather3A_851, %gather3A_861 : vector<16xf32>
        %add3A_863 = arith.addf %add3A_834, %mul3A_862 : vector<16xf32>
        %gather3A_864 = tpu.vector_load_idx %arg16[%add3A_521, %and3A_850] : memref<320x128xf32, #tpu.memory_space<vmem>>[vector<16xi32>, vector<16xi32>], vector<16xf32>,
        %mul3A_865 = arith.mulf %gather3A_851, %gather3A_864 : vector<16xf32>
        %add3A_866 = arith.addf %add3A_837, %mul3A_865 : vector<16xf32>
        %gather3A_867 = tpu.vector_load_idx %arg16[%add3A_527, %and3A_850] : memref<320x128xf32, #tpu.memory_space<vmem>>[vector<16xi32>, vector<16xi32>], vector<16xf32>,
        %mul3A_868 = arith.mulf %gather3A_851, %gather3A_867 : vector<16xf32>
        %add3A_869 = arith.addf %add3A_840, %mul3A_868 : vector<16xf32>
        %gather3A_870 = tpu.vector_load_idx %arg16[%add3A_533, %and3A_850] : memref<320x128xf32, #tpu.memory_space<vmem>>[vector<16xi32>, vector<16xi32>], vector<16xf32>,
        %mul3A_871 = arith.mulf %gather3A_851, %gather3A_870 : vector<16xf32>
        %add3A_872 = arith.addf %add3A_843, %mul3A_871 : vector<16xf32>
        %scan3A_873 = arith.constant 2 : i32
        %scan3A_874 = arith.addi %scan3A_811, %scan3A_873 : i32
        %add3A_875 = vector.broadcast %scan3A_874 : i32 to vector<16xi32>
        %add3A_876 = arith.addi %iota3A, %add3A_875 : vector<16xi32>
        %and3A_877 = arith.constant 127 : i32
        %and3A_878 = vector.broadcast %and3A_877 : i32 to vector<16xi32>
        %and3A_879 = arith.andi %add3A_876, %and3A_878 : vector<16xi32>
        %gather3A_880 = tpu.vector_load_idx %arg14[%iota3A, %and3A_879] : memref<16x128xf32, #tpu.memory_space<vmem>>[vector<16xi32>, vector<16xi32>], vector<16xf32>,
        %gather3A_881 = tpu.vector_load_idx %arg15[%iota3A, %and3A_879] : memref<16x128xf32, #tpu.memory_space<vmem>>[vector<16xi32>, vector<16xi32>], vector<16xf32>,
        %mul3A_882 = arith.mulf %gather3A_880, %gather3A_881 : vector<16xf32>
        %add3A_883 = arith.addf %add3A_854, %mul3A_882 : vector<16xf32>
        %gather3A_884 = tpu.vector_load_idx %arg16[%add3A_503, %and3A_879] : memref<320x128xf32, #tpu.memory_space<vmem>>[vector<16xi32>, vector<16xi32>], vector<16xf32>,
        %mul3A_885 = arith.mulf %gather3A_880, %gather3A_884 : vector<16xf32>
        %add3A_886 = arith.addf %add3A_857, %mul3A_885 : vector<16xf32>
        %gather3A_887 = tpu.vector_load_idx %arg16[%add3A_509, %and3A_879] : memref<320x128xf32, #tpu.memory_space<vmem>>[vector<16xi32>, vector<16xi32>], vector<16xf32>,
        %mul3A_888 = arith.mulf %gather3A_880, %gather3A_887 : vector<16xf32>
        %add3A_889 = arith.addf %add3A_860, %mul3A_888 : vector<16xf32>
        %gather3A_890 = tpu.vector_load_idx %arg16[%add3A_515, %and3A_879] : memref<320x128xf32, #tpu.memory_space<vmem>>[vector<16xi32>, vector<16xi32>], vector<16xf32>,
        %mul3A_891 = arith.mulf %gather3A_880, %gather3A_890 : vector<16xf32>
        %add3A_892 = arith.addf %add3A_863, %mul3A_891 : vector<16xf32>
        %gather3A_893 = tpu.vector_load_idx %arg16[%add3A_521, %and3A_879] : memref<320x128xf32, #tpu.memory_space<vmem>>[vector<16xi32>, vector<16xi32>], vector<16xf32>,
        %mul3A_894 = arith.mulf %gather3A_880, %gather3A_893 : vector<16xf32>
        %add3A_895 = arith.addf %add3A_866, %mul3A_894 : vector<16xf32>
        %gather3A_896 = tpu.vector_load_idx %arg16[%add3A_527, %and3A_879] : memref<320x128xf32, #tpu.memory_space<vmem>>[vector<16xi32>, vector<16xi32>], vector<16xf32>,
        %mul3A_897 = arith.mulf %gather3A_880, %gather3A_896 : vector<16xf32>
        %add3A_898 = arith.addf %add3A_869, %mul3A_897 : vector<16xf32>
        %gather3A_899 = tpu.vector_load_idx %arg16[%add3A_533, %and3A_879] : memref<320x128xf32, #tpu.memory_space<vmem>>[vector<16xi32>, vector<16xi32>], vector<16xf32>,
        %mul3A_900 = arith.mulf %gather3A_880, %gather3A_899 : vector<16xf32>
        %add3A_901 = arith.addf %add3A_872, %mul3A_900 : vector<16xf32>
        %scan3A_902 = arith.constant 3 : i32
        %scan3A_903 = arith.addi %scan3A_811, %scan3A_902 : i32
        %add3A_904 = vector.broadcast %scan3A_903 : i32 to vector<16xi32>
        %add3A_905 = arith.addi %iota3A, %add3A_904 : vector<16xi32>
        %and3A_906 = arith.constant 127 : i32
        %and3A_907 = vector.broadcast %and3A_906 : i32 to vector<16xi32>
        %and3A_908 = arith.andi %add3A_905, %and3A_907 : vector<16xi32>
        %gather3A_909 = tpu.vector_load_idx %arg14[%iota3A, %and3A_908] : memref<16x128xf32, #tpu.memory_space<vmem>>[vector<16xi32>, vector<16xi32>], vector<16xf32>,
        %gather3A_910 = tpu.vector_load_idx %arg15[%iota3A, %and3A_908] : memref<16x128xf32, #tpu.memory_space<vmem>>[vector<16xi32>, vector<16xi32>], vector<16xf32>,
        %mul3A_911 = arith.mulf %gather3A_909, %gather3A_910 : vector<16xf32>
        %add3A_912 = arith.addf %add3A_883, %mul3A_911 : vector<16xf32>
        %gather3A_913 = tpu.vector_load_idx %arg16[%add3A_503, %and3A_908] : memref<320x128xf32, #tpu.memory_space<vmem>>[vector<16xi32>, vector<16xi32>], vector<16xf32>,
        %mul3A_914 = arith.mulf %gather3A_909, %gather3A_913 : vector<16xf32>
        %add3A_915 = arith.addf %add3A_886, %mul3A_914 : vector<16xf32>
        %gather3A_916 = tpu.vector_load_idx %arg16[%add3A_509, %and3A_908] : memref<320x128xf32, #tpu.memory_space<vmem>>[vector<16xi32>, vector<16xi32>], vector<16xf32>,
        %mul3A_917 = arith.mulf %gather3A_909, %gather3A_916 : vector<16xf32>
        %add3A_918 = arith.addf %add3A_889, %mul3A_917 : vector<16xf32>
        %gather3A_919 = tpu.vector_load_idx %arg16[%add3A_515, %and3A_908] : memref<320x128xf32, #tpu.memory_space<vmem>>[vector<16xi32>, vector<16xi32>], vector<16xf32>,
        %mul3A_920 = arith.mulf %gather3A_909, %gather3A_919 : vector<16xf32>
        %add3A_921 = arith.addf %add3A_892, %mul3A_920 : vector<16xf32>
        %gather3A_922 = tpu.vector_load_idx %arg16[%add3A_521, %and3A_908] : memref<320x128xf32, #tpu.memory_space<vmem>>[vector<16xi32>, vector<16xi32>], vector<16xf32>,
        %mul3A_923 = arith.mulf %gather3A_909, %gather3A_922 : vector<16xf32>
        %add3A_924 = arith.addf %add3A_895, %mul3A_923 : vector<16xf32>
        %gather3A_925 = tpu.vector_load_idx %arg16[%add3A_527, %and3A_908] : memref<320x128xf32, #tpu.memory_space<vmem>>[vector<16xi32>, vector<16xi32>], vector<16xf32>,
        %mul3A_926 = arith.mulf %gather3A_909, %gather3A_925 : vector<16xf32>
        %add3A_927 = arith.addf %add3A_898, %mul3A_926 : vector<16xf32>
        %gather3A_928 = tpu.vector_load_idx %arg16[%add3A_533, %and3A_908] : memref<320x128xf32, #tpu.memory_space<vmem>>[vector<16xi32>, vector<16xi32>], vector<16xf32>,
        %mul3A_929 = arith.mulf %gather3A_909, %gather3A_928 : vector<16xf32>
        %add3A_930 = arith.addf %add3A_901, %mul3A_929 : vector<16xf32>
        scf.yield %add3A_912, %add3A_915, %add3A_918, %add3A_921, %add3A_924, %add3A_927, %add3A_930 : vector<16xf32>, vector<16xf32>, vector<16xf32>, vector<16xf32>, vector<16xf32>, vector<16xf32>, vector<16xf32>
      }
      %scan3A_625 = arith.constant 128 : i32
      %neg3A_626 = arith.constant 0.000000e+00 : f32
      %neg3A_627 = vector.broadcast %neg3A_626 : f32 to vector<16xf32>
      %neg3A_628 = arith.subf %neg3A_627, %scan3A_624#0 : vector<16xf32>
      %exp3A_629 = math.exp %neg3A_628 : vector<16xf32>
      %add3A_630 = arith.constant 1.000000e+00 : f32
      %add3A_631 = vector.broadcast %add3A_630 : f32 to vector<16xf32>
      %add3A_632 = arith.addf %add3A_631, %exp3A_629 : vector<16xf32>
      %div3A_633 = arith.constant 1.000000e+00 : f32
      %div3A_634 = vector.broadcast %div3A_633 : f32 to vector<16xf32>
      %div3A_635 = arith.divf %div3A_634, %add3A_632 : vector<16xf32>
      %add3A_636 = arith.addf %get3A_619, %div3A_635 : vector<16xf32>
      %exp3A_637 = math.exp %scan3A_624#1 : vector<16xf32>
      %add3A_638 = arith.constant 1.000000e+00 : f32
      %add3A_639 = vector.broadcast %add3A_638 : f32 to vector<16xf32>
      %add3A_640 = arith.addf %add3A_639, %exp3A_637 : vector<16xf32>
      %div3A_641 = arith.constant 1.000000e+00 : f32
      %div3A_642 = vector.broadcast %div3A_641 : f32 to vector<16xf32>
      %div3A_643 = arith.divf %div3A_642, %add3A_640 : vector<16xf32>
      %add3A_644 = arith.addf %add3A_636, %div3A_643 : vector<16xf32>
      %exp3A_645 = math.exp %scan3A_624#2 : vector<16xf32>
      %add3A_646 = arith.constant 1.000000e+00 : f32
      %add3A_647 = vector.broadcast %add3A_646 : f32 to vector<16xf32>
      %add3A_648 = arith.addf %add3A_647, %exp3A_645 : vector<16xf32>
      %div3A_649 = arith.constant 1.000000e+00 : f32
      %div3A_650 = vector.broadcast %div3A_649 : f32 to vector<16xf32>
      %div3A_651 = arith.divf %div3A_650, %add3A_648 : vector<16xf32>
      %add3A_652 = arith.addf %add3A_644, %div3A_651 : vector<16xf32>
      %exp3A_653 = math.exp %scan3A_624#3 : vector<16xf32>
      %add3A_654 = arith.constant 1.000000e+00 : f32
      %add3A_655 = vector.broadcast %add3A_654 : f32 to vector<16xf32>
      %add3A_656 = arith.addf %add3A_655, %exp3A_653 : vector<16xf32>
      %div3A_657 = arith.constant 1.000000e+00 : f32
      %div3A_658 = vector.broadcast %div3A_657 : f32 to vector<16xf32>
      %div3A_659 = arith.divf %div3A_658, %add3A_656 : vector<16xf32>
      %add3A_660 = arith.addf %add3A_652, %div3A_659 : vector<16xf32>
      %exp3A_661 = math.exp %scan3A_624#4 : vector<16xf32>
      %add3A_662 = arith.constant 1.000000e+00 : f32
      %add3A_663 = vector.broadcast %add3A_662 : f32 to vector<16xf32>
      %add3A_664 = arith.addf %add3A_663, %exp3A_661 : vector<16xf32>
      %div3A_665 = arith.constant 1.000000e+00 : f32
      %div3A_666 = vector.broadcast %div3A_665 : f32 to vector<16xf32>
      %div3A_667 = arith.divf %div3A_666, %add3A_664 : vector<16xf32>
      %add3A_668 = arith.addf %add3A_660, %div3A_667 : vector<16xf32>
      %exp3A_669 = math.exp %scan3A_624#5 : vector<16xf32>
      %add3A_670 = arith.constant 1.000000e+00 : f32
      %add3A_671 = vector.broadcast %add3A_670 : f32 to vector<16xf32>
      %add3A_672 = arith.addf %add3A_671, %exp3A_669 : vector<16xf32>
      %div3A_673 = arith.constant 1.000000e+00 : f32
      %div3A_674 = vector.broadcast %div3A_673 : f32 to vector<16xf32>
      %div3A_675 = arith.divf %div3A_674, %add3A_672 : vector<16xf32>
      %add3A_676 = arith.addf %add3A_668, %div3A_675 : vector<16xf32>
      %exp3A_677 = math.exp %scan3A_624#6 : vector<16xf32>
      %add3A_678 = arith.constant 1.000000e+00 : f32
      %add3A_679 = vector.broadcast %add3A_678 : f32 to vector<16xf32>
      %add3A_680 = arith.addf %add3A_679, %exp3A_677 : vector<16xf32>
      %div3A_681 = arith.constant 1.000000e+00 : f32
      %div3A_682 = vector.broadcast %div3A_681 : f32 to vector<16xf32>
      %div3A_683 = arith.divf %div3A_682, %add3A_680 : vector<16xf32>
      %add3A_684 = arith.addf %add3A_676, %div3A_683 : vector<16xf32>
      %scan3A_685 = arith.constant 0 : i32
      %scan3A_686 = arith.constant 128 : i32
      %scan3A_687 = arith.addi %scan3A_685, %scan3A_686 : i32
      %scan3A_688 = arith.constant 4 : i32
      %scan3A_689:7 = scf.for %scan3A_811 = %scan3A_685 to %scan3A_687 step %scan3A_688 iter_args(%scan3A_812 = %broadcast_in_dim3A_16, %scan3A_813 = %broadcast_in_dim3A_16, %scan3A_814 = %broadcast_in_dim3A_16, %scan3A_815 = %broadcast_in_dim3A_16, %scan3A_816 = %broadcast_in_dim3A_16, %scan3A_817 = %broadcast_in_dim3A_16, %scan3A_818 = %broadcast_in_dim3A_16) -> (vector<16xf32>, vector<16xf32>, vector<16xf32>, vector<16xf32>, vector<16xf32>, vector<16xf32>, vector<16xf32>)  : i32 {
        %add3A_819 = vector.broadcast %scan3A_811 : i32 to vector<16xi32>
        %add3A_820 = arith.addi %iota3A, %add3A_819 : vector<16xi32>
        %and3A = arith.constant 127 : i32
        %and3A_821 = vector.broadcast %and3A : i32 to vector<16xi32>
        %and3A_822 = arith.andi %add3A_820, %and3A_821 : vector<16xi32>
        %gather3A = tpu.vector_load_idx %arg14[%iota3A, %and3A_822] : memref<16x128xf32, #tpu.memory_space<vmem>>[vector<16xi32>, vector<16xi32>], vector<16xf32>,
        %gather3A_823 = tpu.vector_load_idx %arg16[%add3A_539, %and3A_822] : memref<320x128xf32, #tpu.memory_space<vmem>>[vector<16xi32>, vector<16xi32>], vector<16xf32>,
        %mul3A_824 = arith.mulf %gather3A, %gather3A_823 : vector<16xf32>
        %add3A_825 = arith.addf %scan3A_812, %mul3A_824 : vector<16xf32>
        %gather3A_826 = tpu.vector_load_idx %arg16[%add3A_545, %and3A_822] : memref<320x128xf32, #tpu.memory_space<vmem>>[vector<16xi32>, vector<16xi32>], vector<16xf32>,
        %mul3A_827 = arith.mulf %gather3A, %gather3A_826 : vector<16xf32>
        %add3A_828 = arith.addf %scan3A_813, %mul3A_827 : vector<16xf32>
        %gather3A_829 = tpu.vector_load_idx %arg16[%add3A_551, %and3A_822] : memref<320x128xf32, #tpu.memory_space<vmem>>[vector<16xi32>, vector<16xi32>], vector<16xf32>,
        %mul3A_830 = arith.mulf %gather3A, %gather3A_829 : vector<16xf32>
        %add3A_831 = arith.addf %scan3A_814, %mul3A_830 : vector<16xf32>
        %gather3A_832 = tpu.vector_load_idx %arg16[%add3A_557, %and3A_822] : memref<320x128xf32, #tpu.memory_space<vmem>>[vector<16xi32>, vector<16xi32>], vector<16xf32>,
        %mul3A_833 = arith.mulf %gather3A, %gather3A_832 : vector<16xf32>
        %add3A_834 = arith.addf %scan3A_815, %mul3A_833 : vector<16xf32>
        %gather3A_835 = tpu.vector_load_idx %arg16[%add3A_563, %and3A_822] : memref<320x128xf32, #tpu.memory_space<vmem>>[vector<16xi32>, vector<16xi32>], vector<16xf32>,
        %mul3A_836 = arith.mulf %gather3A, %gather3A_835 : vector<16xf32>
        %add3A_837 = arith.addf %scan3A_816, %mul3A_836 : vector<16xf32>
        %gather3A_838 = tpu.vector_load_idx %arg16[%add3A_569, %and3A_822] : memref<320x128xf32, #tpu.memory_space<vmem>>[vector<16xi32>, vector<16xi32>], vector<16xf32>,
        %mul3A_839 = arith.mulf %gather3A, %gather3A_838 : vector<16xf32>
        %add3A_840 = arith.addf %scan3A_817, %mul3A_839 : vector<16xf32>
        %gather3A_841 = tpu.vector_load_idx %arg16[%add3A_575, %and3A_822] : memref<320x128xf32, #tpu.memory_space<vmem>>[vector<16xi32>, vector<16xi32>], vector<16xf32>,
        %mul3A_842 = arith.mulf %gather3A, %gather3A_841 : vector<16xf32>
        %add3A_843 = arith.addf %scan3A_818, %mul3A_842 : vector<16xf32>
        %scan3A_844 = arith.constant 1 : i32
        %scan3A_845 = arith.addi %scan3A_811, %scan3A_844 : i32
        %add3A_846 = vector.broadcast %scan3A_845 : i32 to vector<16xi32>
        %add3A_847 = arith.addi %iota3A, %add3A_846 : vector<16xi32>
        %and3A_848 = arith.constant 127 : i32
        %and3A_849 = vector.broadcast %and3A_848 : i32 to vector<16xi32>
        %and3A_850 = arith.andi %add3A_847, %and3A_849 : vector<16xi32>
        %gather3A_851 = tpu.vector_load_idx %arg14[%iota3A, %and3A_850] : memref<16x128xf32, #tpu.memory_space<vmem>>[vector<16xi32>, vector<16xi32>], vector<16xf32>,
        %gather3A_852 = tpu.vector_load_idx %arg16[%add3A_539, %and3A_850] : memref<320x128xf32, #tpu.memory_space<vmem>>[vector<16xi32>, vector<16xi32>], vector<16xf32>,
        %mul3A_853 = arith.mulf %gather3A_851, %gather3A_852 : vector<16xf32>
        %add3A_854 = arith.addf %add3A_825, %mul3A_853 : vector<16xf32>
        %gather3A_855 = tpu.vector_load_idx %arg16[%add3A_545, %and3A_850] : memref<320x128xf32, #tpu.memory_space<vmem>>[vector<16xi32>, vector<16xi32>], vector<16xf32>,
        %mul3A_856 = arith.mulf %gather3A_851, %gather3A_855 : vector<16xf32>
        %add3A_857 = arith.addf %add3A_828, %mul3A_856 : vector<16xf32>
        %gather3A_858 = tpu.vector_load_idx %arg16[%add3A_551, %and3A_850] : memref<320x128xf32, #tpu.memory_space<vmem>>[vector<16xi32>, vector<16xi32>], vector<16xf32>,
        %mul3A_859 = arith.mulf %gather3A_851, %gather3A_858 : vector<16xf32>
        %add3A_860 = arith.addf %add3A_831, %mul3A_859 : vector<16xf32>
        %gather3A_861 = tpu.vector_load_idx %arg16[%add3A_557, %and3A_850] : memref<320x128xf32, #tpu.memory_space<vmem>>[vector<16xi32>, vector<16xi32>], vector<16xf32>,
        %mul3A_862 = arith.mulf %gather3A_851, %gather3A_861 : vector<16xf32>
        %add3A_863 = arith.addf %add3A_834, %mul3A_862 : vector<16xf32>
        %gather3A_864 = tpu.vector_load_idx %arg16[%add3A_563, %and3A_850] : memref<320x128xf32, #tpu.memory_space<vmem>>[vector<16xi32>, vector<16xi32>], vector<16xf32>,
        %mul3A_865 = arith.mulf %gather3A_851, %gather3A_864 : vector<16xf32>
        %add3A_866 = arith.addf %add3A_837, %mul3A_865 : vector<16xf32>
        %gather3A_867 = tpu.vector_load_idx %arg16[%add3A_569, %and3A_850] : memref<320x128xf32, #tpu.memory_space<vmem>>[vector<16xi32>, vector<16xi32>], vector<16xf32>,
        %mul3A_868 = arith.mulf %gather3A_851, %gather3A_867 : vector<16xf32>
        %add3A_869 = arith.addf %add3A_840, %mul3A_868 : vector<16xf32>
        %gather3A_870 = tpu.vector_load_idx %arg16[%add3A_575, %and3A_850] : memref<320x128xf32, #tpu.memory_space<vmem>>[vector<16xi32>, vector<16xi32>], vector<16xf32>,
        %mul3A_871 = arith.mulf %gather3A_851, %gather3A_870 : vector<16xf32>
        %add3A_872 = arith.addf %add3A_843, %mul3A_871 : vector<16xf32>
        %scan3A_873 = arith.constant 2 : i32
        %scan3A_874 = arith.addi %scan3A_811, %scan3A_873 : i32
        %add3A_875 = vector.broadcast %scan3A_874 : i32 to vector<16xi32>
        %add3A_876 = arith.addi %iota3A, %add3A_875 : vector<16xi32>
        %and3A_877 = arith.constant 127 : i32
        %and3A_878 = vector.broadcast %and3A_877 : i32 to vector<16xi32>
        %and3A_879 = arith.andi %add3A_876, %and3A_878 : vector<16xi32>
        %gather3A_880 = tpu.vector_load_idx %arg14[%iota3A, %and3A_879] : memref<16x128xf32, #tpu.memory_space<vmem>>[vector<16xi32>, vector<16xi32>], vector<16xf32>,
        %gather3A_881 = tpu.vector_load_idx %arg16[%add3A_539, %and3A_879] : memref<320x128xf32, #tpu.memory_space<vmem>>[vector<16xi32>, vector<16xi32>], vector<16xf32>,
        %mul3A_882 = arith.mulf %gather3A_880, %gather3A_881 : vector<16xf32>
        %add3A_883 = arith.addf %add3A_854, %mul3A_882 : vector<16xf32>
        %gather3A_884 = tpu.vector_load_idx %arg16[%add3A_545, %and3A_879] : memref<320x128xf32, #tpu.memory_space<vmem>>[vector<16xi32>, vector<16xi32>], vector<16xf32>,
        %mul3A_885 = arith.mulf %gather3A_880, %gather3A_884 : vector<16xf32>
        %add3A_886 = arith.addf %add3A_857, %mul3A_885 : vector<16xf32>
        %gather3A_887 = tpu.vector_load_idx %arg16[%add3A_551, %and3A_879] : memref<320x128xf32, #tpu.memory_space<vmem>>[vector<16xi32>, vector<16xi32>], vector<16xf32>,
        %mul3A_888 = arith.mulf %gather3A_880, %gather3A_887 : vector<16xf32>
        %add3A_889 = arith.addf %add3A_860, %mul3A_888 : vector<16xf32>
        %gather3A_890 = tpu.vector_load_idx %arg16[%add3A_557, %and3A_879] : memref<320x128xf32, #tpu.memory_space<vmem>>[vector<16xi32>, vector<16xi32>], vector<16xf32>,
        %mul3A_891 = arith.mulf %gather3A_880, %gather3A_890 : vector<16xf32>
        %add3A_892 = arith.addf %add3A_863, %mul3A_891 : vector<16xf32>
        %gather3A_893 = tpu.vector_load_idx %arg16[%add3A_563, %and3A_879] : memref<320x128xf32, #tpu.memory_space<vmem>>[vector<16xi32>, vector<16xi32>], vector<16xf32>,
        %mul3A_894 = arith.mulf %gather3A_880, %gather3A_893 : vector<16xf32>
        %add3A_895 = arith.addf %add3A_866, %mul3A_894 : vector<16xf32>
        %gather3A_896 = tpu.vector_load_idx %arg16[%add3A_569, %and3A_879] : memref<320x128xf32, #tpu.memory_space<vmem>>[vector<16xi32>, vector<16xi32>], vector<16xf32>,
        %mul3A_897 = arith.mulf %gather3A_880, %gather3A_896 : vector<16xf32>
        %add3A_898 = arith.addf %add3A_869, %mul3A_897 : vector<16xf32>
        %gather3A_899 = tpu.vector_load_idx %arg16[%add3A_575, %and3A_879] : memref<320x128xf32, #tpu.memory_space<vmem>>[vector<16xi32>, vector<16xi32>], vector<16xf32>,
        %mul3A_900 = arith.mulf %gather3A_880, %gather3A_899 : vector<16xf32>
        %add3A_901 = arith.addf %add3A_872, %mul3A_900 : vector<16xf32>
        %scan3A_902 = arith.constant 3 : i32
        %scan3A_903 = arith.addi %scan3A_811, %scan3A_902 : i32
        %add3A_904 = vector.broadcast %scan3A_903 : i32 to vector<16xi32>
        %add3A_905 = arith.addi %iota3A, %add3A_904 : vector<16xi32>
        %and3A_906 = arith.constant 127 : i32
        %and3A_907 = vector.broadcast %and3A_906 : i32 to vector<16xi32>
        %and3A_908 = arith.andi %add3A_905, %and3A_907 : vector<16xi32>
        %gather3A_909 = tpu.vector_load_idx %arg14[%iota3A, %and3A_908] : memref<16x128xf32, #tpu.memory_space<vmem>>[vector<16xi32>, vector<16xi32>], vector<16xf32>,
        %gather3A_910 = tpu.vector_load_idx %arg16[%add3A_539, %and3A_908] : memref<320x128xf32, #tpu.memory_space<vmem>>[vector<16xi32>, vector<16xi32>], vector<16xf32>,
        %mul3A_911 = arith.mulf %gather3A_909, %gather3A_910 : vector<16xf32>
        %add3A_912 = arith.addf %add3A_883, %mul3A_911 : vector<16xf32>
        %gather3A_913 = tpu.vector_load_idx %arg16[%add3A_545, %and3A_908] : memref<320x128xf32, #tpu.memory_space<vmem>>[vector<16xi32>, vector<16xi32>], vector<16xf32>,
        %mul3A_914 = arith.mulf %gather3A_909, %gather3A_913 : vector<16xf32>
        %add3A_915 = arith.addf %add3A_886, %mul3A_914 : vector<16xf32>
        %gather3A_916 = tpu.vector_load_idx %arg16[%add3A_551, %and3A_908] : memref<320x128xf32, #tpu.memory_space<vmem>>[vector<16xi32>, vector<16xi32>], vector<16xf32>,
        %mul3A_917 = arith.mulf %gather3A_909, %gather3A_916 : vector<16xf32>
        %add3A_918 = arith.addf %add3A_889, %mul3A_917 : vector<16xf32>
        %gather3A_919 = tpu.vector_load_idx %arg16[%add3A_557, %and3A_908] : memref<320x128xf32, #tpu.memory_space<vmem>>[vector<16xi32>, vector<16xi32>], vector<16xf32>,
        %mul3A_920 = arith.mulf %gather3A_909, %gather3A_919 : vector<16xf32>
        %add3A_921 = arith.addf %add3A_892, %mul3A_920 : vector<16xf32>
        %gather3A_922 = tpu.vector_load_idx %arg16[%add3A_563, %and3A_908] : memref<320x128xf32, #tpu.memory_space<vmem>>[vector<16xi32>, vector<16xi32>], vector<16xf32>,
        %mul3A_923 = arith.mulf %gather3A_909, %gather3A_922 : vector<16xf32>
        %add3A_924 = arith.addf %add3A_895, %mul3A_923 : vector<16xf32>
        %gather3A_925 = tpu.vector_load_idx %arg16[%add3A_569, %and3A_908] : memref<320x128xf32, #tpu.memory_space<vmem>>[vector<16xi32>, vector<16xi32>], vector<16xf32>,
        %mul3A_926 = arith.mulf %gather3A_909, %gather3A_925 : vector<16xf32>
        %add3A_927 = arith.addf %add3A_898, %mul3A_926 : vector<16xf32>
        %gather3A_928 = tpu.vector_load_idx %arg16[%add3A_575, %and3A_908] : memref<320x128xf32, #tpu.memory_space<vmem>>[vector<16xi32>, vector<16xi32>], vector<16xf32>,
        %mul3A_929 = arith.mulf %gather3A_909, %gather3A_928 : vector<16xf32>
        %add3A_930 = arith.addf %add3A_901, %mul3A_929 : vector<16xf32>
        scf.yield %add3A_912, %add3A_915, %add3A_918, %add3A_921, %add3A_924, %add3A_927, %add3A_930 : vector<16xf32>, vector<16xf32>, vector<16xf32>, vector<16xf32>, vector<16xf32>, vector<16xf32>, vector<16xf32>
      }
      %scan3A_690 = arith.constant 128 : i32
      %exp3A_691 = math.exp %scan3A_689#0 : vector<16xf32>
      %add3A_692 = arith.constant 1.000000e+00 : f32
      %add3A_693 = vector.broadcast %add3A_692 : f32 to vector<16xf32>
      %add3A_694 = arith.addf %add3A_693, %exp3A_691 : vector<16xf32>
      %div3A_695 = arith.constant 1.000000e+00 : f32
      %div3A_696 = vector.broadcast %div3A_695 : f32 to vector<16xf32>
      %div3A_697 = arith.divf %div3A_696, %add3A_694 : vector<16xf32>
      %add3A_698 = arith.addf %add3A_684, %div3A_697 : vector<16xf32>
      %exp3A_699 = math.exp %scan3A_689#1 : vector<16xf32>
      %add3A_700 = arith.constant 1.000000e+00 : f32
      %add3A_701 = vector.broadcast %add3A_700 : f32 to vector<16xf32>
      %add3A_702 = arith.addf %add3A_701, %exp3A_699 : vector<16xf32>
      %div3A_703 = arith.constant 1.000000e+00 : f32
      %div3A_704 = vector.broadcast %div3A_703 : f32 to vector<16xf32>
      %div3A_705 = arith.divf %div3A_704, %add3A_702 : vector<16xf32>
      %add3A_706 = arith.addf %add3A_698, %div3A_705 : vector<16xf32>
      %exp3A_707 = math.exp %scan3A_689#2 : vector<16xf32>
      %add3A_708 = arith.constant 1.000000e+00 : f32
      %add3A_709 = vector.broadcast %add3A_708 : f32 to vector<16xf32>
      %add3A_710 = arith.addf %add3A_709, %exp3A_707 : vector<16xf32>
      %div3A_711 = arith.constant 1.000000e+00 : f32
      %div3A_712 = vector.broadcast %div3A_711 : f32 to vector<16xf32>
      %div3A_713 = arith.divf %div3A_712, %add3A_710 : vector<16xf32>
      %add3A_714 = arith.addf %add3A_706, %div3A_713 : vector<16xf32>
      %exp3A_715 = math.exp %scan3A_689#3 : vector<16xf32>
      %add3A_716 = arith.constant 1.000000e+00 : f32
      %add3A_717 = vector.broadcast %add3A_716 : f32 to vector<16xf32>
      %add3A_718 = arith.addf %add3A_717, %exp3A_715 : vector<16xf32>
      %div3A_719 = arith.constant 1.000000e+00 : f32
      %div3A_720 = vector.broadcast %div3A_719 : f32 to vector<16xf32>
      %div3A_721 = arith.divf %div3A_720, %add3A_718 : vector<16xf32>
      %add3A_722 = arith.addf %add3A_714, %div3A_721 : vector<16xf32>
      %exp3A_723 = math.exp %scan3A_689#4 : vector<16xf32>
      %add3A_724 = arith.constant 1.000000e+00 : f32
      %add3A_725 = vector.broadcast %add3A_724 : f32 to vector<16xf32>
      %add3A_726 = arith.addf %add3A_725, %exp3A_723 : vector<16xf32>
      %div3A_727 = arith.constant 1.000000e+00 : f32
      %div3A_728 = vector.broadcast %div3A_727 : f32 to vector<16xf32>
      %div3A_729 = arith.divf %div3A_728, %add3A_726 : vector<16xf32>
      %add3A_730 = arith.addf %add3A_722, %div3A_729 : vector<16xf32>
      %exp3A_731 = math.exp %scan3A_689#5 : vector<16xf32>
      %add3A_732 = arith.constant 1.000000e+00 : f32
      %add3A_733 = vector.broadcast %add3A_732 : f32 to vector<16xf32>
      %add3A_734 = arith.addf %add3A_733, %exp3A_731 : vector<16xf32>
      %div3A_735 = arith.constant 1.000000e+00 : f32
      %div3A_736 = vector.broadcast %div3A_735 : f32 to vector<16xf32>
      %div3A_737 = arith.divf %div3A_736, %add3A_734 : vector<16xf32>
      %add3A_738 = arith.addf %add3A_730, %div3A_737 : vector<16xf32>
      %exp3A_739 = math.exp %scan3A_689#6 : vector<16xf32>
      %add3A_740 = arith.constant 1.000000e+00 : f32
      %add3A_741 = vector.broadcast %add3A_740 : f32 to vector<16xf32>
      %add3A_742 = arith.addf %add3A_741, %exp3A_739 : vector<16xf32>
      %div3A_743 = arith.constant 1.000000e+00 : f32
      %div3A_744 = vector.broadcast %div3A_743 : f32 to vector<16xf32>
      %div3A_745 = arith.divf %div3A_744, %add3A_742 : vector<16xf32>
      %add3A_746 = arith.addf %add3A_738, %div3A_745 : vector<16xf32>
      %scan3A_747 = arith.constant 0 : i32
      %scan3A_748 = arith.constant 128 : i32
      %scan3A_749 = arith.addi %scan3A_747, %scan3A_748 : i32
      %scan3A_750 = arith.constant 4 : i32
      %scan3A_751:7 = scf.for %scan3A_811 = %scan3A_747 to %scan3A_749 step %scan3A_750 iter_args(%scan3A_812 = %broadcast_in_dim3A_16, %scan3A_813 = %broadcast_in_dim3A_16, %scan3A_814 = %broadcast_in_dim3A_16, %scan3A_815 = %broadcast_in_dim3A_16, %scan3A_816 = %broadcast_in_dim3A_16, %scan3A_817 = %broadcast_in_dim3A_16, %scan3A_818 = %broadcast_in_dim3A_16) -> (vector<16xf32>, vector<16xf32>, vector<16xf32>, vector<16xf32>, vector<16xf32>, vector<16xf32>, vector<16xf32>)  : i32 {
        %add3A_819 = vector.broadcast %scan3A_811 : i32 to vector<16xi32>
        %add3A_820 = arith.addi %iota3A, %add3A_819 : vector<16xi32>
        %and3A = arith.constant 127 : i32
        %and3A_821 = vector.broadcast %and3A : i32 to vector<16xi32>
        %and3A_822 = arith.andi %add3A_820, %and3A_821 : vector<16xi32>
        %gather3A = tpu.vector_load_idx %arg14[%iota3A, %and3A_822] : memref<16x128xf32, #tpu.memory_space<vmem>>[vector<16xi32>, vector<16xi32>], vector<16xf32>,
        %gather3A_823 = tpu.vector_load_idx %arg16[%add3A_581, %and3A_822] : memref<320x128xf32, #tpu.memory_space<vmem>>[vector<16xi32>, vector<16xi32>], vector<16xf32>,
        %mul3A_824 = arith.mulf %gather3A, %gather3A_823 : vector<16xf32>
        %add3A_825 = arith.addf %scan3A_812, %mul3A_824 : vector<16xf32>
        %gather3A_826 = tpu.vector_load_idx %arg16[%add3A_587, %and3A_822] : memref<320x128xf32, #tpu.memory_space<vmem>>[vector<16xi32>, vector<16xi32>], vector<16xf32>,
        %mul3A_827 = arith.mulf %gather3A, %gather3A_826 : vector<16xf32>
        %add3A_828 = arith.addf %scan3A_813, %mul3A_827 : vector<16xf32>
        %gather3A_829 = tpu.vector_load_idx %arg16[%add3A_593, %and3A_822] : memref<320x128xf32, #tpu.memory_space<vmem>>[vector<16xi32>, vector<16xi32>], vector<16xf32>,
        %mul3A_830 = arith.mulf %gather3A, %gather3A_829 : vector<16xf32>
        %add3A_831 = arith.addf %scan3A_814, %mul3A_830 : vector<16xf32>
        %gather3A_832 = tpu.vector_load_idx %arg16[%add3A_599, %and3A_822] : memref<320x128xf32, #tpu.memory_space<vmem>>[vector<16xi32>, vector<16xi32>], vector<16xf32>,
        %mul3A_833 = arith.mulf %gather3A, %gather3A_832 : vector<16xf32>
        %add3A_834 = arith.addf %scan3A_815, %mul3A_833 : vector<16xf32>
        %gather3A_835 = tpu.vector_load_idx %arg16[%add3A_605, %and3A_822] : memref<320x128xf32, #tpu.memory_space<vmem>>[vector<16xi32>, vector<16xi32>], vector<16xf32>,
        %mul3A_836 = arith.mulf %gather3A, %gather3A_835 : vector<16xf32>
        %add3A_837 = arith.addf %scan3A_816, %mul3A_836 : vector<16xf32>
        %gather3A_838 = tpu.vector_load_idx %arg16[%add3A_611, %and3A_822] : memref<320x128xf32, #tpu.memory_space<vmem>>[vector<16xi32>, vector<16xi32>], vector<16xf32>,
        %mul3A_839 = arith.mulf %gather3A, %gather3A_838 : vector<16xf32>
        %add3A_840 = arith.addf %scan3A_817, %mul3A_839 : vector<16xf32>
        %gather3A_841 = tpu.vector_load_idx %arg16[%add3A_617, %and3A_822] : memref<320x128xf32, #tpu.memory_space<vmem>>[vector<16xi32>, vector<16xi32>], vector<16xf32>,
        %mul3A_842 = arith.mulf %gather3A, %gather3A_841 : vector<16xf32>
        %add3A_843 = arith.addf %scan3A_818, %mul3A_842 : vector<16xf32>
        %scan3A_844 = arith.constant 1 : i32
        %scan3A_845 = arith.addi %scan3A_811, %scan3A_844 : i32
        %add3A_846 = vector.broadcast %scan3A_845 : i32 to vector<16xi32>
        %add3A_847 = arith.addi %iota3A, %add3A_846 : vector<16xi32>
        %and3A_848 = arith.constant 127 : i32
        %and3A_849 = vector.broadcast %and3A_848 : i32 to vector<16xi32>
        %and3A_850 = arith.andi %add3A_847, %and3A_849 : vector<16xi32>
        %gather3A_851 = tpu.vector_load_idx %arg14[%iota3A, %and3A_850] : memref<16x128xf32, #tpu.memory_space<vmem>>[vector<16xi32>, vector<16xi32>], vector<16xf32>,
        %gather3A_852 = tpu.vector_load_idx %arg16[%add3A_581, %and3A_850] : memref<320x128xf32, #tpu.memory_space<vmem>>[vector<16xi32>, vector<16xi32>], vector<16xf32>,
        %mul3A_853 = arith.mulf %gather3A_851, %gather3A_852 : vector<16xf32>
        %add3A_854 = arith.addf %add3A_825, %mul3A_853 : vector<16xf32>
        %gather3A_855 = tpu.vector_load_idx %arg16[%add3A_587, %and3A_850] : memref<320x128xf32, #tpu.memory_space<vmem>>[vector<16xi32>, vector<16xi32>], vector<16xf32>,
        %mul3A_856 = arith.mulf %gather3A_851, %gather3A_855 : vector<16xf32>
        %add3A_857 = arith.addf %add3A_828, %mul3A_856 : vector<16xf32>
        %gather3A_858 = tpu.vector_load_idx %arg16[%add3A_593, %and3A_850] : memref<320x128xf32, #tpu.memory_space<vmem>>[vector<16xi32>, vector<16xi32>], vector<16xf32>,
        %mul3A_859 = arith.mulf %gather3A_851, %gather3A_858 : vector<16xf32>
        %add3A_860 = arith.addf %add3A_831, %mul3A_859 : vector<16xf32>
        %gather3A_861 = tpu.vector_load_idx %arg16[%add3A_599, %and3A_850] : memref<320x128xf32, #tpu.memory_space<vmem>>[vector<16xi32>, vector<16xi32>], vector<16xf32>,
        %mul3A_862 = arith.mulf %gather3A_851, %gather3A_861 : vector<16xf32>
        %add3A_863 = arith.addf %add3A_834, %mul3A_862 : vector<16xf32>
        %gather3A_864 = tpu.vector_load_idx %arg16[%add3A_605, %and3A_850] : memref<320x128xf32, #tpu.memory_space<vmem>>[vector<16xi32>, vector<16xi32>], vector<16xf32>,
        %mul3A_865 = arith.mulf %gather3A_851, %gather3A_864 : vector<16xf32>
        %add3A_866 = arith.addf %add3A_837, %mul3A_865 : vector<16xf32>
        %gather3A_867 = tpu.vector_load_idx %arg16[%add3A_611, %and3A_850] : memref<320x128xf32, #tpu.memory_space<vmem>>[vector<16xi32>, vector<16xi32>], vector<16xf32>,
        %mul3A_868 = arith.mulf %gather3A_851, %gather3A_867 : vector<16xf32>
        %add3A_869 = arith.addf %add3A_840, %mul3A_868 : vector<16xf32>
        %gather3A_870 = tpu.vector_load_idx %arg16[%add3A_617, %and3A_850] : memref<320x128xf32, #tpu.memory_space<vmem>>[vector<16xi32>, vector<16xi32>], vector<16xf32>,
        %mul3A_871 = arith.mulf %gather3A_851, %gather3A_870 : vector<16xf32>
        %add3A_872 = arith.addf %add3A_843, %mul3A_871 : vector<16xf32>
        %scan3A_873 = arith.constant 2 : i32
        %scan3A_874 = arith.addi %scan3A_811, %scan3A_873 : i32
        %add3A_875 = vector.broadcast %scan3A_874 : i32 to vector<16xi32>
        %add3A_876 = arith.addi %iota3A, %add3A_875 : vector<16xi32>
        %and3A_877 = arith.constant 127 : i32
        %and3A_878 = vector.broadcast %and3A_877 : i32 to vector<16xi32>
        %and3A_879 = arith.andi %add3A_876, %and3A_878 : vector<16xi32>
        %gather3A_880 = tpu.vector_load_idx %arg14[%iota3A, %and3A_879] : memref<16x128xf32, #tpu.memory_space<vmem>>[vector<16xi32>, vector<16xi32>], vector<16xf32>,
        %gather3A_881 = tpu.vector_load_idx %arg16[%add3A_581, %and3A_879] : memref<320x128xf32, #tpu.memory_space<vmem>>[vector<16xi32>, vector<16xi32>], vector<16xf32>,
        %mul3A_882 = arith.mulf %gather3A_880, %gather3A_881 : vector<16xf32>
        %add3A_883 = arith.addf %add3A_854, %mul3A_882 : vector<16xf32>
        %gather3A_884 = tpu.vector_load_idx %arg16[%add3A_587, %and3A_879] : memref<320x128xf32, #tpu.memory_space<vmem>>[vector<16xi32>, vector<16xi32>], vector<16xf32>,
        %mul3A_885 = arith.mulf %gather3A_880, %gather3A_884 : vector<16xf32>
        %add3A_886 = arith.addf %add3A_857, %mul3A_885 : vector<16xf32>
        %gather3A_887 = tpu.vector_load_idx %arg16[%add3A_593, %and3A_879] : memref<320x128xf32, #tpu.memory_space<vmem>>[vector<16xi32>, vector<16xi32>], vector<16xf32>,
        %mul3A_888 = arith.mulf %gather3A_880, %gather3A_887 : vector<16xf32>
        %add3A_889 = arith.addf %add3A_860, %mul3A_888 : vector<16xf32>
        %gather3A_890 = tpu.vector_load_idx %arg16[%add3A_599, %and3A_879] : memref<320x128xf32, #tpu.memory_space<vmem>>[vector<16xi32>, vector<16xi32>], vector<16xf32>,
        %mul3A_891 = arith.mulf %gather3A_880, %gather3A_890 : vector<16xf32>
        %add3A_892 = arith.addf %add3A_863, %mul3A_891 : vector<16xf32>
        %gather3A_893 = tpu.vector_load_idx %arg16[%add3A_605, %and3A_879] : memref<320x128xf32, #tpu.memory_space<vmem>>[vector<16xi32>, vector<16xi32>], vector<16xf32>,
        %mul3A_894 = arith.mulf %gather3A_880, %gather3A_893 : vector<16xf32>
        %add3A_895 = arith.addf %add3A_866, %mul3A_894 : vector<16xf32>
        %gather3A_896 = tpu.vector_load_idx %arg16[%add3A_611, %and3A_879] : memref<320x128xf32, #tpu.memory_space<vmem>>[vector<16xi32>, vector<16xi32>], vector<16xf32>,
        %mul3A_897 = arith.mulf %gather3A_880, %gather3A_896 : vector<16xf32>
        %add3A_898 = arith.addf %add3A_869, %mul3A_897 : vector<16xf32>
        %gather3A_899 = tpu.vector_load_idx %arg16[%add3A_617, %and3A_879] : memref<320x128xf32, #tpu.memory_space<vmem>>[vector<16xi32>, vector<16xi32>], vector<16xf32>,
        %mul3A_900 = arith.mulf %gather3A_880, %gather3A_899 : vector<16xf32>
        %add3A_901 = arith.addf %add3A_872, %mul3A_900 : vector<16xf32>
        %scan3A_902 = arith.constant 3 : i32
        %scan3A_903 = arith.addi %scan3A_811, %scan3A_902 : i32
        %add3A_904 = vector.broadcast %scan3A_903 : i32 to vector<16xi32>
        %add3A_905 = arith.addi %iota3A, %add3A_904 : vector<16xi32>
        %and3A_906 = arith.constant 127 : i32
        %and3A_907 = vector.broadcast %and3A_906 : i32 to vector<16xi32>
        %and3A_908 = arith.andi %add3A_905, %and3A_907 : vector<16xi32>
        %gather3A_909 = tpu.vector_load_idx %arg14[%iota3A, %and3A_908] : memref<16x128xf32, #tpu.memory_space<vmem>>[vector<16xi32>, vector<16xi32>], vector<16xf32>,
        %gather3A_910 = tpu.vector_load_idx %arg16[%add3A_581, %and3A_908] : memref<320x128xf32, #tpu.memory_space<vmem>>[vector<16xi32>, vector<16xi32>], vector<16xf32>,
        %mul3A_911 = arith.mulf %gather3A_909, %gather3A_910 : vector<16xf32>
        %add3A_912 = arith.addf %add3A_883, %mul3A_911 : vector<16xf32>
        %gather3A_913 = tpu.vector_load_idx %arg16[%add3A_587, %and3A_908] : memref<320x128xf32, #tpu.memory_space<vmem>>[vector<16xi32>, vector<16xi32>], vector<16xf32>,
        %mul3A_914 = arith.mulf %gather3A_909, %gather3A_913 : vector<16xf32>
        %add3A_915 = arith.addf %add3A_886, %mul3A_914 : vector<16xf32>
        %gather3A_916 = tpu.vector_load_idx %arg16[%add3A_593, %and3A_908] : memref<320x128xf32, #tpu.memory_space<vmem>>[vector<16xi32>, vector<16xi32>], vector<16xf32>,
        %mul3A_917 = arith.mulf %gather3A_909, %gather3A_916 : vector<16xf32>
        %add3A_918 = arith.addf %add3A_889, %mul3A_917 : vector<16xf32>
        %gather3A_919 = tpu.vector_load_idx %arg16[%add3A_599, %and3A_908] : memref<320x128xf32, #tpu.memory_space<vmem>>[vector<16xi32>, vector<16xi32>], vector<16xf32>,
        %mul3A_920 = arith.mulf %gather3A_909, %gather3A_919 : vector<16xf32>
        %add3A_921 = arith.addf %add3A_892, %mul3A_920 : vector<16xf32>
        %gather3A_922 = tpu.vector_load_idx %arg16[%add3A_605, %and3A_908] : memref<320x128xf32, #tpu.memory_space<vmem>>[vector<16xi32>, vector<16xi32>], vector<16xf32>,
        %mul3A_923 = arith.mulf %gather3A_909, %gather3A_922 : vector<16xf32>
        %add3A_924 = arith.addf %add3A_895, %mul3A_923 : vector<16xf32>
        %gather3A_925 = tpu.vector_load_idx %arg16[%add3A_611, %and3A_908] : memref<320x128xf32, #tpu.memory_space<vmem>>[vector<16xi32>, vector<16xi32>], vector<16xf32>,
        %mul3A_926 = arith.mulf %gather3A_909, %gather3A_925 : vector<16xf32>
        %add3A_927 = arith.addf %add3A_898, %mul3A_926 : vector<16xf32>
        %gather3A_928 = tpu.vector_load_idx %arg16[%add3A_617, %and3A_908] : memref<320x128xf32, #tpu.memory_space<vmem>>[vector<16xi32>, vector<16xi32>], vector<16xf32>,
        %mul3A_929 = arith.mulf %gather3A_909, %gather3A_928 : vector<16xf32>
        %add3A_930 = arith.addf %add3A_901, %mul3A_929 : vector<16xf32>
        scf.yield %add3A_912, %add3A_915, %add3A_918, %add3A_921, %add3A_924, %add3A_927, %add3A_930 : vector<16xf32>, vector<16xf32>, vector<16xf32>, vector<16xf32>, vector<16xf32>, vector<16xf32>, vector<16xf32>
      }
      %scan3A_752 = arith.constant 128 : i32
      %exp3A_753 = math.exp %scan3A_751#0 : vector<16xf32>
      %add3A_754 = arith.constant 1.000000e+00 : f32
      %add3A_755 = vector.broadcast %add3A_754 : f32 to vector<16xf32>
      %add3A_756 = arith.addf %add3A_755, %exp3A_753 : vector<16xf32>
      %div3A_757 = arith.constant 1.000000e+00 : f32
      %div3A_758 = vector.broadcast %div3A_757 : f32 to vector<16xf32>
      %div3A_759 = arith.divf %div3A_758, %add3A_756 : vector<16xf32>
      %add3A_760 = arith.addf %add3A_746, %div3A_759 : vector<16xf32>
      %exp3A_761 = math.exp %scan3A_751#1 : vector<16xf32>
      %add3A_762 = arith.constant 1.000000e+00 : f32
      %add3A_763 = vector.broadcast %add3A_762 : f32 to vector<16xf32>
      %add3A_764 = arith.addf %add3A_763, %exp3A_761 : vector<16xf32>
      %div3A_765 = arith.constant 1.000000e+00 : f32
      %div3A_766 = vector.broadcast %div3A_765 : f32 to vector<16xf32>
      %div3A_767 = arith.divf %div3A_766, %add3A_764 : vector<16xf32>
      %add3A_768 = arith.addf %add3A_760, %div3A_767 : vector<16xf32>
      %exp3A_769 = math.exp %scan3A_751#2 : vector<16xf32>
      %add3A_770 = arith.constant 1.000000e+00 : f32
      %add3A_771 = vector.broadcast %add3A_770 : f32 to vector<16xf32>
      %add3A_772 = arith.addf %add3A_771, %exp3A_769 : vector<16xf32>
      %div3A_773 = arith.constant 1.000000e+00 : f32
      %div3A_774 = vector.broadcast %div3A_773 : f32 to vector<16xf32>
      %div3A_775 = arith.divf %div3A_774, %add3A_772 : vector<16xf32>
      %add3A_776 = arith.addf %add3A_768, %div3A_775 : vector<16xf32>
      %exp3A_777 = math.exp %scan3A_751#3 : vector<16xf32>
      %add3A_778 = arith.constant 1.000000e+00 : f32
      %add3A_779 = vector.broadcast %add3A_778 : f32 to vector<16xf32>
      %add3A_780 = arith.addf %add3A_779, %exp3A_777 : vector<16xf32>
      %div3A_781 = arith.constant 1.000000e+00 : f32
      %div3A_782 = vector.broadcast %div3A_781 : f32 to vector<16xf32>
      %div3A_783 = arith.divf %div3A_782, %add3A_780 : vector<16xf32>
      %add3A_784 = arith.addf %add3A_776, %div3A_783 : vector<16xf32>
      %exp3A_785 = math.exp %scan3A_751#4 : vector<16xf32>
      %add3A_786 = arith.constant 1.000000e+00 : f32
      %add3A_787 = vector.broadcast %add3A_786 : f32 to vector<16xf32>
      %add3A_788 = arith.addf %add3A_787, %exp3A_785 : vector<16xf32>
      %div3A_789 = arith.constant 1.000000e+00 : f32
      %div3A_790 = vector.broadcast %div3A_789 : f32 to vector<16xf32>
      %div3A_791 = arith.divf %div3A_790, %add3A_788 : vector<16xf32>
      %add3A_792 = arith.addf %add3A_784, %div3A_791 : vector<16xf32>
      %exp3A_793 = math.exp %scan3A_751#5 : vector<16xf32>
      %add3A_794 = arith.constant 1.000000e+00 : f32
      %add3A_795 = vector.broadcast %add3A_794 : f32 to vector<16xf32>
      %add3A_796 = arith.addf %add3A_795, %exp3A_793 : vector<16xf32>
      %div3A_797 = arith.constant 1.000000e+00 : f32
      %div3A_798 = vector.broadcast %div3A_797 : f32 to vector<16xf32>
      %div3A_799 = arith.divf %div3A_798, %add3A_796 : vector<16xf32>
      %add3A_800 = arith.addf %add3A_792, %div3A_799 : vector<16xf32>
      %exp3A_801 = math.exp %scan3A_751#6 : vector<16xf32>
      %add3A_802 = arith.constant 1.000000e+00 : f32
      %add3A_803 = vector.broadcast %add3A_802 : f32 to vector<16xf32>
      %add3A_804 = arith.addf %add3A_803, %exp3A_801 : vector<16xf32>
      %div3A_805 = arith.constant 1.000000e+00 : f32
      %div3A_806 = vector.broadcast %div3A_805 : f32 to vector<16xf32>
      %div3A_807 = arith.divf %div3A_806, %add3A_804 : vector<16xf32>
      %add3A_808 = arith.addf %add3A_800, %div3A_807 : vector<16xf32>
      %swap3A_809 = arith.constant 0 : index
      %swap3A_810 = tpu.vector_load %arg17[%swap3A_809] {strides = array<i32>} : memref<16xf32, #tpu.memory_space<vmem>>, vector<16xf32>,
      tpu.vector_store %arg17[%swap3A_809], %add3A_808 {strides = array<i32>} : memref<16xf32, #tpu.memory_space<vmem>>, vector<16xf32>,
    }
    %scan3A_58 = arith.constant 16 : i32
    "tpu.region"() ({
      %run_scoped3A = tpu.sem_alloc : memref<!tpu.dma_semaphore, #tpu.memory_space<semaphore_mem>>
      %dma_start3A_59 = arith.constant 0 : i32
      %dma_start3A_60 = tpu.memref_slice %arg7[%add3A, %dma_start3A_59] : memref<32x16xf32, #tpu.memory_space<hbm>> -> memref<1x16xf32, #tpu.memory_space<hbm>>
      %dma_start3A_61 = tpu.memref_squeeze %dma_start3A_60 : memref<1x16xf32, #tpu.memory_space<hbm>> -> memref<16xf32, #tpu.memory_space<hbm>>
      %dma_start3A_62 = arith.constant 0 : i32
      %dma_start3A_63 = tpu.memref_slice %arg7[%add3A, %dma_start3A_62] : memref<32x16xf32, #tpu.memory_space<hbm>> -> memref<1x16xf32, #tpu.memory_space<hbm>>
      %dma_start3A_64 = tpu.memref_squeeze %dma_start3A_63 : memref<1x16xf32, #tpu.memory_space<hbm>> -> memref<16xf32, #tpu.memory_space<hbm>>
      tpu.enqueue_dma source(%arg17 : memref<16xf32, #tpu.memory_space<vmem>>) target(%dma_start3A_64 : memref<16xf32, #tpu.memory_space<hbm>>) target_semaphore(%run_scoped3A : memref<!tpu.dma_semaphore, #tpu.memory_space<semaphore_mem>>)
      %dma_wait3A_65 = arith.constant 0 : i32
      %dma_wait3A_66 = tpu.memref_slice %arg7[%add3A, %dma_wait3A_65] : memref<32x16xf32, #tpu.memory_space<hbm>> -> memref<1x16xf32, #tpu.memory_space<hbm>>
      %dma_wait3A_67 = tpu.memref_squeeze %dma_wait3A_66 : memref<1x16xf32, #tpu.memory_space<hbm>> -> memref<16xf32, #tpu.memory_space<hbm>>
      %dma_wait3A_68 = arith.constant 0 : i32
      %dma_wait3A_69 = tpu.memref_slice %arg7[%add3A, %dma_wait3A_68] : memref<32x16xf32, #tpu.memory_space<hbm>> -> memref<1x16xf32, #tpu.memory_space<hbm>>
      %dma_wait3A_70 = tpu.memref_squeeze %dma_wait3A_69 : memref<1x16xf32, #tpu.memory_space<hbm>> -> memref<16xf32, #tpu.memory_space<hbm>>
      tpu.wait_dma2 semaphore(%run_scoped3A : memref<!tpu.dma_semaphore, #tpu.memory_space<semaphore_mem>>) src(%arg17 : memref<16xf32, #tpu.memory_space<vmem>>) dst(%dma_wait3A_70 : memref<16xf32, #tpu.memory_space<hbm>>)
      tpu.yield
    }) : () -> ()
    return
  }
}

module attributes {stable_mosaic.version = 14 : i64} {
  func.func @_finish_body(%arg0: memref<32x16xf32, #tpu.memory_space<vmem>>, %arg1: memref<1x1xf32, #tpu.memory_space<smem>>) attributes {dimension_semantics = [], scalar_prefetch = 0 : i64, scratch_operands = 0 : i64, tpu.core_type = #tpu.core_type<tc>} {
    %get3A = arith.constant 0 : index
    %get3A_0 = arith.constant 0 : index
    %get3A_1 = vector.load %arg0[%get3A, %get3A_0] : memref<32x16xf32, #tpu.memory_space<vmem>>, vector<32x16xf32>
    %reduce_sum3A = vector.shape_cast %get3A_1 : vector<32x16xf32> to vector<1x32x16xf32>
    %reduce_sum3A_2 = arith.constant dense<0.000000e+00> : vector<1xf32>
    %reduce_sum3A_3 = vector.multi_reduction <add>, %reduce_sum3A, %reduce_sum3A_2 [1, 2] : vector<1x32x16xf32> to vector<1xf32>
    %reduce_sum3A_4 = vector.shape_cast %reduce_sum3A_3 : vector<1xf32> to vector<1x1x1xf32>
    %reduce_sum3A_5 = vector.extract %reduce_sum3A_4[0, 0, 0] : f32 from vector<1x1x1xf32>
    %neg3A = arith.constant 0.000000e+00 : f32
    %neg3A_6 = arith.subf %neg3A, %reduce_sum3A_5 : f32
    %mul3A = arith.constant 6.10351563E-5 : f32
    %mul3A_7 = arith.mulf %neg3A_6, %mul3A : f32
    %swap3A = arith.constant 0 : index
    %swap3A_8 = arith.constant 0 : index
    %swap3A_9 = memref.load %arg1[%swap3A, %swap3A_8] : memref<1x1xf32, #tpu.memory_space<smem>>
    memref.store %mul3A_7, %arg1[%swap3A, %swap3A_8] : memref<1x1xf32, #tpu.memory_space<smem>>
    return
  }
}

</mosaic_0001>

<sc_bundles>
// kernel: _line_loss.4.cloned.1.call-start
scs
__scs_entry_jumppad:
0x0: {  	(pc) =	sbr.rel $0x88, $3  }
0x1: {  	(tag) =	ssettag $0x0;
	lr =	simm.s32 $0x1  }
0x2: {  	[smem:$0x3F9C] =	sst lr;
	_ =	strace $0xD0000000  }
0x3: {  	_ = 	snop  }
0x4: {  	_ = 	snop  }
0x5: {  	_ = 	snop  }
0x6: {  	_ = 	snop  }
0x7: {  	_ = 	snop  }
__scs_overlays_trampoline_lowered:
0x8: {  	[smem:$0x3FAB] =	sst s0  }
0x9: {  	[smem:$0x3FAC] =	sst s1  }
0xa: {  	[smem:$0x3FAD] =	sst s2  }
0xb: {  	[smem:$0x3FAE] =	sst s3  }
0xc: {  	[smem:$0x3FAF] =	sst s4  }
0xd: {  	[smem:$0x3FB0] =	sst s5  }
0xe: {  	[smem:$0x3FB1] =	sst s6  }
0xf: {  	[smem:$0x3FB2] =	sst s7  }
0x10: {  	[smem:$0x3FB3] =	sst s8  }
0x11: {  	[smem:$0x3FB4] =	sst s9;
	s0 =	simm.s32 @!p0 $0x0  }
0x12: {  	s1 =	sld [smem:$0x3F9A];
	s0 =	simm.s32 @p0 $0x1  }
0x13: {  	[smem:$0x3FB5] =	sst s0;
	s0 =	simm.s32 @!p1 $0x0  }
0x14: {  	s2 =	sld [smem:$0x3F99];
	s0 =	simm.s32 @p1 $0x1  }
0x15: {  	[smem:$0x3FB6] =	sst s0;
	s0 =	simm.s32 @!p2 $0x0  }
0x16: {  	s3 =	sld [smem:$0x3FDB];
	s0 =	simm.s32 @p2 $0x1  }
0x17: {  	s4 =	simm.s32 $0x1BF5;
	[smem:$0x3FB8] =	sst s0  }
0x18: {  	s0 =	sld [smem:$0x3F9B];
	_ =	swait.ge [sflag:s4], $0x0  }
0x19: {  	s7 =	sld [smem:$0x3F9C]  }
0x1a: {  	s8 =	sadd.s32 $0xFFFFE003, lr  }
0x1b: {  	s9 =	sadd.s32 $0xFFFFFEF7, lr;
	s5 =	simm.s32 $0xFFFFFFFF;
	p2 =	slt.u32 s8, $0xFFFFF086  }
0x1c: {  	p1 =	slt.u32 s9, $0xF7A;
	s5 =	simm.s32 @!p2 $0x0  }
0x1d: {  	s5 =	simm.s32 @p1 $0x1;
	p0 =	seq.s32 s7, s2  }
0x1e: {  	s7 =	smul.u32 @!p0 $0xF7A, s2;
	p2 =	seq.s32 @!p0 s5, $0x0  }
0x1f: {  	s9 =	smul.u32 $0xF7A, s1;
	s8 =	simm.s32 @!p0 $0x1BF5;
	p2 =	por !p2, p0  }
0x20: {  	[sflag:s8] =	ssyncset.s32 @!p0 $0xFFFFF086;
	s6 =	sadd.s32 @!p0 s3, s7;
	s7 =	simm.s32 @!p0 $0x108  }
0x21: {  	s3 =	sadd.s32 s3, s9;
	s6 =	sadd.s32 @!p0 $0x88, s6;
	s7 =	simm.s32 @p2 $0x1082  }
0x22: {  	[simem:s7], [sflag:s8] =	dma.local @!p0 [hbm:s6], $0xF7A  }
0x23: {  	s9 =	sor.u32 $0xD0000000, s2;
	s6 =	simm.s32 $0x108;
	_ =	swait.ge @!p0 [sflag:s8], $0x0  }
0x24: {  	s3 =	sadd.s32 $0x88, s3;
	s6 =	simm.s32 @!p1 $0x1082;
	[sflag:s4] =	ssyncset.s32 $0xFFFFF086  }
0x25: {  	[simem:s6], [sflag:s4] =	dma.local [hbm:s3], $0xF7A  }
0x26: {  	[smem:$0x3F9C] =	sst s1;
	(tag) =	ssettag s2;
	_ =	strace s9  }
0x27: {  	s1 =	sld [smem:$0x3FAC]  }
0x28: {  	s2 =	sld [smem:$0x3FAD]  }
0x29: {  	s4 =	sld [smem:$0x3FAF]  }
0x2a: {  	p0 =	seq.s32 s5, $0x0;
	s5 =	sld [smem:$0x3FB0]  }
0x2b: {  	s6 =	sld [smem:$0x3FB1]  }
0x2c: {  	s7 =	sld [smem:$0x3FB2]  }
0x2d: {  	s3 =	simm.s32 $0x108;
	s8 =	sld [smem:$0x3FB3]  }
0x2e: {  	s3 =	simm.s32 @!p0 $0x1082;
	s9 =	sld [smem:$0x3FB4]  }
0x2f: {  	lr =	sadd.s32 s0, s3;
	s0 =	sld [smem:$0x3FAB]  }
0x30: {  	s3 =	sld [smem:$0x3FAE]  }
0x31: {  	[smem:$0x3FB7] =	sst s10  }
0x32: {  	s10 =	sld [smem:$0x3FB5];
	_ =	sdelay $0x3  }
0x33: {  	p0 =	seq.s32 s10, $0x1;
	s10 =	sld [smem:$0x3FB7];
	_ =	sdelay $0x3  }
0x34: {  	[smem:$0x3FB7] =	sst s10  }
0x35: {  	s10 =	sld [smem:$0x3FB6];
	_ =	sdelay $0x3  }
0x36: {  	p1 =	seq.s32 s10, $0x1;
	s10 =	sld [smem:$0x3FB7];
	_ =	sdelay $0x3  }
0x37: {  	[smem:$0x3FB7] =	sst s10  }
0x38: {  	s10 =	sld [smem:$0x3FB8]  }
0x39: {  	_ = 	snop;
	(pc) =	sbr.ind lr, $3  }
0x3a: {  	_ = 	snop  }
0x3b: {  	_ = 	snop  }
0x3c: {  	p2 =	seq.s32 s10, $0x1;
	s10 =	sld [smem:$0x3FB7]  }
0x3d: {  	_ =	shalt  }
0x3e: {  	_ =	shalt  }
0x3f: {  	_ =	shalt  }
0x40: {  	_ =	shalt  }
0x41: {  	_ =	shalt  }
0x42: {  	_ =	shalt  }
0x43: {  	_ =	shalt  }
0x44: {  	_ =	shalt  }
0x45: {  	_ =	shalt  }
0x46: {  	_ =	shalt  }
0x47: {  	_ =	shalt  }
0x48: {  	_ =	shalt  }
0x49: {  	_ =	shalt  }
0x4a: {  	_ =	shalt  }
0x4b: {  	_ =	shalt  }
0x4c: {  	_ =	shalt  }
0x4d: {  	_ =	shalt  }
0x4e: {  	_ =	shalt  }
0x4f: {  	_ =	shalt  }
0x50: {  	_ =	shalt  }
0x51: {  	_ =	shalt  }
0x52: {  	_ =	shalt  }
0x53: {  	_ =	shalt  }
0x54: {  	_ =	shalt  }
0x55: {  	_ =	shalt  }
0x56: {  	_ =	shalt  }
0x57: {  	_ =	shalt  }
0x58: {  	_ =	shalt  }
0x59: {  	_ =	shalt  }
0x5a: {  	_ =	shalt  }
0x5b: {  	_ =	shalt  }
0x5c: {  	_ =	shalt  }
0x5d: {  	_ =	shalt  }
0x5e: {  	_ =	shalt  }
0x5f: {  	_ =	shalt  }
0x60: {  	_ =	shalt  }
0x61: {  	_ =	shalt  }
0x62: {  	_ =	shalt  }
0x63: {  	_ =	shalt  }
0x64: {  	_ =	shalt  }
0x65: {  	_ =	shalt  }
0x66: {  	_ =	shalt  }
0x67: {  	_ =	shalt  }
0x68: {  	_ =	shalt  }
0x69: {  	_ =	shalt  }
0x6a: {  	_ =	shalt  }
0x6b: {  	_ =	shalt  }
0x6c: {  	_ =	shalt  }
0x6d: {  	_ =	shalt  }
0x6e: {  	_ =	shalt  }
0x6f: {  	_ =	shalt  }
0x70: {  	_ =	shalt  }
0x71: {  	_ =	shalt  }
0x72: {  	_ =	shalt  }
0x73: {  	_ =	shalt  }
0x74: {  	_ =	shalt  }
0x75: {  	_ =	shalt  }
0x76: {  	_ =	shalt  }
0x77: {  	_ =	shalt  }
0x78: {  	_ =	shalt  }
0x79: {  	_ =	shalt  }
0x7a: {  	_ =	shalt  }
0x7b: {  	_ =	shalt  }
0x7c: {  	_ =	shalt  }
0x7d: {  	_ =	shalt  }
0x7e: {  	_ =	shalt  }
0x7f: {  	_ =	shalt  }
0x80: {  	_ =	shalt  }
0x81: {  	_ =	shalt  }
0x82: {  	_ =	shalt  }
0x83: {  	_ =	shalt  }
0x84: {  	_ =	shalt  }
0x85: {  	_ =	shalt  }
0x86: {  	_ =	shalt  }
0x87: {  	_ =	shalt  }
.Lfunc_end0:
.L_simem_size_0:
called_computation_lowered:
.L_overlay_start_0:
0x88: {  	s2 =	sld [smem:$0x3FD9]  }
0x89: {  	s3 =	sld [smem:$0x3FFE];
	_ =	sdelay $0x1  }
0x8a: {  	s1 =	srdreg.scid  }
0x8b: {  	s0 =	sand.u32 $0x1, s1  }
0x8c: {  	s17 =	sshll.u32 s0, $0xA;
	s2 =	sadd.s32 s3, s2  }
0x8d: {  	s2 =	sadd.s32 s2, s17  }
0x8e: {  	[smem:$0x3FC3] =	sst s2  }
0x8f: {  	_ = 	snop  }
0x90: {  	s2 =	sld [smem:$0x3FC9]  }
0x91: {  	s18 =	sld [smem:$0x3FC8]  }
0x92: {  	s4 =	sld [smem:$0x3FC7]  }
0x93: {  	s5 =	sld [smem:$0x3FC6]  }
0x94: {  	s6 =	sld [smem:$0x3FC5];
	(tm) =	ssettm $0x1  }
0x95: {  	s7 =	sld [smem:$0x3FFB];
	_ =	sdelay $0x3  }
0x96: {  	_ =	strace s7  }
0x97: {  	s7 =	sld [smem:$0x3FFC];
	_ =	sdelay $0x3  }
0x98: {  	_ =	strace s7  }
0x99: {  	s7 =	sld [smem:$0x3FFD];
	_ =	sdelay $0x3  }
0x9a: {  	_ =	strace s7  }
0x9b: {  	_ =	strace $0x8FFFFFFF  }
0x9c: {  	s19 =	sld [smem:$0x3FDB];
	_ =	sdelay $0x1  }
0x9d: {  	s8 =	simm.s32 $_scs_section_size  }
0x9e: {  	s9 =	simm.s32 $_size__tile_overlayer_lowered;
	s10 =	simm.s32 $_tile_overlayer_lowered  }
0x9f: {  	s22 =	simm.s32 $0x1BFF;
	s21 =	sshll.u32 s10, $0x1;
	s7 =	sadd.s32 s8, s19  }
0xa0: {  	s11 =	simm.s32 $0x0;
	s20 =	sshll.u32 s9, $0x1;
	s9 =	sadd.s32 s21, s7  }
0xa1: {  	[timem:s11], [sflag:s22] =	dma.local [hbm:s9], s20  }
0xa2: {  	_ =	swait.ge [sflag:s22], s20  }
0xa3: {  	s8 =	ssub.s32 $0x0, s20;
	[sflag:s22] =	ssyncset.done $0x0  }
0xa4: {  	[sflag:s22] =	ssyncadd.s32 s8;
	_ =	sdelay $0x1  }
0xa5: {  	s23 =	simm.s32 $0x1B8B  }
0xa6: {  	_ =	swait.ge [sflag:s23], $0x1  }
0xa7: {  	[sflag:s23] =	ssyncset.done $0x0  }
0xa8: {  	s25 =	simm.s32 $0x1B8E;
	s24 =	sld [smem:$0x3FFE];
	[sflag:s23] =	ssyncadd.s32 $0xFFFFFFFF  }
0xa9: {  	s26 =	simm.s32 $execute0_lowered;
	[smem:$0x3FD2] =	sst s25  }
0xaa: {  	s9 =	sshll.u32 s26, $0x1;
	_ =	strace $0x80000046;
	[dreg:$0x1] =	wrdreg $0xFFFFFFFF  }
0xab: {  	s28 =	simm.s32 $_size_execute0_lowered;
	s7 =	sadd.s32 s7, s9;
	[dreg:$0x0] =	wrdreg $0x0  }
0xac: {  	s9 =	sshll.u32 s28, $0x1;
	[dreg:$0x2] =	wrdreg s7  }
0xad: {  	[dreg:$0x3] =	wrdreg s9  }
0xae: {  	[dreg:$0x4] =	wrdreg $0xC0  }
0xaf: {  	_ =	task [dreg:s11], $0x5FFFF  }
0xb0: {  	[dreg:$0x1] =	wrdreg $0xFFFFFFFF  }
0xb1: {  	[dreg:$0x0] =	wrdreg $0x60  }
0xb2: {  	[dreg:$0x2] =	wrdreg s5  }
0xb3: {  	[dreg:$0x3] =	wrdreg s6  }
0xb4: {  	[dreg:$0x4] =	wrdreg s2  }
0xb5: {  	[dreg:$0x5] =	wrdreg s18  }
0xb6: {  	[dreg:$0x6] =	wrdreg s4  }
0xb7: {  	[dreg:$0x7] =	wrdreg s24  }
0xb8: {  	[dreg:$0x8] =	wrdreg $0x9  }
0xb9: {  	_ =	task.clear_ibuf [dreg:s11], $0x9FFFF;
	_ =	strace $0x90000046  }
0xba: {  	s29 =	simm.s32 $0x9;
	_ =	strace $0x80000048  }
0xbb: {  	_ =	swait.ge [sflag:s29], $0x1  }
0xbc: {  	[sflag:s29] =	ssyncadd.s32 $0xFFFFFFFF  }
0xbd: {  	_ =	strace $0x90000048  }
0xbe: {  	_ =	sfence  }
0xbf: {  	s30 =	sld [smem:$0x0];
	_ =	sdelay $0x2  }
0xc0: {  	s31 =	sshll.u32 s1, $0xD;
	s1 =	sshrl.u32 s1, $0x2  }
0xc1: {  	s3 =	sand.u32 $0x4000, s31;
	s1 =	sadd.s32 s1, s30  }
0xc2: {  	s0 =	sor.u32 s3, s0;
	s1 =	sshll.u32 s1, $0x11  }
0xc3: {  	s0 =	sor.u32 s1, s0  }
0xc4: {  	s0 =	sadd.s32 $0x8F2B, s0  }
0xc5: {  	[sflag:s0] =	ssyncadd.remote.s32 $0x1  }
0xc6: {  	_ =	sfence.sel $0xFFFF  }
0xc7: {  	[dreg:$0x0] =	wrdreg $0xFFFFFFFF;
	(pc) =	sbr.abs _section_cstart, $3  }
0xc8: {  	[dreg:$0x1] =	wrdreg $0xFFFFFFFF  }
0xc9: {  	_ =	task.clear_ibuf [dreg:s11], $0x2FFFF;
	_ =	strace $0x9FFFFFFF  }
0xca: {  	(tm) =	ssettm $0x7FFFFFFF  }
0xcb: {  	_ =	shalt  }
tec
execute0_lowered:
.L_overlay_start_1:
0x0: {  	(tag) =	ssettag $0x1  }
0x1: {  	s1 =	rddreg [dreg:$0x0]  }
0x2: {  	s2 =	rddreg [dreg:$0x1]  }
0x3: {  	s0 =	rddreg [dreg:$0x2]  }
0x4: {  	s3 =	rddreg [dreg:$0x3];
	v0 =	vlaneseq.u32  }
0x5: {  	s7 =	rddreg [dreg:$0x4];
	s4 =	simm.s32 $0x0;
	v1 =	vmul.u32 $0x80, v0  }
0x6: {  	[smem:$0x7FF] =	sst s4;
	v7 =	vmul.u32 $0xA00, v0  }
0x7: {  	s5 =	rddreg [dreg:$0x5];
	_ =	strace $0x80000047;
	[tilespmem:$0x1FEF0] =	vst v1  }
0x8: {  	v1 =	vadd.s32 $0x300, v7;
	[tilespmem:$0x1FF90] =	vst v7  }
0x9: {  	v16 =	vor.u32 $0x80, v7;
	[tilespmem:$0x1FF00] =	vst v1  }
0xa: {  	v17 =	vor.u32 $0x100, v7;
	[tilespmem:$0x1FFA0] =	vst v16  }
0xb: {  	v18 =	vor.u32 $0x180, v7;
	[tilespmem:$0x1FFB0] =	vst v17  }
0xc: {  	v3 =	vadd.s32 $0x200, v7;
	[tilespmem:$0x1FFC0] =	vst v18  }
0xd: {  	s6 =	srdreg.scid;
	s8 =	stileid.u32;
	s12 =	simm.s32 $0x3;
	v6 =	vadd.s32 $0x280, v7;
	[tilespmem:$0x1FFD0] =	vst v3  }
0xe: {  	s13 =	simm.s32 $0x10;
	s14 =	simm.s32 $0x2C00;
	s15 =	simm.s32 $0x3400;
	v22 =	vadd.s32 $0x680, v7;
	[tilespmem:$0x1FFE0] =	vst v6  }
0xf: {  	s16 =	simm.s32 $0x80;
	s17 =	simm.s32 $0x3C00;
	s20 =	simm.s32 $0x40;
	v1 =	vadd.s32 $0x380, v7;
	[tilespmem:$0x1FFF0] =	vst v22  }
0x10: {  	s23 =	simm.s32 $0xDC00;
	s24 =	simm.s32 $0xE400;
	s25 =	simm.s32 $0xEC00;
	[tilespmem:$0x1FF10] =	vst v1;
	v1 =	vadd.s32 $0x400, v7  }
0x11: {  	s26 =	simm.s32 $0x12C00;
	s6 =	sand.u32 $0x1, s6;
	s8 =	sshll.u32 s8, $0x1;
	[tilespmem:$0x1FF20] =	vst v1;
	v1 =	vadd.s32 $0x480, v7  }
0x12: {  	s28 =	simm.s32 $0x16C00;
	s29 =	simm.s32 $0x1;
	s8 =	sor.u32 s6, s8;
	[tilespmem:$0x1FF30] =	vst v1;
	v1 =	vadd.s32 $0x500, v7  }
0x13: {  	s30 =	simm.s32 $0x2;
	s6 =	ssub.s32 $0x2, s6;
	s9 =	sshll.u32 s8, $0x4;
	[tilespmem:$0x1FF40] =	vst v1;
	v1 =	vadd.s32 $0x580, v7  }
0x14: {  	s10 =	sshrl.u32 s6, $0x1;
	s11 =	sshll.u32 s8, $0x6;
	s8 =	smul.u32 $0x500, s8;
	[tilespmem:$0x1FF50] =	vst v1;
	v1 =	vadd.s32 $0x600, v7  }
0x15: {  	s9 =	sadd.s32 s9, s5;
	s10 =	ssub.s32 s6, s10;
	s5 =	sadd.s32 s0, s11;
	[tilespmem:$0x1FF60] =	vst v1;
	v1 =	vadd.s32 $0x700, v7  }
0x16: {  	s6 =	sadd.s32 s3, s11;
	s0 =	simm.s32 $0x4;
	s3 =	simm.s32 $0x0;
	[tilespmem:$0x1FF70] =	vst v1;
	v1 =	vadd.s32 $0x780, v7  }
0x17: {  	s7 =	sadd.s32 s7, s8;
	s8 =	sadd.s32 $0x600, s9;
	s9 =	smax.u32 s10, $0x1;
	[tilespmem:$0x1FF80] =	vst v1  }
.LBB2_1:
0x18: {  	[tilespmem:s4], [sflag:$0x3] =	stream.linear.gather [hbm4b:s5+s4], $0x200, $0x38;
	[tilespmem:$0x18C80] =	vst v63  }
0x19: {  	s10 =	simm.s32 $0x200  }
0x1a: {  	[tilespmem:s10], [sflag:$0x3] =	stream.linear.gather [hbm4b:s6+s4], $0x200, $0x38;
	[tilespmem:$0x18C80] =	vst v63  }
0x1b: {  	s11 =	simm.s32 $0x400  }
0x1c: {  	[tilespmem:s11], [sflag:$0x3] =	stream.linear.gather [hbm4b:s7+s4], $0x2800, $0x38;
	[tilespmem:$0x18C80] =	vst v63  }
0x1d: {  	_ =	swait.ge [sflag:s12], $0x200  }
0x1e: {  	[sflag:s12] =	ssyncset.done $0x0  }
0x1f: {  	[sflag:s12] =	ssyncadd.s32 $0xFFFFFE00  }
0x20: {  	_ =	swait.ge [sflag:s12], $0x200  }
0x21: {  	[sflag:s12] =	ssyncset.done $0x0  }
0x22: {  	[sflag:s12] =	ssyncadd.s32 $0xFFFFFE00  }
0x23: {  	_ =	swait.ge [sflag:s12], $0x2800  }
0x24: {  	[sflag:s12] =	ssyncset.done $0x0  }
0x25: {  	v1 =	vimm.f32 $0.0e+00;
	[sflag:s12] =	ssyncadd.s32 $0xFFFFD800  }
0x26: {  	[tilespmem:$0x18C00] =	vst v1  }
0x27: {  	[tilespmem:s14], [sflag:$0x1] =	stream.indirect.gather [hbm4b:s1+s13], $0x80, s4, s13, $0xb8;
	[tilespmem:$0x18C80] =	vst v63  }
0x28: {  	_ = 	snop  }
0x29: {  	[tilespmem:s15], [sflag:$0x1] =	stream.indirect.gather [hbm4b:s2+s13], $0x80, s10, s13, $0xb8;
	[tilespmem:$0x18C80] =	vst v63  }
0x2a: {  	_ = 	snop  }
0x2b: {  	[tilespmem:s17], [sflag:$0x1] =	stream.indirect.gather [hbm4b:s2+s16], $0x80, s11, s16, $0xb8;
	[tilespmem:$0x18C80] =	vst v63  }
0x2c: {  	s19 =	simm.s32 $0x480;
	s21 =	simm.s32 $0x7C00  }
0x2d: {  	[tilespmem:s21], [sflag:$0x1] =	stream.indirect.gather [hbm4b:s2+s16], $0x80, s19, s16, $0xb8;
	[tilespmem:$0x18C80] =	vst v63  }
0x2e: {  	s22 =	simm.s32 $0x500;
	s31 =	simm.s32 $0xBC00;
	s18 =	simm.s32 $0x0  }
0x2f: {  	[tilespmem:s31], [sflag:$0x1] =	stream.indirect.gather [hbm4b:s2+s20], $0x80, s22, s20, $0xb8;
	[tilespmem:$0x18C80] =	vst v63  }
.LBB2_2:
0x30: {  	s19 =	sshllo.u32 s18, $0x1  }
0x31: {  	s21 =	sshll.u32 s19, $0x4;
	s19 =	smul.u32 $0x500, s19  }
0x32: {  	[tilespmem:s23], [sflag:$0x2] =	stream.indirect.gather [hbm4b:s1+s13], $0x80, s21, s13, $0xb8;
	[tilespmem:$0x18C80] =	vst v63  }
0x33: {  	s21 =	sadd.s32 $0x200, s21;
	s19 =	sshra.s32 s19, $0x2  }
0x34: {  	[tilespmem:s24], [sflag:$0x2] =	stream.indirect.gather [hbm4b:s2+s13], $0x80, s21, s13, $0xb8;
	[tilespmem:$0x18C80] =	vst v63  }
0x35: {  	s31 =	sadd.s32 $0x400, s19  }
0x36: {  	[tilespmem:s25], [sflag:$0x2] =	stream.indirect.gather [hbm4b:s2+s16], $0x80, s31, s16, $0xb8;
	[tilespmem:$0x18C80] =	vst v63  }
0x37: {  	s10 =	sadd.s32 $0x480, s19  }
0x38: {  	[tilespmem:s26], [sflag:$0x2] =	stream.indirect.gather [hbm4b:s2+s16], $0x80, s10, s16, $0xb8;
	[tilespmem:$0x18C80] =	vst v63  }
0x39: {  	s19 =	sadd.s32 $0x500, s19  }
0x3a: {  	[tilespmem:s28], [sflag:$0x2] =	stream.indirect.gather [hbm4b:s2+s20], $0x80, s19, s20, $0xb8;
	[tilespmem:$0x18C80] =	vst v63  }
0x3b: {  	_ =	swait.ge [sflag:s29], $0x800  }
0x3c: {  	[sflag:s29] =	ssyncset.done $0x0  }
0x3d: {  	[sflag:s29] =	ssyncadd.s32 $0xFFFFF800  }
0x3e: {  	_ =	swait.ge [sflag:s29], $0x800  }
0x3f: {  	[sflag:s29] =	ssyncset.done $0x0  }
0x40: {  	[sflag:s29] =	ssyncadd.s32 $0xFFFFF800  }
0x41: {  	_ =	swait.ge [sflag:s29], $0x4000  }
0x42: {  	[sflag:s29] =	ssyncset.done $0x0  }
0x43: {  	[sflag:s29] =	ssyncadd.s32 $0xFFFFC000  }
0x44: {  	s11 =	simm.s32 $0x1;
	_ =	swait.ge [sflag:s29], $0x4000  }
0x45: {  	v4 =	vadd.s32 s11, v0;
	[sflag:s29] =	ssyncset.done $0x0  }
0x46: {  	v1 =	vor.u32 v6, v4;
	s21 =	simm.s32 $0x2;
	[sflag:s29] =	ssyncadd.s32 $0xFFFFC000  }
0x47: {  	s22 =	simm.s32 $0x0;
	v2 =	vor.u32 v18, v4;
	v9 =	vadd.s32 s21, v0;
	v15 =	vld [tilespmem:$0x1FEF0];
	_ =	swait.ge [sflag:s29], $0x2000  }
0x48: {  	v13 =	vadd.s32 s22, v0;
	v19 =	vor.u32 v16, v9;
	s31 =	simm.s32 $0x3;
	[sflag:s29] =	ssyncset.done $0x0  }
0x49: {  	v11 =	vand.u32 $0x7F, v13;
	v32 =	vor.u32 v16, v13;
	v36 =	vadd.s32 s31, v0;
	[sflag:s29] =	ssyncadd.s32 $0xFFFFE000  }
0x4a: {  	v43 =	vor.u32 v3, v11;
	v37 =	vand.u32 $0x7F, v36;
	v5 =	vld [tilespmem:$0x18C00]  }
0x4b: {  	v44 =	vor.u32 v7, v37;
	v1 =	vld.idx.msk [tilespmem:v1+s17+$0x0], $0xffff  }
0x4c: {  	v46 =	vor.u32 v18, v13;
	v23 =	vld.idx.msk [tilespmem:v2+s17+$0x0], $0xffff  }
0x4d: {  	v47 =	vor.u32 v7, v11;
	v40 =	vld.idx.msk [tilespmem:v19+s17+$0x0], $0xffff  }
0x4e: {  	v8 =	vand.u32 $0x7F, v4;
	[tilespmem:$0x1FE50] =	vst v4;
	v4 =	vor.u32 v16, v4;
	v42 =	vld.idx.msk [tilespmem:v32+s17+$0x0], $0xffff  }
0x4f: {  	v10 =	vand.u32 $0x7F, v9;
	v20 =	vor.u32 v15, v8;
	v25 =	vld.idx.msk [tilespmem:v43+s17+$0x0], $0xffff  }
0x50: {  	v2 =	vor.u32 v7, v10;
	v57 =	vld.idx.msk [tilespmem:v44+s17+$0x0], $0xffff  }
0x51: {  	v12 =	vor.u32 v15, v11;
	v55 =	vld.idx.msk [tilespmem:v46+s17+$0x0], $0xffff  }
0x52: {  	v58 =	vld.idx.msk [tilespmem:v47+s17+$0x0], $0xffff;
	[tilespmem:$0x1FE60] =	vst v5;
	v5 =	vor.u32 v18, v9  }
0x53: {  	v14 =	vor.u32 v15, v10;
	v4 =	vld.idx.msk [tilespmem:v4+s17+$0x0], $0xffff  }
0x54: {  	v31 =	vld.idx.msk [tilespmem:v20+s14+$0x0], $0xffff  }
0x55: {  	v39 =	vor.u32 v15, v37;
	v41 =	vld.idx.msk [tilespmem:v2+s17+$0x0], $0xffff  }
0x56: {  	v2 =	vor.u32 v17, v37;
	v34 =	vld.idx.msk [tilespmem:v12+s14+$0x0], $0xffff  }
0x57: {  	v35 =	vor.u32 v17, v8;
	[tilespmem:$0x1FE80] =	vst v11;
	v33 =	vld.idx.msk [tilespmem:v5+s17+$0x0], $0xffff;
	v5 =	vor.u32 v16, v36  }
0x58: {  	v60 =	vor.u32 v17, v11;
	v26 =	vor.u32 v7, v8;
	[tilespmem:$0x1FE90] =	vst v13;
	v29 =	vld.idx.msk [tilespmem:v14+s14+$0x0], $0xffff  }
0x59: {  	v54 =	vor.u32 v3, v8;
	v48 =	vor.u32 v3, v10;
	[tilespmem:$0x1FEA0] =	vst v9;
	v38 =	vld.idx.msk [tilespmem:v14+s15+$0x0], $0xffff  }
0x5a: {  	v61 =	vimm.f32 $0.0e+00;
	v49 =	vor.u32 v17, v10;
	v53 =	vor.u32 v18, v36;
	[tilespmem:$0x1FEB0] =	vst v10;
	v32 =	vld.idx.msk [tilespmem:v39+s14+$0x0], $0xffff  }
0x5b: {  	v0 =	vimm.f32 $0.0e+00;
	[tilespmem:$0x1FED0] =	vst v8;
	v46 =	vor.u32 v6, v36;
	v47 =	vor.u32 v3, v37;
	v45 =	vld.idx.msk [tilespmem:v2+s17+$0x0], $0xffff  }
0x5c: {  	v2 =	vmul.f32 v1, v31;
	v1 =	vor.u32 v6, v9;
	v42 =	vmul.f32 v42, v34;
	v56 =	vld.idx.msk [tilespmem:v5+s17+$0x0], $0xffff  }
0x5d: {  	v60 =	vld.idx.msk [tilespmem:v60+s17+$0x0], $0xffff;
	v43 =	vimm.f32 $0.0e+00;
	[tilespmem:$0x1FE70] =	vst v14;
	v52 =	vmul.f32 v40, v29;
	v23 =	vmul.f32 v23, v31  }
0x5e: {  	v50 =	vld.idx.msk [tilespmem:v39+s15+$0x0], $0xffff;
	v4 =	vmul.f32 v4, v31;
	v39 =	vmul.f32 v25, v34;
	v63 =	vadd.f32 v42, v0  }
0x5f: {  	v62 =	vld.idx.msk [tilespmem:v26+s17+$0x0], $0xffff;
	v19 =	vmovc v6;
	[tilespmem:$0x1FEC0] =	vst v12;
	v36 =	vmul.f32 v38, v29;
	v40 =	vimm.f32 $0.0e+00;
	v42 =	vimm.f32 $0.0e+00  }
0x60: {  	v51 =	vld.idx.msk [tilespmem:v12+s15+$0x0], $0xffff;
	v63 =	vadd.f32 v4, v63;
	v5 =	vor.u32 v6, v13;
	v33 =	vmul.f32 v33, v29  }
0x61: {  	s22 =	simm.s32 $0x4;
	s19 =	sshll.u32 s18, $0x1;
	[tilespmem:$0x1FEE0] =	vst v20;
	v38 =	vmovc v20;
	v0 =	vmovc v7;
	v59 =	vld.idx.msk [tilespmem:v1+s17+$0x0], $0xffff;
	v1 =	vimm.f32 $0.0e+00;
	v37 =	vmul.f32 v56, v32;
	v56 =	vimm.f32 $0.0e+00  }
.LBB2_3:
0x62: {  	s31 =	sadd.s32 $0x1, s22  }
0x63: {  	s10 =	sadd.s32 $0x3, s22;
	v27 =	vmul.f32 v50, v32;
	v44 =	vmul.f32 v57, v32;
	v50 =	vld.idx.msk [tilespmem:v46+s17+$0x0], $0xffff;
	s11 =	smov.u32 s22;
	s21 =	sadd.s32 $0x4, s22;
	v6 =	vlaneseq.u32  }
0x64: {  	p0 =	slt.u32 s22, $0x7C;
	v58 =	vmul.f32 v58, v34;
	v57 =	vadd.s32 s31, v6;
	v46 =	vadd.s32 s10, v6;
	v53 =	vld.idx.msk [tilespmem:v53+s17+$0x0], $0xffff  }
0x65: {  	v55 =	vmul.f32 v55, v34;
	v26 =	vmul.f32 v41, v29;
	v4 =	vand.u32 $0x7F, v57;
	v5 =	vld.idx.msk [tilespmem:v5+s17+$0x0], $0xffff  }
0x66: {  	v52 =	vadd.f32 v52, v63;
	v59 =	vmul.f32 v59, v29;
	v41 =	vor.u32 v15, v4;
	v35 =	vld.idx.msk [tilespmem:v35+s17+$0x0], $0xffff  }
0x67: {  	v63 =	vor.u32 v18, v57;
	v58 =	vadd.f32 v58, v61;
	v60 =	vmul.f32 v60, v34;
	v48 =	vld.idx.msk [tilespmem:v48+s17+$0x0], $0xffff  }
0x68: {  	v61 =	vor.u32 v19, v57;
	v55 =	vadd.f32 v55, v56;
	v62 =	vmul.f32 v62, v31;
	v56 =	vld.idx.msk [tilespmem:v38+s15+$0x0], $0xffff  }
0x69: {  	v28 =	vmul.f32 v45, v32;
	s10 =	sadd.s32 $0x2, s11;
	v57 =	vor.u32 v16, v57;
	v21 =	vmul.f32 v50, v32;
	v54 =	vld.idx.msk [tilespmem:v54+s17+$0x0], $0xffff  }
0x6a: {  	v45 =	vadd.s32 s10, v6;
	v50 =	vmul.f32 v51, v34;
	v38 =	vmovc v41;
	v51 =	vmul.f32 v53, v32;
	v49 =	vld.idx.msk [tilespmem:v49+s17+$0x0], $0xffff  }
0x6b: {  	v20 =	vand.u32 $0x7F, v45;
	v53 =	vor.u32 v18, v45;
	v5 =	vmul.f32 v5, v34;
	v41 =	vld.idx.msk [tilespmem:v41+s14+$0x0], $0xffff  }
0x6c: {  	v34 =	vor.u32 v15, v20;
	v1 =	vadd.f32 v50, v1;
	v50 =	vmul.f32 v35, v31;
	v47 =	vld.idx.msk [tilespmem:v47+s17+$0x0], $0xffff  }
0x6d: {  	v25 =	vor.u32 v16, v45;
	v35 =	vor.u32 v17, v4;
	v22 =	vmul.f32 v48, v29;
	v61 =	vld.idx.msk [tilespmem:v61+s17+$0x0], $0xffff  }
0x6e: {  	v24 =	vor.u32 v0, v20;
	v48 =	vadd.s32 s11, v6;
	v56 =	vmul.f32 v56, v31;
	v63 =	vld.idx.msk [tilespmem:v63+s17+$0x0], $0xffff  }
0x6f: {  	v30 =	vand.u32 $0x7F, v48;
	v6 =	vor.u32 v16, v48;
	v54 =	vmul.f32 v54, v31;
	v7 =	vld.idx.msk [tilespmem:v57+s17+$0x0], $0xffff  }
0x70: {  	v43 =	vadd.f32 v60, v43;
	v8 =	vor.u32 v15, v30;
	v9 =	vor.u32 v0, v30;
	v53 =	vld.idx.msk [tilespmem:v53+s17+$0x0], $0xffff  }
0x71: {  	v60 =	vor.u32 v17, v30;
	v30 =	vor.u32 v3, v30;
	v49 =	vmul.f32 v49, v29;
	v29 =	vld.idx.msk [tilespmem:v34+s14+$0x0], $0xffff  }
0x72: {  	v11 =	vand.u32 $0x7F, v46;
	v42 =	vadd.f32 v5, v42;
	v57 =	vor.u32 v16, v46;
	v31 =	vmovc v41;
	v10 =	vld.idx.msk [tilespmem:v34+s15+$0x0], $0xffff  }
0x73: {  	v1 =	vadd.f32 v56, v1;
	v12 =	vmul.f32 v61, v31;
	v41 =	vld.idx.msk [tilespmem:v24+s17+$0x0], $0xffff;
	v24 =	vor.u32 v15, v11  }
0x74: {  	v58 =	vadd.f32 v62, v58;
	v56 =	vor.u32 v18, v48;
	v61 =	vor.u32 v17, v11;
	v25 =	vld.idx.msk [tilespmem:v25+s17+$0x0], $0xffff  }
0x75: {  	v39 =	vadd.f32 v39, v40;
	v37 =	vadd.f32 v37, v52;
	v5 =	vor.u32 v19, v48;
	v6 =	vld.idx.msk [tilespmem:v6+s17+$0x0], $0xffff  }
0x76: {  	v40 =	vor.u32 v0, v11;
	v43 =	vadd.f32 v50, v43;
	v62 =	vmul.f32 v47, v32;
	v34 =	vld.idx.msk [tilespmem:v8+s14+$0x0], $0xffff  }
0x77: {  	v23 =	vadd.f32 v23, v55;
	v1 =	vadd.f32 v36, v1;
	v13 =	vmul.f32 v53, v29;
	v14 =	vld.idx.msk [tilespmem:v57+s17+$0x0], $0xffff  }
0x78: {  	v2 =	vadd.f32 v2, v42;
	v36 =	vor.u32 v19, v45;
	v42 =	vadd.f32 v49, v43;
	v50 =	vld.idx.msk [tilespmem:v24+s15+$0x0], $0xffff  }
0x79: {  	v48 =	vor.u32 v3, v20;
	v1 =	vadd.f32 v27, v1;
	v53 =	vor.u32 v18, v46;
	v45 =	vld.idx.msk [tilespmem:v61+s17+$0x0], $0xffff  }
0x7a: {  	v2 =	vadd.f32 v59, v2;
	v27 =	vor.u32 v0, v4;
	v32 =	vld.idx.msk [tilespmem:v24+s14+$0x0], $0xffff;
	v24 =	vadd.f32 v54, v39  }
0x7b: {  	v43 =	vadd.f32 v28, v42;
	v52 =	vmul.f32 v25, v29;
	v25 =	vadd.f32 v26, v58;
	v57 =	vld.idx.msk [tilespmem:v40+s17+$0x0], $0xffff  }
0x7c: {  	v28 =	vadd.f32 v33, v23;
	v42 =	vadd.f32 v21, v2;
	v6 =	vmul.f32 v6, v34;
	v26 =	vld.idx.msk [tilespmem:v30+s17+$0x0], $0xffff  }
0x7d: {  	v23 =	vmul.f32 v63, v31;
	v46 =	vor.u32 v19, v46;
	v2 =	vadd.f32 v22, v24;
	v55 =	vld.idx.msk [tilespmem:v56+s17+$0x0], $0xffff  }
.Ltmp0:
0x7e: {  	v49 =	vor.u32 v17, v20;
	v47 =	vor.u32 v3, v11;
	v56 =	vadd.f32 v51, v28;
	v58 =	vld.idx.msk [tilespmem:v9+s17+$0x0], $0xffff;
	(pc) =	sbr.rel @p0 .LBB2_3-.Ltmp0, $4  }
0x7f: {  	v7 =	vmul.f32 v7, v31;
	v54 =	vor.u32 v3, v4;
	v40 =	vadd.f32 v62, v2;
	v51 =	vld.idx.msk [tilespmem:v8+s15+$0x0], $0xffff  }
0x80: {  	v61 =	vadd.f32 v44, v25;
	v4 =	vadd.f32 v6, v37;
	v37 =	vmul.f32 v14, v32;
	v59 =	vld.idx.msk [tilespmem:v36+s17+$0x0], $0xffff  }
0x81: {  	v33 =	vmov v13;
	v2 =	vmov v12;
	v60 =	vld.idx.msk [tilespmem:v60+s17+$0x0], $0xffff  }
0x82: {  	s22 =	smov.u32 s21;
	v63 =	vadd.f32 v7, v4;
	v36 =	vmul.f32 v10, v29;
	v39 =	vmul.f32 v26, v34;
	v62 =	vld.idx.msk [tilespmem:v27+s17+$0x0], $0xffff  }
0x83: {  	v17 =	vld [tilespmem:$0x1FF10]  }
0x84: {  	v0 =	vld [tilespmem:$0x1FE50]  }
0x85: {  	v8 =	vmul.f32 v57, v32;
	v57 =	vld [tilespmem:$0x1FF30]  }
0x86: {  	v20 =	vmul.f32 v59, v29;
	v59 =	vld [tilespmem:$0x1FF50];
	_ =	sdelay $0x3  }
0x87: {  	v4 =	vld.idx.msk [tilespmem:v46+s17+$0x0], $0xffff  }
0x88: {  	v28 =	vor.u32 v17, v0;
	v44 =	vor.u32 v57, v0;
	v46 =	vor.u32 v59, v0;
	v0 =	vld [tilespmem:$0x1FEE0]  }
0x89: {  	v9 =	vld.idx.msk [tilespmem:v35+s17+$0x0], $0xffff  }
0x8a: {  	v21 =	vld.idx.msk [tilespmem:v38+s15+$0x0], $0xffff  }
0x8b: {  	v24 =	vld.idx.msk [tilespmem:v54+s17+$0x0], $0xffff;
	_ =	sdelay $0x1  }
0x8c: {  	v6 =	vld.idx.msk [tilespmem:v53+s17+$0x0], $0xffff;
	v30 =	vmul.f32 v51, v34  }
0x8d: {  	v5 =	vld.idx.msk [tilespmem:v5+s17+$0x0], $0xffff;
	v14 =	vadd.f32 v52, v63  }
0x8e: {  	v12 =	vld.idx.msk [tilespmem:v48+s17+$0x0], $0xffff;
	v1 =	vadd.f32 v30, v1;
	v25 =	vmul.f32 v62, v31;
	v9 =	vmul.f32 v9, v31  }
0x8f: {  	v21 =	vmul.f32 v21, v31;
	v30 =	vmul.f32 v24, v31;
	v31 =	vld.idx.msk [tilespmem:v0+s14+$0x0], $0xffff;
	v0 =	vadd.f32 v37, v14  }
0x90: {  	v27 =	vld.idx.msk [tilespmem:v49+s17+$0x0], $0xffff  }
0x91: {  	[tilespmem:$0x1FDE0] =	vst v0;
	v0 =	vld [tilespmem:$0x1FE70]  }
0x92: {  	v3 =	vld [tilespmem:$0x1FED0]  }
0x93: {  	v7 =	vmul.f32 v50, v32;
	v19 =	vld [tilespmem:$0x1FEA0];
	v22 =	vmul.f32 v60, v34  }
0x94: {  	v26 =	vmul.f32 v45, v32;
	v45 =	vld.idx.msk [tilespmem:v47+s17+$0x0], $0xffff;
	v5 =	vmul.f32 v5, v34  }
0x95: {  	v10 =	vmul.f32 v58, v34;
	v18 =	vld [tilespmem:$0x1FE90];
	v22 =	vadd.f32 v22, v43;
	v1 =	vadd.f32 v21, v1  }
0x96: {  	v11 =	vmul.f32 v55, v34;
	v48 =	vld [tilespmem:$0x1FEB0];
	v4 =	vmul.f32 v4, v32;
	v5 =	vadd.f32 v5, v42  }
0x97: {  	v16 =	vld [tilespmem:$0x1FF00];
	v24 =	vmul.f32 v27, v29;
	v9 =	vadd.f32 v9, v22;
	v1 =	vadd.f32 v36, v1  }
0x98: {  	v58 =	vld [tilespmem:$0x1FF40];
	v6 =	vmul.f32 v6, v32;
	v27 =	vor.u32 v17, v19;
	v2 =	vadd.f32 v2, v5  }
0x99: {  	v50 =	vmul.f32 v45, v32;
	v5 =	vadd.f32 v24, v9;
	v32 =	vld.idx.msk [tilespmem:v0+s14+$0x0], $0xffff;
	v0 =	vadd.f32 v7, v1  }
0x9a: {  	v10 =	vadd.f32 v10, v61;
	v11 =	vadd.f32 v11, v56;
	v60 =	vld [tilespmem:$0x1FF60];
	v47 =	vor.u32 v17, v18  }
0x9b: {  	v28 =	vld.idx.msk [tilespmem:v28+s17+$0x0], $0xffff;
	v2 =	vadd.f32 v20, v2;
	[tilespmem:$0x1FDF0] =	vst v0;
	v0 =	vadd.f32 v26, v5  }
0x9c: {  	v56 =	vor.u32 v16, v3;
	v10 =	vadd.f32 v25, v10;
	v25 =	vadd.f32 v39, v40;
	v39 =	vld.idx.msk [tilespmem:v44+s17+$0x0], $0xffff  }
0x9d: {  	v24 =	vld.idx.msk [tilespmem:v27+s17+$0x0], $0xffff;
	[tilespmem:$0x1FE00] =	vst v0;
	v0 =	vadd.f32 v4, v2  }
0x9e: {  	v1 =	vadd.f32 v30, v25;
	v25 =	vld [tilespmem:$0x1FE80]  }
0x9f: {  	v13 =	vmul.f32 v41, v29;
	v12 =	vmul.f32 v12, v29;
	v29 =	vor.u32 v59, v19;
	[tilespmem:$0x1FE10] =	vst v0;
	v0 =	vld [tilespmem:$0x1FEC0]  }
0xa0: {  	v63 =	vor.u32 v60, v3;
	v52 =	vld.idx.msk [tilespmem:v47+s17+$0x0], $0xffff  }
0xa1: {  	v47 =	vld.idx.msk [tilespmem:v56+s17+$0x0], $0xffff;
	v20 =	vor.u32 v57, v18  }
0xa2: {  	v51 =	vor.u32 v59, v18;
	v18 =	vld [tilespmem:$0x1FF20]  }
0xa3: {  	v11 =	vadd.f32 v23, v11;
	v49 =	vor.u32 v60, v48;
	v22 =	vld.idx.msk [tilespmem:v46+s17+$0x0], $0xffff  }
0xa4: {  	v23 =	vld.idx.msk [tilespmem:v29+s17+$0x0], $0xffff;
	v7 =	vor.u32 v16, v25  }
0xa5: {  	v21 =	vld.idx.msk [tilespmem:v63+s17+$0x0], $0xffff;
	v5 =	vadd.f32 v33, v11;
	v53 =	vor.u32 v60, v25  }
0xa6: {  	v61 =	vor.u32 v57, v19;
	v10 =	vadd.f32 v13, v10;
	v34 =	vld.idx.msk [tilespmem:v20+s17+$0x0], $0xffff  }
0xa7: {  	v20 =	vor.u32 v58, v3;
	v2 =	vor.u32 v18, v25;
	v27 =	vld.idx.msk [tilespmem:v0+s14+$0x0], $0xffff;
	v0 =	vadd.f32 v6, v5  }
0xa8: {  	v29 =	vmul.f32 v28, v31;
	v40 =	vmul.f32 v22, v31;
	v33 =	vld.idx.msk [tilespmem:v49+s17+$0x0], $0xffff;
	v4 =	vor.u32 v18, v3  }
0xa9: {  	s10 =	simm.s32 $0x3;
	v30 =	vor.u32 v58, v48;
	v1 =	vadd.f32 v12, v1;
	v7 =	vld.idx.msk [tilespmem:v7+s17+$0x0], $0xffff;
	[tilespmem:$0x1FE20] =	vst v0;
	v0 =	vlaneseq.u32  }
0xaa: {  	v26 =	vor.u32 v16, v48;
	v35 =	vmul.f32 v23, v32;
	v11 =	vld.idx.msk [tilespmem:v53+s17+$0x0], $0xffff;
	v54 =	vadd.s32 s10, v0  }
0xab: {  	v6 =	vld.idx.msk [tilespmem:v51+s17+$0x0], $0xffff;
	v0 =	vadd.f32 v50, v1;
	v1 =	vor.u32 v58, v25;
	v37 =	vand.u32 $0x7F, v54  }
0xac: {  	v62 =	vld.idx.msk [tilespmem:v2+s17+$0x0], $0xffff;
	v2 =	vmul.f32 v39, v31;
	v39 =	vimm.f32 $0.0e+00;
	v55 =	vor.u32 v15, v37  }
0xad: {  	v41 =	vld.idx.msk [tilespmem:v4+s17+$0x0], $0xffff;
	v5 =	vor.u32 v18, v48;
	v25 =	vmul.f32 v21, v31;
	v21 =	vor.u32 v16, v37  }
0xae: {  	v48 =	vld.idx.msk [tilespmem:v61+s17+$0x0], $0xffff;
	v61 =	vlaneseq.u32;
	v28 =	vor.u32 v57, v54;
	v63 =	vor.u32 v18, v37  }
0xaf: {  	v45 =	vor.u32 v59, v54;
	[tilespmem:$0x1FE30] =	vst v0;
	v0 =	vadd.f32 v8, v10;
	v7 =	vmul.f32 v7, v27  }
0xb0: {  	v4 =	vor.u32 v17, v54;
	v43 =	vld.idx.msk [tilespmem:v1+s17+$0x0], $0xffff;
	v1 =	vmul.f32 v6, v27;
	v6 =	vmul.f32 v52, v27  }
0xb1: {  	v36 =	vor.u32 v58, v37;
	v42 =	vmul.f32 v11, v27;
	[tilespmem:$0x1FE40] =	vst v0;
	v0 =	vimm.f32 $0.0e+00;
	v22 =	vld.idx.msk [tilespmem:v55+s14+$0x0], $0xffff  }
0xb2: {  	v44 =	vmul.f32 v62, v27;
	v49 =	vadd.f32 v7, v0;
	v51 =	vadd.f32 v6, v0;
	v38 =	vld.idx.msk [tilespmem:v21+s17+$0x0], $0xffff  }
0xb3: {  	s21 =	simm.s32 $0x4;
	v50 =	vadd.f32 v1, v0;
	v46 =	vld.idx.msk [tilespmem:v63+s17+$0x0], $0xffff;
	v1 =	vimm.f32 $0.0e+00;
	v21 =	vimm.f32 $0.0e+00  }
.LBB2_5:
0xb4: {  	_ = 	snop  }
0xb5: {  	s10 =	sadd.s32 $0x1, s21;
	v8 =	vld.idx.msk [tilespmem:v45+s17+$0x0], $0xffff;
	v9 =	vor.u32 v60, v37;
	v24 =	vmul.f32 v24, v32  }
0xb6: {  	s22 =	smov.u32 s21;
	v13 =	vld.idx.msk [tilespmem:v4+s17+$0x0], $0xffff;
	v6 =	vadd.f32 v29, v51;
	v10 =	vadd.s32 s10, v61;
	v12 =	vadd.f32 v40, v50  }
0xb7: {  	v3 =	vld [tilespmem:$0x1FEF0];
	v19 =	vadd.f32 v44, v0;
	v39 =	vadd.f32 v42, v39;
	v63 =	vadd.s32 s22, v61  }
0xb8: {  	v5 =	vld.idx.msk [tilespmem:v5+s17+$0x0], $0xffff;
	v7 =	vmul.f32 v33, v32;
	v11 =	vmul.f32 v41, v31;
	v4 =	vand.u32 $0x7F, v10  }
0xb9: {  	v28 =	vld.idx.msk [tilespmem:v28+s17+$0x0], $0xffff;
	v52 =	vor.u32 v57, v10;
	v53 =	vor.u32 v17, v10;
	v10 =	vor.u32 v59, v10  }
0xba: {  	v20 =	vld.idx.msk [tilespmem:v20+s17+$0x0], $0xffff;
	v54 =	vor.u32 v60, v4;
	v6 =	vadd.f32 v24, v6;
	v14 =	vmul.f32 v43, v27  }
0xbb: {  	v29 =	vld.idx.msk [tilespmem:v30+s17+$0x0], $0xffff;
	v39 =	vadd.f32 v25, v39;
	v23 =	vmul.f32 v47, v31;
	v27 =	vmul.f32 v34, v27  }
0xbc: {  	v51 =	vld.idx.msk [tilespmem:v36+s17+$0x0], $0xffff;
	s11 =	sadd.s32 $0x2, s22;
	v12 =	vadd.f32 v35, v12;
	v34 =	vmul.f32 v48, v32;
	v42 =	vmul.f32 v46, v22  }
0xbd: {  	v24 =	vld.idx.msk [tilespmem:v26+s17+$0x0], $0xffff;
	v43 =	vadd.s32 s11, v61;
	v38 =	vmul.f32 v38, v22;
	v11 =	vadd.f32 v11, v19  }
0xbe: {  	v30 =	vor.u32 v3, v4;
	v9 =	vld.idx.msk [tilespmem:v9+s17+$0x0], $0xffff;
	v8 =	vmul.f32 v8, v22;
	v45 =	vand.u32 $0x7F, v43  }
0xbf: {  	v25 =	vor.u32 v17, v43;
	v13 =	vmul.f32 v13, v22;
	v62 =	vor.u32 v59, v43;
	v26 =	vld.idx.msk [tilespmem:v53+s17+$0x0], $0xffff  }
0xc0: {  	v5 =	vmul.f32 v5, v32;
	v47 =	vmul.f32 v28, v22;
	v28 =	vor.u32 v17, v63;
	v48 =	vld.idx.msk [tilespmem:v52+s17+$0x0], $0xffff  }
0xc1: {  	v7 =	vadd.f32 v7, v39;
	v20 =	vmul.f32 v20, v31;
	v44 =	vmul.f32 v29, v32;
	v10 =	vld.idx.msk [tilespmem:v10+s17+$0x0], $0xffff  }
0xc2: {  	v29 =	vor.u32 v3, v45;
	v1 =	vadd.f32 v27, v1;
	v27 =	vand.u32 $0x7F, v63;
	v55 =	vld.idx.msk [tilespmem:v54+s17+$0x0], $0xffff  }
0xc3: {  	v23 =	vadd.f32 v23, v49;
	v46 =	vmul.f32 v51, v22;
	v19 =	vor.u32 v3, v27;
	v41 =	vld.idx.msk [tilespmem:v30+s14+$0x0], $0xffff  }
0xc4: {  	v11 =	vadd.f32 v5, v11;
	v5 =	vor.u32 v59, v63;
	v56 =	vmul.f32 v24, v32;
	v24 =	vld.idx.msk [tilespmem:v25+s17+$0x0], $0xffff  }
0xc5: {  	v14 =	vadd.f32 v14, v21;
	v36 =	vor.u32 v16, v27;
	v49 =	vor.u32 v18, v27;
	v52 =	vld.idx.msk [tilespmem:v62+s17+$0x0], $0xffff  }
0xc6: {  	v50 =	vor.u32 v58, v27;
	v8 =	vadd.f32 v8, v12;
	v12 =	vor.u32 v16, v4;
	v51 =	vld.idx.msk [tilespmem:v28+s17+$0x0], $0xffff  }
0xc7: {  	v6 =	vadd.f32 v13, v6;
	v53 =	vor.u32 v57, v43;
	v1 =	vadd.f32 v2, v1;
	v32 =	vld.idx.msk [tilespmem:v29+s14+$0x0], $0xffff  }
0xc8: {  	v30 =	vor.u32 v60, v45;
	v9 =	vmul.f32 v9, v22;
	v22 =	vor.u32 v60, v27;
	v27 =	vld.idx.msk [tilespmem:v19+s14+$0x0], $0xffff  }
0xc9: {  	s31 =	sadd.s32 $0x3, s22;
	v2 =	vor.u32 v18, v4;
	v14 =	vadd.f32 v20, v14;
	v28 =	vor.u32 v57, v63;
	v62 =	vld.idx.msk [tilespmem:v5+s17+$0x0], $0xffff  }
0xca: {  	v63 =	vadd.s32 s31, v61;
	v1 =	vadd.f32 v34, v1;
	v19 =	vadd.f32 v56, v23;
	v23 =	vld.idx.msk [tilespmem:v36+s17+$0x0], $0xffff  }
0xcb: {  	v20 =	vor.u32 v58, v4;
	v0 =	vadd.f32 v42, v11;
	v37 =	vand.u32 $0x7F, v63;
	v43 =	vld.idx.msk [tilespmem:v50+s17+$0x0], $0xffff  }
0xcc: {  	v4 =	vor.u32 v17, v63;
	v5 =	vor.u32 v18, v45;
	v1 =	vadd.f32 v47, v1;
	v47 =	vld.idx.msk [tilespmem:v12+s17+$0x0], $0xffff  }
0xcd: {  	v21 =	vor.u32 v3, v37;
	v36 =	vor.u32 v58, v37;
	v56 =	vor.u32 v18, v37;
	v33 =	vld.idx.msk [tilespmem:v30+s17+$0x0], $0xffff  }
0xce: {  	v39 =	vadd.f32 v9, v7;
	v7 =	vor.u32 v16, v37;
	v29 =	vmul.f32 v26, v41;
	v34 =	vld.idx.msk [tilespmem:v28+s17+$0x0], $0xffff  }
0xcf: {  	v25 =	vmul.f32 v55, v41;
	v26 =	vor.u32 v16, v45;
	v30 =	vor.u32 v58, v45;
	v54 =	vld.idx.msk [tilespmem:v22+s17+$0x0], $0xffff  }
0xd0: {  	p0 =	slt.u32 s21, $0x7C;
	v31 =	vmov v41;
	v28 =	vor.u32 v57, v63;
	v55 =	vadd.f32 v38, v19;
	v38 =	vld.idx.msk [tilespmem:v49+s17+$0x0], $0xffff  }
.Ltmp1:
0xd1: {  	v41 =	vld.idx.msk [tilespmem:v2+s17+$0x0], $0xffff;
	v2 =	vadd.f32 v44, v14;
	v40 =	vmul.f32 v10, v31;
	v14 =	vmul.f32 v62, v27;
	(pc) =	sbr.rel @p0 .LBB2_5-.Ltmp1, $4  }
0xd2: {  	v45 =	vor.u32 v59, v63;
	v62 =	vmul.f32 v51, v27;
	v22 =	vld.idx.msk [tilespmem:v21+s14+$0x0], $0xffff;
	v63 =	vmul.f32 v23, v27  }
0xd3: {  	v35 =	vmul.f32 v52, v32;
	v21 =	vadd.f32 v46, v2;
	v2 =	vmul.f32 v48, v31;
	v48 =	vld.idx.msk [tilespmem:v53+s17+$0x0], $0xffff  }
0xd4: {  	v23 =	vimm.f32 $0.0e+00;
	v46 =	vld.idx.msk [tilespmem:v56+s17+$0x0], $0xffff;
	v51 =	vadd.f32 v62, v6;
	v49 =	vadd.f32 v63, v55  }
0xd5: {  	s21 =	sadd.s32 $0x4, s21;
	s22 =	simm.s32 $0x0;
	v50 =	vadd.f32 v14, v8;
	v42 =	vmul.f32 v54, v27;
	v44 =	vmul.f32 v38, v27;
	v38 =	vld.idx.msk [tilespmem:v7+s17+$0x0], $0xffff  }
0xd6: {  	_ =	sdelay $0x3  }
0xd7: {  	v8 =	vld.idx.msk [tilespmem:v45+s17+$0x0], $0xffff  }
0xd8: {  	v13 =	vld.idx.msk [tilespmem:v30+s17+$0x0], $0xffff  }
0xd9: {  	v6 =	vmul.f32 v33, v32;
	v9 =	vmul.f32 v41, v31;
	v4 =	vld.idx.msk [tilespmem:v4+s17+$0x0], $0xffff  }
0xda: {  	v7 =	vadd.f32 v29, v51;
	v10 =	vmul.f32 v43, v27;
	v12 =	vmul.f32 v47, v31;
	v30 =	vld.idx.msk [tilespmem:v36+s17+$0x0], $0xffff  }
0xdb: {  	v11 =	vor.u32 v60, v37;
	v14 =	vmul.f32 v34, v27;
	v24 =	vmul.f32 v24, v32;
	v62 =	vld [tilespmem:$0x1FF70]  }
0xdc: {  	s10 =	simm.s32 $0x1;
	v15 =	vld [tilespmem:$0x1FFF0];
	v41 =	vadd.s32 s22, v61;
	v27 =	vadd.f32 v40, v50;
	v58 =	vadd.f32 v42, v39  }
0xdd: {  	v18 =	vld [tilespmem:$0x1FEF0];
	s31 =	simm.s32 $0x2;
	s21 =	simm.s32 $0x5;
	v34 =	vadd.s32 s10, v61;
	v59 =	vadd.f32 v44, v0;
	v51 =	vand.u32 $0x7F, v41  }
0xde: {  	v16 =	vld [tilespmem:$0x1FF80];
	v54 =	vadd.s32 s31, v61;
	v44 =	vadd.s32 s21, v61;
	v29 =	vmul.f32 v48, v32  }
0xdf: {  	v5 =	vld.idx.msk [tilespmem:v5+s17+$0x0], $0xffff;
	v12 =	vadd.f32 v12, v49;
	v7 =	vadd.f32 v24, v7;
	v37 =	vand.u32 $0x7F, v34  }
0xe0: {  	v28 =	vld.idx.msk [tilespmem:v28+s17+$0x0], $0xffff;
	v1 =	vadd.f32 v14, v1;
	v10 =	vadd.f32 v10, v21;
	v19 =	vor.u32 v62, v37  }
0xe1: {  	v26 =	vld.idx.msk [tilespmem:v26+s17+$0x0], $0xffff;
	v47 =	vand.u32 $0x7F, v44;
	v39 =	vmul.f32 v46, v22;
	v24 =	vor.u32 v15, v34  }
0xe2: {  	s11 =	simm.s32 $0x3;
	v0 =	vld [tilespmem:$0x1FF90];
	v25 =	vadd.f32 v25, v58;
	v27 =	vadd.f32 v35, v27;
	v48 =	vor.u32 v18, v37  }
0xe3: {  	v50 =	vld.idx.msk [tilespmem:v20+s17+$0x0], $0xffff;
	v9 =	vadd.f32 v9, v59;
	v35 =	vadd.s32 s11, v61;
	v49 =	vor.u32 v16, v34  }
0xe4: {  	v33 =	vmul.f32 v38, v22;
	v2 =	vadd.f32 v2, v1;
	v11 =	vld.idx.msk [tilespmem:v11+s17+$0x0], $0xffff;
	v52 =	vor.u32 v15, v41  }
0xe5: {  	v8 =	vmul.f32 v8, v22;
	v13 =	vmul.f32 v13, v32;
	v55 =	vor.u32 v18, v51;
	v14 =	vld.idx.msk [tilespmem:v19+s17+$0x0], $0xffff  }
0xe6: {  	v4 =	vmul.f32 v4, v22;
	v30 =	vmul.f32 v30, v22;
	v45 =	vor.u32 v18, v47;
	v56 =	vld.idx.msk [tilespmem:v24+s17+$0x0], $0xffff  }
0xe7: {  	v5 =	vmul.f32 v5, v32;
	v53 =	vor.u32 v62, v51;
	v17 =	vadd.s32 $0x980, v0;
	v24 =	vld.idx.msk [tilespmem:v48+s14+$0x0], $0xffff  }
0xe8: {  	v26 =	vmul.f32 v26, v32;
	v6 =	vadd.f32 v6, v25;
	v57 =	vor.u32 v17, v54;
	v58 =	vld.idx.msk [tilespmem:v49+s17+$0x0], $0xffff  }
0xe9: {  	v25 =	vmul.f32 v50, v31;
	v31 =	vor.u32 v17, v34;
	v3 =	vadd.f32 v8, v27;
	v63 =	vld.idx.msk [tilespmem:v52+s17+$0x0], $0xffff  }
0xea: {  	v28 =	vmul.f32 v28, v22;
	v46 =	vor.u32 v15, v54;
	v27 =	vor.u32 v16, v54;
	v8 =	vld.idx.msk [tilespmem:v55+s14+$0x0], $0xffff  }
0xeb: {  	[tilespmem:$0x1FD40] =	vst v3;
	v3 =	vadd.f32 v4, v7;
	v4 =	vadd.f32 v26, v12;
	v19 =	vadd.s32 $0x880, v0;
	v45 =	vld.idx.msk [tilespmem:v45+s14+$0x0], $0xffff  }
0xec: {  	v60 =	vmul.f32 v11, v22;
	v22 =	vor.u32 v16, v41;
	v59 =	vor.u32 v19, v34;
	v34 =	vld.idx.msk [tilespmem:v53+s17+$0x0], $0xffff  }
0xed: {  	v21 =	vadd.s32 $0x800, v0;
	v10 =	vadd.f32 v25, v10;
	v49 =	vor.u32 v16, v35;
	v1 =	vld.idx.msk [tilespmem:v57+s17+$0x0], $0xffff  }
0xee: {  	v48 =	vand.u32 $0x7F, v54;
	[tilespmem:$0x1FD50] =	vst v3;
	v3 =	vadd.s32 $0x900, v0;
	v0 =	vadd.f32 v33, v4;
	v26 =	vld.idx.msk [tilespmem:v31+s17+$0x0], $0xffff  }
0xef: {  	v5 =	vadd.f32 v5, v9;
	v12 =	vor.u32 v21, v48;
	v25 =	vor.u32 v19, v54;
	v27 =	vld.idx.msk [tilespmem:v27+s17+$0x0], $0xffff  }
0xf0: {  	[tilespmem:$0x1FD60] =	vst v0;
	v0 =	vadd.f32 v60, v6;
	v6 =	vadd.f32 v13, v10;
	v10 =	vld.idx.msk [tilespmem:v46+s17+$0x0], $0xffff  }
0xf1: {  	v2 =	vadd.f32 v29, v2;
	v50 =	vor.u32 v19, v35;
	v7 =	vld.idx.msk [tilespmem:v22+s17+$0x0], $0xffff  }
0xf2: {  	v55 =	vor.u32 v18, v48;
	[tilespmem:$0x1FD70] =	vst v0;
	v0 =	vadd.f32 v39, v5;
	v5 =	vld.idx.msk [tilespmem:v49+s17+$0x0], $0xffff  }
0xf3: {  	[tilespmem:$0x1FDB0] =	vst v21;
	v36 =	vor.u32 v62, v48;
	v33 =	vor.u32 v15, v44;
	v38 =	vld.idx.msk [tilespmem:v59+s17+$0x0], $0xffff  }
0xf4: {  	v4 =	vor.u32 v3, v51;
	v31 =	vor.u32 v21, v37;
	v13 =	vor.u32 v3, v37;
	v12 =	vld.idx.msk [tilespmem:v12+s17+$0x0], $0xffff  }
0xf5: {  	v37 =	vor.u32 v3, v48;
	v60 =	vor.u32 v17, v35;
	v46 =	vor.u32 v62, v47;
	v53 =	vld.idx.msk [tilespmem:v25+s17+$0x0], $0xffff  }
0xf6: {  	s11 =	simm.s32 $0x4;
	v32 =	vmul.f32 v58, v24;
	v11 =	vmul.f32 v63, v8;
	v63 =	vor.u32 v17, v41;
	v9 =	vld.idx.msk [tilespmem:v50+s17+$0x0], $0xffff  }
0xf7: {  	v40 =	vadd.s32 s11, v61;
	v41 =	vor.u32 v19, v41;
	v49 =	vld.idx.msk [tilespmem:v55+s14+$0x0], $0xffff;
	[tilespmem:$0x1FD80] =	vst v0;
	v0 =	vadd.f32 v28, v2  }
0xf8: {  	v14 =	vmul.f32 v14, v24;
	v50 =	vor.u32 v16, v44;
	v36 =	vld.idx.msk [tilespmem:v36+s17+$0x0], $0xffff;
	v2 =	vor.u32 v21, v51  }
0xf9: {  	v34 =	vmul.f32 v34, v8;
	v55 =	vld.idx.msk [tilespmem:v33+s17+$0x0], $0xffff;
	[tilespmem:$0x1FD90] =	vst v0;
	v0 =	vadd.f32 v30, v6;
	v6 =	vand.u32 $0x7F, v35  }
0xfa: {  	v4 =	vld.idx.msk [tilespmem:v4+s17+$0x0], $0xffff;
	v26 =	vmul.f32 v26, v24;
	v30 =	vor.u32 v21, v6;
	v7 =	vmul.f32 v7, v8  }
0xfb: {  	v11 =	vadd.f32 v11, v23;
	v13 =	vld.idx.msk [tilespmem:v13+s17+$0x0], $0xffff;
	v34 =	vadd.f32 v34, v23;
	v28 =	vor.u32 v18, v6  }
0xfc: {  	s31 =	simm.s32 $0x7;
	v35 =	vor.u32 v15, v35;
	v29 =	vor.u32 v3, v6;
	v57 =	vld.idx.msk [tilespmem:v41+s17+$0x0], $0xffff;
	v7 =	vadd.f32 v7, v23  }
0xfd: {  	v48 =	vadd.s32 s31, v61;
	v59 =	vadd.f32 v14, v34;
	v34 =	vor.u32 v15, v40;
	[tilespmem:$0x1FDA0] =	vst v0;
	v2 =	vld.idx.msk [tilespmem:v2+s17+$0x0], $0xffff  }
0xfe: {  	v0 =	vmul.f32 v56, v24;
	v58 =	vmul.f32 v38, v24;
	v54 =	vadd.f32 v32, v7;
	v32 =	vld.idx.msk [tilespmem:v37+s17+$0x0], $0xffff  }
0xff: {  	v6 =	vor.u32 v62, v6;
	v39 =	vmul.f32 v12, v49;
	v4 =	vmul.f32 v4, v8;
	v30 =	vld.idx.msk [tilespmem:v30+s17+$0x0], $0xffff  }
0x100: {  	v10 =	vmul.f32 v10, v49;
	v36 =	vmul.f32 v36, v49;
	v11 =	vadd.f32 v0, v11;
	v28 =	vld.idx.msk [tilespmem:v28+s14+$0x0], $0xffff  }
0x101: {  	v22 =	vmovc v16;
	v13 =	vmul.f32 v13, v24;
	v4 =	vadd.f32 v4, v23;
	v12 =	vld.idx.msk [tilespmem:v29+s17+$0x0], $0xffff;
	v29 =	vand.u32 $0x7F, v40  }
0x102: {  	s22 =	simm.s32 $0x6;
	v10 =	vadd.f32 v10, v11;
	v11 =	vor.u32 v19, v44;
	v14 =	vld.idx.msk [tilespmem:v34+s17+$0x0], $0xffff;
	v34 =	vor.u32 v22, v40  }
0x103: {  	[tilespmem:$0x1FDC0] =	vst v17;
	v37 =	vld.idx.msk [tilespmem:v63+s17+$0x0], $0xffff;
	v4 =	vadd.f32 v13, v4;
	v13 =	vmul.f32 v27, v49;
	v27 =	vadd.s32 s22, v61  }
0x104: {  	v52 =	vld.idx.msk [tilespmem:v60+s17+$0x0], $0xffff;
	v41 =	vor.u32 v62, v29;
	v51 =	vor.u32 v21, v29;
	v2 =	vmul.f32 v2, v8  }
0x105: {  	[tilespmem:$0x1FDD0] =	vst v19;
	v35 =	vld.idx.msk [tilespmem:v35+s17+$0x0], $0xffff;
	v16 =	vor.u32 v3, v29;
	v25 =	vand.u32 $0x7F, v27;
	v13 =	vadd.f32 v13, v54  }
0x106: {  	v6 =	vld.idx.msk [tilespmem:v6+s17+$0x0], $0xffff;
	v54 =	vor.u32 v3, v25;
	v38 =	vadd.f32 v2, v23;
	v20 =	vmul.f32 v9, v28  }
0x107: {  	v43 =	vld.idx.msk [tilespmem:v46+s17+$0x0], $0xffff;
	v46 =	vmul.f32 v30, v28;
	v30 =	vor.u32 v18, v29;
	v9 =	vmul.f32 v57, v8  }
0x108: {  	v31 =	vld.idx.msk [tilespmem:v31+s17+$0x0], $0xffff;
	v60 =	vmul.f32 v5, v28;
	v8 =	vmul.f32 v37, v8;
	v37 =	vor.u32 v17, v27  }
0x109: {  	v7 =	vld.idx.msk [tilespmem:v50+s17+$0x0], $0xffff;
	v57 =	vor.u32 v17, v44;
	v44 =	vmul.f32 v52, v28;
	v9 =	vadd.f32 v9, v23  }
0x10a: {  	v63 =	vmul.f32 v35, v28;
	v12 =	vmul.f32 v12, v28;
	v56 =	vld.idx.msk [tilespmem:v41+s17+$0x0], $0xffff;
	v8 =	vadd.f32 v8, v23  }
0x10b: {  	v29 =	vmul.f32 v6, v28;
	v28 =	vor.u32 v22, v27;
	v9 =	vadd.f32 v58, v9;
	v58 =	vld.idx.msk [tilespmem:v11+s17+$0x0], $0xffff  }
0x10c: {  	v2 =	vmul.f32 v1, v49;
	v8 =	vadd.f32 v26, v8;
	v26 =	vld.idx.msk [tilespmem:v34+s17+$0x0], $0xffff;
	v34 =	vor.u32 v21, v25  }
0x10d: {  	v0 =	vmovc v17;
	v1 =	vadd.f32 v36, v59;
	v6 =	vand.u32 $0x7F, v48;
	v33 =	vld.idx.msk [tilespmem:v30+s14+$0x0], $0xffff;
	v30 =	vmul.f32 v32, v49  }
0x10e: {  	v52 =	vor.u32 v21, v47;
	v32 =	vor.u32 v15, v27;
	v50 =	vld.idx.msk [tilespmem:v37+s17+$0x0], $0xffff;
	v37 =	vmul.f32 v31, v24  }
0x10f: {  	v41 =	vmul.f32 v53, v49;
	v27 =	vor.u32 v19, v27;
	v5 =	vld.idx.msk [tilespmem:v57+s17+$0x0], $0xffff;
	v4 =	vadd.f32 v30, v4  }
0x110: {  	v53 =	vor.u32 v3, v47;
	v61 =	vld.idx.msk [tilespmem:v28+s17+$0x0], $0xffff;
	v30 =	vor.u32 v22, v48;
	v38 =	vadd.f32 v37, v38  }
0x111: {  	v37 =	vadd.f32 v63, v10;
	v57 =	vadd.f32 v12, v4;
	v12 =	vor.u32 v19, v48;
	v63 =	vld.idx.msk [tilespmem:v34+s17+$0x0], $0xffff  }
0x112: {  	v23 =	vor.u32 v18, v6;
	v31 =	vor.u32 v62, v25;
	v4 =	vor.u32 v18, v25;
	v25 =	vld.idx.msk [tilespmem:v16+s17+$0x0], $0xffff  }
0x113: {  	v35 =	vadd.f32 v60, v13;
	v60 =	vor.u32 v62, v6;
	v49 =	vor.u32 v3, v6;
	v28 =	vld.idx.msk [tilespmem:v32+s17+$0x0], $0xffff  }
0x114: {  	v24 =	vor.u32 v21, v6;
	v62 =	vor.u32 v17, v40;
	v34 =	vadd.f32 v41, v9;
	v47 =	vld.idx.msk [tilespmem:v27+s17+$0x0], $0xffff  }
0x115: {  	v32 =	vmul.f32 v55, v45;
	v55 =	vor.u32 v17, v48;
	v36 =	vmul.f32 v14, v33;
	v59 =	vld.idx.msk [tilespmem:v30+s17+$0x0], $0xffff  }
0x116: {  	s21 =	simm.s32 $0x8;
	v13 =	vmul.f32 v5, v45;
	v27 =	vadd.f32 v2, v8;
	v30 =	vmul.f32 v7, v45;
	v2 =	vld.idx.msk [tilespmem:v12+s17+$0x0], $0xffff  }
.LBB2_7:
0x117: {  	v6 =	vld.idx.msk [tilespmem:v51+s17+$0x0], $0xffff  }
0x118: {  	v11 =	vld.idx.msk [tilespmem:v53+s17+$0x0], $0xffff  }
0x119: {  	v14 =	vld.idx.msk [tilespmem:v24+s17+$0x0], $0xffff  }
0x11a: {  	v41 =	vld [tilespmem:$0x1FEF0]  }
0x11b: {  	v18 =	vld [tilespmem:$0x1FFF0]  }
0x11c: {  	v31 =	vld.idx.msk [tilespmem:v31+s17+$0x0], $0xffff  }
0x11d: {  	s10 =	sadd.s32 $0x1, s21;
	v15 =	vlaneseq.u32;
	v56 =	vmul.f32 v56, v33;
	v12 =	vadd.f32 v20, v34;
	v20 =	vld [tilespmem:$0x1FF70]  }
0x11e: {  	v7 =	vadd.f32 v39, v38;
	v8 =	vadd.f32 v29, v1;
	v9 =	vadd.s32 s10, v15;
	v34 =	vld.idx.msk [tilespmem:v4+s14+$0x0], $0xffff  }
0x11f: {  	v1 =	vmovc v45;
	v38 =	vmovc v50;
	v42 =	vmov v13;
	v50 =	vld.idx.msk [tilespmem:v62+s17+$0x0], $0xffff;
	v36 =	vadd.f32 v36, v37;
	v13 =	vand.u32 $0x7F, v9  }
0x120: {  	v37 =	vld.idx.msk [tilespmem:v55+s17+$0x0], $0xffff;
	v7 =	vadd.f32 v46, v7;
	v8 =	vadd.f32 v56, v8;
	v10 =	vmul.f32 v26, v33  }
0x121: {  	v32 =	vadd.f32 v32, v36;
	v36 =	vld.idx.msk [tilespmem:v60+s17+$0x0], $0xffff;
	v26 =	vadd.f32 v44, v27;
	v6 =	vmul.f32 v6, v33  }
0x122: {  	v25 =	vmul.f32 v25, v33;
	v44 =	vor.u32 v18, v48;
	v10 =	vadd.f32 v10, v35;
	v35 =	vld.idx.msk [tilespmem:v23+s14+$0x0], $0xffff  }
0x123: {  	v24 =	vor.u32 v41, v13;
	v11 =	vmul.f32 v11, v1;
	v6 =	vadd.f32 v6, v7;
	v7 =	vld.idx.msk [tilespmem:v52+s17+$0x0], $0xffff  }
0x124: {  	v27 =	vor.u32 v20, v13;
	v25 =	vadd.f32 v25, v57;
	v10 =	vadd.f32 v30, v10;
	v30 =	vld.idx.msk [tilespmem:v54+s17+$0x0], $0xffff  }
0x125: {  	s11 =	smov.u32 s21;
	v5 =	vmul.f32 v58, v45;
	v58 =	vmul.f32 v43, v1;
	v23 =	vor.u32 v19, v40;
	v54 =	vld.idx.msk [tilespmem:v49+s17+$0x0], $0xffff  }
0x126: {  	s22 =	sadd.s32 $0x2, s11;
	v4 =	vor.u32 v18, v9;
	v11 =	vadd.f32 v11, v25;
	v25 =	vmul.f32 v61, v34;
	v61 =	vld [tilespmem:$0x1FDB0]  }
0x127: {  	s31 =	sadd.s32 $0x3, s11;
	v29 =	vor.u32 v22, v9;
	v55 =	vadd.s32 s22, v15;
	v53 =	vor.u32 v3, v13;
	v52 =	vld.idx.msk [tilespmem:v44+s17+$0x0], $0xffff  }
0x128: {  	v48 =	vadd.s32 s31, v15;
	v21 =	vmul.f32 v63, v34;
	v8 =	vadd.f32 v58, v8;
	v45 =	vld.idx.msk [tilespmem:v24+s14+$0x0], $0xffff  }
0x129: {  	v40 =	vadd.s32 s11, v15;
	v24 =	vor.u32 v0, v55;
	v43 =	vld.idx.msk [tilespmem:v27+s17+$0x0], $0xffff;
	v39 =	vmul.f32 v2, v35  }
0x12a: {  	v2 =	vld.idx.msk [tilespmem:v23+s17+$0x0], $0xffff;
	v23 =	vmul.f32 v28, v34;
	v27 =	vand.u32 $0x7F, v40;
	v28 =	vor.u32 v18, v40  }
0x12b: {  	v15 =	vmul.f32 v31, v34;
	v57 =	vand.u32 $0x7F, v55;
	v4 =	vld.idx.msk [tilespmem:v4+s17+$0x0], $0xffff;
	v49 =	vor.u32 v20, v27  }
0x12c: {  	v46 =	vmul.f32 v14, v35;
	v14 =	vor.u32 v41, v27;
	v7 =	vmul.f32 v7, v1;
	v1 =	vld [tilespmem:$0x1FDC0]  }
0x12d: {  	v31 =	vand.u32 $0x7F, v48;
	v16 =	vadd.f32 v23, v32;
	v32 =	vld.idx.msk [tilespmem:v29+s17+$0x0], $0xffff;
	v29 =	vor.u32 v19, v9  }
0x12e: {  	v62 =	vmul.f32 v59, v35;
	v59 =	vmul.f32 v50, v33;
	v9 =	vor.u32 v0, v9;
	v50 =	vld.idx.msk [tilespmem:v24+s17+$0x0], $0xffff  }
0x12f: {  	v63 =	vor.u32 v18, v55;
	v51 =	vor.u32 v61, v27;
	v27 =	vor.u32 v3, v27;
	v17 =	vld.idx.msk [tilespmem:v28+s17+$0x0], $0xffff  }
0x130: {  	v60 =	vor.u32 v20, v31;
	v10 =	vadd.f32 v25, v10;
	v28 =	vor.u32 v22, v40;
	v56 =	vld.idx.msk [tilespmem:v49+s17+$0x0], $0xffff  }
0x131: {  	v44 =	vmul.f32 v37, v35;
	v2 =	vmul.f32 v2, v33;
	v33 =	vld.idx.msk [tilespmem:v14+s14+$0x0], $0xffff;
	v14 =	vor.u32 v22, v55  }
0x132: {  	v23 =	vor.u32 v41, v31;
	v59 =	vadd.f32 v59, v26;
	v0 =	vor.u32 v19, v55;
	v58 =	vld.idx.msk [tilespmem:v29+s17+$0x0], $0xffff  }
0x133: {  	v18 =	vor.u32 v61, v57;
	v37 =	vmul.f32 v52, v35;
	v52 =	vor.u32 v61, v13;
	v9 =	vld.idx.msk [tilespmem:v9+s17+$0x0], $0xffff  }
0x134: {  	v13 =	vmul.f32 v54, v35;
	v54 =	vor.u32 v3, v57;
	v24 =	vor.u32 v61, v31;
	v25 =	vld.idx.msk [tilespmem:v27+s17+$0x0], $0xffff  }
0x135: {  	v49 =	vor.u32 v3, v31;
	v31 =	vor.u32 v20, v57;
	v20 =	vadd.f32 v42, v59;
	v26 =	vld.idx.msk [tilespmem:v28+s17+$0x0], $0xffff  }
0x136: {  	v55 =	vor.u32 v1, v48;
	v2 =	vadd.f32 v2, v12;
	v12 =	vor.u32 v22, v48;
	v61 =	vld.idx.msk [tilespmem:v14+s17+$0x0], $0xffff  }
0x137: {  	v1 =	vadd.f32 v15, v8;
	v14 =	vor.u32 v19, v48;
	v19 =	vmul.f32 v47, v34;
	v47 =	vld.idx.msk [tilespmem:v0+s17+$0x0], $0xffff  }
0x138: {  	p0 =	slt.u32 s21, $0x7C;
	v42 =	vmul.f32 v38, v34;
	v38 =	vadd.f32 v7, v6;
	v37 =	vadd.f32 v37, v16;
	v0 =	vld [tilespmem:$0x1FDC0]  }
.Ltmp2:
0x139: {  	v29 =	vmul.f32 v36, v35;
	v5 =	vadd.f32 v5, v2;
	v2 =	vmul.f32 v30, v34;
	v28 =	vld.idx.msk [tilespmem:v63+s17+$0x0], $0xffff;
	(pc) =	sbr.rel @p0 .LBB2_7-.Ltmp2, $4  }
0x13a: {  	v35 =	vadd.f32 v62, v10;
	v27 =	vadd.f32 v42, v20;
	v30 =	vmul.f32 v32, v45;
	v63 =	vld.idx.msk [tilespmem:v18+s17+$0x0], $0xffff  }
0x13b: {  	v32 =	vmul.f32 v4, v45;
	v4 =	vor.u32 v41, v57;
	v2 =	vadd.f32 v2, v11;
	v59 =	vld.idx.msk [tilespmem:v12+s17+$0x0], $0xffff  }
0x13c: {  	v20 =	vmovc v39;
	v39 =	vmov v21;
	v36 =	vmul.f32 v17, v33;
	v34 =	vadd.f32 v19, v5;
	v19 =	vld [tilespmem:$0x1FDD0]  }
0x13d: {  	s21 =	sadd.s32 $0x4, s21;
	v57 =	vadd.f32 v13, v2;
	v13 =	vmul.f32 v9, v45;
	v62 =	vor.u32 v0, v40;
	v2 =	vld.idx.msk [tilespmem:v14+s17+$0x0], $0xffff  }
0x13e: {  	v0 =	vld [tilespmem:$0x1FDF0];
	_ =	sdelay $0x4  }
0x13f: {  	v0 =	vsub.f32 $0.0e+00, v0;
	_ =	sdelay $0x1  }
0x140: {  	v0 =	vmul.f32 $1.442695020e+00, v0;
	_ =	sdelay $0x1  }
0x141: {  	(erf) = vpow2.f32 v0;
	_ =	sdelay $0x5  }
0x142: {  	[tilespmem:$0x1FC70] =	vst v3;
	v3 =	vld [tilespmem:$0x1FE40];
	_ =	sdelay $0x2  }
0x143: {  	v0 =	vpop (erf)  }
0x144: {  	v0 =	vadd.f32 $1.000000000e+00, v0  }
0x145: {  	v5 =	vmul.f32 $1.442695020e+00, v3  }
0x146: {  	(erf) = vrcp.f32 v0  }
0x147: {  	(erf) = vpow2.f32 v5;
	_ =	sdelay $0x5  }
0x148: {  	v3 =	vld [tilespmem:$0x1FDE0];
	_ =	sdelay $0x1  }
0x149: {  	v12 =	vpop (erf)  }
0x14a: {  	v0 =	vpop (erf)  }
0x14b: {  	v0 =	vadd.f32 $1.000000000e+00, v0  }
0x14c: {  	v5 =	vmul.f32 $1.442695020e+00, v3  }
0x14d: {  	(erf) = vrcp.f32 v0  }
0x14e: {  	(erf) = vpow2.f32 v5;
	_ =	sdelay $0x5  }
0x14f: {  	v3 =	vld [tilespmem:$0x1FE00];
	_ =	sdelay $0x1  }
0x150: {  	v14 =	vpop (erf)  }
0x151: {  	v0 =	vpop (erf)  }
0x152: {  	v0 =	vadd.f32 $1.000000000e+00, v0  }
0x153: {  	v5 =	vmul.f32 $1.442695020e+00, v3  }
0x154: {  	(erf) = vrcp.f32 v0  }
0x155: {  	(erf) = vpow2.f32 v5;
	_ =	sdelay $0x5  }
0x156: {  	v3 =	vld [tilespmem:$0x1FE20];
	_ =	sdelay $0x1  }
0x157: {  	v15 =	vpop (erf)  }
0x158: {  	v0 =	vpop (erf)  }
0x159: {  	v0 =	vadd.f32 $1.000000000e+00, v0  }
0x15a: {  	v5 =	vmul.f32 $1.442695020e+00, v3  }
0x15b: {  	(erf) = vrcp.f32 v0  }
0x15c: {  	(erf) = vpow2.f32 v5;
	_ =	sdelay $0x5  }
0x15d: {  	v3 =	vld [tilespmem:$0x1FE30];
	_ =	sdelay $0x1  }
0x15e: {  	v16 =	vpop (erf)  }
0x15f: {  	v0 =	vpop (erf)  }
0x160: {  	v0 =	vadd.f32 $1.000000000e+00, v0  }
0x161: {  	v5 =	vmul.f32 $1.442695020e+00, v3  }
0x162: {  	(erf) = vrcp.f32 v0  }
0x163: {  	(erf) = vpow2.f32 v5;
	_ =	sdelay $0x5  }
0x164: {  	v3 =	vld [tilespmem:$0x1FE10];
	_ =	sdelay $0x1  }
0x165: {  	v17 =	vpop (erf)  }
0x166: {  	v0 =	vpop (erf)  }
0x167: {  	v0 =	vadd.f32 $1.000000000e+00, v0  }
0x168: {  	v5 =	vmul.f32 $1.442695020e+00, v3  }
0x169: {  	(erf) = vrcp.f32 v0  }
0x16a: {  	(erf) = vpow2.f32 v5;
	_ =	sdelay $0x5  }
0x16b: {  	v3 =	vld [tilespmem:$0x1FD60];
	_ =	sdelay $0x1  }
0x16c: {  	v18 =	vpop (erf)  }
0x16d: {  	v0 =	vpop (erf)  }
0x16e: {  	v0 =	vadd.f32 $1.000000000e+00, v0  }
0x16f: {  	v5 =	vmul.f32 $1.442695020e+00, v3  }
0x170: {  	(erf) = vrcp.f32 v0  }
0x171: {  	(erf) = vpow2.f32 v5;
	_ =	sdelay $0x5  }
0x172: {  	v3 =	vld [tilespmem:$0x1FD50];
	_ =	sdelay $0x1  }
0x173: {  	v21 =	vpop (erf)  }
0x174: {  	v0 =	vpop (erf)  }
0x175: {  	v0 =	vadd.f32 $1.000000000e+00, v0  }
0x176: {  	v5 =	vmul.f32 $1.442695020e+00, v3  }
0x177: {  	(erf) = vrcp.f32 v0  }
0x178: {  	(erf) = vpow2.f32 v5;
	_ =	sdelay $0x5  }
0x179: {  	v3 =	vld [tilespmem:$0x1FD80];
	_ =	sdelay $0x1  }
0x17a: {  	v22 =	vpop (erf)  }
0x17b: {  	v0 =	vpop (erf)  }
0x17c: {  	v0 =	vadd.f32 $1.000000000e+00, v0  }
0x17d: {  	v5 =	vmul.f32 $1.442695020e+00, v3  }
0x17e: {  	(erf) = vrcp.f32 v0  }
0x17f: {  	(erf) = vpow2.f32 v5;
	_ =	sdelay $0x5  }
0x180: {  	v3 =	vld [tilespmem:$0x1FD90];
	_ =	sdelay $0x1  }
0x181: {  	v41 =	vpop (erf)  }
0x182: {  	v0 =	vpop (erf)  }
0x183: {  	v0 =	vadd.f32 $1.000000000e+00, v0  }
0x184: {  	v5 =	vmul.f32 $1.442695020e+00, v3  }
0x185: {  	(erf) = vrcp.f32 v0  }
0x186: {  	(erf) = vpow2.f32 v5;
	_ =	sdelay $0x5  }
0x187: {  	v3 =	vld [tilespmem:$0x1FDA0];
	_ =	sdelay $0x1  }
0x188: {  	v42 =	vpop (erf)  }
0x189: {  	v0 =	vpop (erf)  }
0x18a: {  	v0 =	vadd.f32 $1.000000000e+00, v0  }
0x18b: {  	v5 =	vmul.f32 $1.442695020e+00, v3  }
0x18c: {  	(erf) = vrcp.f32 v0  }
0x18d: {  	(erf) = vpow2.f32 v5;
	_ =	sdelay $0x5  }
0x18e: {  	v3 =	vld [tilespmem:$0x1FD40];
	_ =	sdelay $0x1  }
0x18f: {  	v0 =	vpop (erf)  }
0x190: {  	[tilespmem:$0x1FC80] =	vst v0;
	v0 =	vpop (erf)  }
0x191: {  	v0 =	vadd.f32 $1.000000000e+00, v0  }
0x192: {  	v5 =	vmul.f32 $1.442695020e+00, v3  }
0x193: {  	(erf) = vrcp.f32 v0  }
0x194: {  	(erf) = vpow2.f32 v5;
	_ =	sdelay $0x1  }
0x195: {  	v3 =	vld [tilespmem:$0x1FFF0];
	_ =	sdelay $0x4  }
0x196: {  	v5 =	vor.u32 v3, v48;
	v3 =	vld [tilespmem:$0x1FD70]  }
0x197: {  	v0 =	vpop (erf)  }
0x198: {  	[tilespmem:$0x1FC90] =	vst v0;
	v0 =	vpop (erf)  }
0x199: {  	v0 =	vadd.f32 $1.000000000e+00, v0;
	_ =	sdelay $0x1  }
0x19a: {  	v6 =	vmul.f32 $1.442695020e+00, v3;
	(erf) = vrcp.f32 v0;
	v0 =	vld.idx.msk [tilespmem:v4+s14+$0x0], $0xffff;
	_ =	sdelay $0x1  }
0x19b: {  	(erf) = vpow2.f32 v6  }
0x19c: {  	v5 =	vld.idx.msk [tilespmem:v5+s17+$0x0], $0xffff;
	v6 =	vadd.f32 v36, v37  }
0x19d: {  	v4 =	vld.idx.msk [tilespmem:v23+s14+$0x0], $0xffff  }
0x19e: {  	v6 =	vadd.f32 v32, v6;
	v7 =	vmul.f32 v28, v0;
	_ =	sdelay $0x1  }
0x19f: {  	v6 =	vadd.f32 v7, v6;
	_ =	sdelay $0x1  }
0x1a0: {  	v5 =	vmul.f32 v5, v4  }
0x1a1: {  	v7 =	vpop (erf)  }
0x1a2: {  	v5 =	vadd.f32 v5, v6;
	v6 =	vpop (erf)  }
0x1a3: {  	v6 =	vadd.f32 $1.000000000e+00, v6  }
0x1a4: {  	v5 =	vmul.f32 $1.442695020e+00, v5  }
0x1a5: {  	(erf) = vrcp.f32 v6  }
0x1a6: {  	(erf) = vpow2.f32 v5;
	v5 =	vld.idx.msk [tilespmem:v31+s17+$0x0], $0xffff  }
0x1a7: {  	v8 =	vld.idx.msk [tilespmem:v60+s17+$0x0], $0xffff  }
0x1a8: {  	v1 =	vadd.f32 v29, v1;
	v6 =	vmul.f32 v56, v33;
	_ =	sdelay $0x1  }
0x1a9: {  	v1 =	vadd.f32 v6, v1;
	v6 =	vmul.f32 v43, v45  }
0x1aa: {  	v5 =	vmul.f32 v5, v0  }
0x1ab: {  	v1 =	vadd.f32 v6, v1;
	v6 =	vmul.f32 v8, v4;
	_ =	sdelay $0x1  }
0x1ac: {  	v1 =	vadd.f32 v5, v1  }
0x1ad: {  	v5 =	vpop (erf)  }
0x1ae: {  	v1 =	vadd.f32 v6, v1;
	v6 =	vpop (erf)  }
0x1af: {  	v6 =	vadd.f32 $1.000000000e+00, v6  }
0x1b0: {  	v1 =	vmul.f32 $1.442695020e+00, v1  }
0x1b1: {  	(erf) = vrcp.f32 v6  }
0x1b2: {  	(erf) = vpow2.f32 v1  }
0x1b3: {  	v1 =	vmul.f32 v26, v33;
	_ =	sdelay $0x1  }
0x1b4: {  	v1 =	vadd.f32 v1, v35  }
0x1b5: {  	v6 =	vmul.f32 v61, v0  }
0x1b6: {  	v1 =	vadd.f32 v30, v1;
	_ =	sdelay $0x1  }
0x1b7: {  	v59 =	vmul.f32 v59, v4;
	v1 =	vadd.f32 v6, v1  }
0x1b8: {  	v6 =	vpop (erf)  }
0x1b9: {  	v9 =	vld.idx.msk [tilespmem:v51+s17+$0x0], $0xffff;
	v1 =	vadd.f32 v59, v1;
	v60 =	vpop (erf)  }
0x1ba: {  	v8 =	vadd.f32 $1.000000000e+00, v60  }
0x1bb: {  	v10 =	vld.idx.msk [tilespmem:v52+s17+$0x0], $0xffff;
	v1 =	vmul.f32 $1.442695020e+00, v1  }
0x1bc: {  	v11 =	vadd.f32 v39, v38;
	(erf) = vrcp.f32 v8  }
0x1bd: {  	(erf) = vpow2.f32 v1  }
0x1be: {  	v61 =	vmul.f32 v9, v33;
	v1 =	vadd.f32 v46, v11  }
0x1bf: {  	v32 =	vld.idx.msk [tilespmem:v24+s17+$0x0], $0xffff  }
0x1c0: {  	v35 =	vmul.f32 v10, v45;
	v1 =	vadd.f32 v61, v1  }
0x1c1: {  	v36 =	vor.u32 v19, v40  }
0x1c2: {  	v37 =	vmul.f32 v63, v0;
	v1 =	vadd.f32 v35, v1;
	_ =	sdelay $0x1  }
0x1c3: {  	v38 =	vmul.f32 v32, v4;
	v1 =	vadd.f32 v37, v1  }
0x1c4: {  	v39 =	vpop (erf)  }
0x1c5: {  	v10 =	vld.idx.msk [tilespmem:v36+s17+$0x0], $0xffff;
	v1 =	vadd.f32 v38, v1;
	v40 =	vpop (erf)  }
0x1c6: {  	v8 =	vadd.f32 $1.000000000e+00, v40  }
0x1c7: {  	v1 =	vmul.f32 $1.442695020e+00, v1  }
0x1c8: {  	(erf) = vrcp.f32 v8  }
0x1c9: {  	(erf) = vpow2.f32 v1  }
0x1ca: {  	v43 =	vmul.f32 v10, v33;
	v1 =	vadd.f32 v20, v34;
	_ =	sdelay $0x1  }
0x1cb: {  	v46 =	vmul.f32 v58, v45;
	v1 =	vadd.f32 v43, v1;
	_ =	sdelay $0x1  }
0x1cc: {  	v48 =	vmul.f32 v47, v0;
	v2 =	vmul.f32 v2, v4;
	v1 =	vadd.f32 v46, v1;
	_ =	sdelay $0x1  }
0x1cd: {  	v1 =	vadd.f32 v48, v1  }
0x1ce: {  	v51 =	vpop (erf)  }
0x1cf: {  	v1 =	vadd.f32 v2, v1;
	v2 =	vpop (erf)  }
0x1d0: {  	v52 =	vld.idx.msk [tilespmem:v53+s17+$0x0], $0xffff;
	v2 =	vadd.f32 $1.000000000e+00, v2  }
0x1d1: {  	v1 =	vmul.f32 $1.442695020e+00, v1  }
0x1d2: {  	(erf) = vrcp.f32 v2;
	v2 =	vld.idx.msk [tilespmem:v54+s17+$0x0], $0xffff  }
0x1d3: {  	(erf) = vpow2.f32 v1;
	v1 =	vmul.f32 v25, v33;
	_ =	sdelay $0x1  }
0x1d4: {  	v10 =	vmul.f32 v52, v45;
	v1 =	vadd.f32 v1, v57;
	_ =	sdelay $0x1  }
0x1d5: {  	v1 =	vadd.f32 v10, v1;
	v2 =	vmul.f32 v2, v0  }
0x1d6: {  	v53 =	vld.idx.msk [tilespmem:v49+s17+$0x0], $0xffff  }
0x1d7: {  	v1 =	vadd.f32 v2, v1;
	v2 =	vld [tilespmem:$0x1FE60];
	_ =	sdelay $0x4  }
0x1d8: {  	v54 =	vmul.f32 v53, v4;
	v2 =	vadd.f32 v12, v2  }
0x1d9: {  	v56 =	vpop (erf)  }
0x1da: {  	v57 =	vld.idx.msk [tilespmem:v62+s17+$0x0], $0xffff;
	v1 =	vadd.f32 v54, v1;
	v58 =	vpop (erf);
	v2 =	vadd.f32 v2, v14  }
0x1db: {  	v10 =	vadd.f32 $1.000000000e+00, v58  }
0x1dc: {  	v1 =	vmul.f32 $1.442695020e+00, v1;
	v2 =	vadd.f32 v2, v15  }
0x1dd: {  	(erf) = vrcp.f32 v10  }
0x1de: {  	v60 =	vld.idx.msk [tilespmem:v55+s17+$0x0], $0xffff;
	(erf) = vpow2.f32 v1;
	v2 =	vadd.f32 v2, v16  }
0x1df: {  	v59 =	vmul.f32 v57, v33;
	v1 =	vadd.f32 v44, v27  }
0x1e0: {  	v2 =	vadd.f32 v2, v17  }
0x1e1: {  	v1 =	vadd.f32 v59, v1  }
0x1e2: {  	v2 =	vadd.f32 v2, v18  }
0x1e3: {  	v4 =	vmul.f32 v60, v4;
	v0 =	vmul.f32 v50, v0;
	v1 =	vadd.f32 v13, v1;
	_ =	sdelay $0x1  }
0x1e4: {  	v0 =	vadd.f32 v0, v1  }
0x1e5: {  	v1 =	vadd.f32 v2, v21;
	v2 =	vpop (erf)  }
0x1e6: {  	v0 =	vadd.f32 v4, v0;
	v4 =	vpop (erf)  }
0x1e7: {  	v4 =	vadd.f32 $1.000000000e+00, v4  }
0x1e8: {  	v0 =	vmul.f32 $1.442695020e+00, v0  }
0x1e9: {  	v1 =	vadd.f32 v22, v1;
	(erf) = vrcp.f32 v4  }
0x1ea: {  	(erf) = vpow2.f32 v0;
	v0 =	vld [tilespmem:$0x1FC80]  }
0x1eb: {  	v1 =	vadd.f32 v41, v1;
	_ =	sdelay $0x1  }
0x1ec: {  	v1 =	vadd.f32 v42, v1;
	_ =	sdelay $0x1  }
0x1ed: {  	v0 =	vadd.f32 v0, v1;
	v1 =	vld [tilespmem:$0x1FC90];
	_ =	sdelay $0x4  }
0x1ee: {  	v0 =	vadd.f32 v1, v0;
	_ =	sdelay $0x1  }
0x1ef: {  	v0 =	vadd.f32 v7, v0;
	_ =	sdelay $0x1  }
0x1f0: {  	v1 =	vpop (erf);
	v0 =	vadd.f32 v5, v0  }
0x1f1: {  	v4 =	vpop (erf)  }
0x1f2: {  	v4 =	vadd.f32 $1.000000000e+00, v4;
	v0 =	vadd.f32 v6, v0;
	_ =	sdelay $0x1  }
0x1f3: {  	(erf) = vrcp.f32 v4;
	v0 =	vadd.f32 v39, v0;
	_ =	sdelay $0x1  }
0x1f4: {  	v0 =	vadd.f32 v51, v0;
	_ =	sdelay $0x1  }
0x1f5: {  	v0 =	vadd.f32 v56, v0;
	_ =	sdelay $0x1  }
0x1f6: {  	v0 =	vadd.f32 v2, v0;
	_ =	sdelay $0x1  }
0x1f7: {  	v0 =	vadd.f32 v1, v0  }
0x1f8: {  	v1 =	vpop (erf)  }
0x1f9: {  	p0 =	seq.s32 s18, $0xF;
	v0 =	vadd.f32 v1, v0  }
0x1fa: {  	s10 =	sadd.s32 @!p0 $0x2, s19;
	s19 =	simm.s32 @!p0 $0x10  }
0x1fb: {  	s21 =	simm.s32 @!p0 $0x2C00;
	s11 =	sshll.u32 @!p0 s10, $0x4;
	s10 =	smul.u32 @!p0 $0x500, s10;
	[tilespmem:$0x18C00] =	vst v0  }
0x1fc: {  	[tilespmem:s21], [sflag:$0x1] =	stream.indirect.gather @!p0 [hbm4b:s1+s19], $0x80, s11, s19, $0xb8;
	[tilespmem:$0x18C80] =	vst v63  }
0x1fd: {  	s10 =	sshra.s32 @!p0 s10, $0x2;
	s11 =	sadd.s32 @!p0 $0x200, s11;
	s21 =	simm.s32 @!p0 $0x3400  }
0x1fe: {  	[tilespmem:s21], [sflag:$0x1] =	stream.indirect.gather @!p0 [hbm4b:s2+s19], $0x80, s11, s19, $0xb8;
	[tilespmem:$0x18C80] =	vst v63  }
0x1ff: {  	s11 =	sadd.s32 @!p0 $0x400, s10;
	s19 =	simm.s32 @!p0 $0x80;
	s21 =	simm.s32 @!p0 $0x3C00  }
0x200: {  	[tilespmem:s21], [sflag:$0x1] =	stream.indirect.gather @!p0 [hbm4b:s2+s19], $0x80, s11, s19, $0xb8;
	[tilespmem:$0x18C80] =	vst v63  }
0x201: {  	s11 =	sadd.s32 @!p0 $0x480, s10;
	s21 =	simm.s32 @!p0 $0x7C00  }
0x202: {  	[tilespmem:s21], [sflag:$0x1] =	stream.indirect.gather @!p0 [hbm4b:s2+s19], $0x80, s11, s19, $0xb8;
	[tilespmem:$0x18C80] =	vst v63  }
0x203: {  	s10 =	sadd.s32 @!p0 $0x500, s10;
	s11 =	simm.s32 @!p0 $0x40;
	s19 =	simm.s32 @!p0 $0xBC00  }
0x204: {  	[tilespmem:s19], [sflag:$0x1] =	stream.indirect.gather @!p0 [hbm4b:s2+s11], $0x80, s10, s11, $0xb8;
	[tilespmem:$0x18C80] =	vst v63  }
0x205: {  	_ =	swait.ge [sflag:s30], $0x800  }
0x206: {  	[sflag:s30] =	ssyncset.done $0x0  }
0x207: {  	[sflag:s30] =	ssyncadd.s32 $0xFFFFF800  }
0x208: {  	_ =	swait.ge [sflag:s30], $0x800  }
0x209: {  	[sflag:s30] =	ssyncset.done $0x0  }
0x20a: {  	[sflag:s30] =	ssyncadd.s32 $0xFFFFF800  }
0x20b: {  	_ =	swait.ge [sflag:s30], $0x4000  }
0x20c: {  	[sflag:s30] =	ssyncset.done $0x0  }
0x20d: {  	[sflag:s30] =	ssyncadd.s32 $0xFFFFC000  }
0x20e: {  	_ =	swait.ge [sflag:s30], $0x4000  }
0x20f: {  	[sflag:s30] =	ssyncset.done $0x0;
	v61 =	vld [tilespmem:$0x1FEF0]  }
0x210: {  	[sflag:s30] =	ssyncadd.s32 $0xFFFFC000  }
0x211: {  	v3 =	vlaneseq.u32;
	s19 =	simm.s32 $0x1;
	_ =	swait.ge [sflag:s30], $0x2000  }
0x212: {  	s21 =	simm.s32 $0x2;
	v2 =	vadd.s32 s19, v3;
	v48 =	vld [tilespmem:$0x1FFE0]  }
0x213: {  	v24 =	vadd.s32 s21, v3;
	v20 =	vand.u32 $0x7F, v2;
	v31 =	vld [tilespmem:$0x1FFC0]  }
0x214: {  	s22 =	simm.s32 $0x0;
	v25 =	vand.u32 $0x7F, v24;
	v22 =	vld [tilespmem:$0x1FFA0];
	v42 =	vor.u32 v61, v20  }
0x215: {  	s31 =	simm.s32 $0x3;
	v27 =	vadd.s32 s22, v3;
	v30 =	vld [tilespmem:$0x1FF90];
	v62 =	vor.u32 v61, v25  }
0x216: {  	v8 =	vadd.s32 s31, v3;
	v63 =	vand.u32 $0x7F, v27;
	[sflag:s30] =	ssyncset.done $0x0;
	v21 =	vld [tilespmem:$0x1FFB0]  }
0x217: {  	v10 =	vand.u32 $0x7F, v8;
	v3 =	vld [tilespmem:$0x1FFD0];
	[sflag:s30] =	ssyncadd.s32 $0xFFFFE000;
	v26 =	vor.u32 v61, v63  }
0x218: {  	v4 =	vld [tilespmem:$0x18C00];
	v12 =	vor.u32 v61, v10  }
0x219: {  	v35 =	vld.idx.msk [tilespmem:v42+s23+$0x0], $0xffff  }
0x21a: {  	v29 =	vld.idx.msk [tilespmem:v62+s23+$0x0], $0xffff  }
0x21b: {  	v0 =	vor.u32 v48, v2;
	v9 =	vld.idx.msk [tilespmem:v62+s24+$0x0], $0xffff  }
0x21c: {  	[tilespmem:$0x1FCA0] =	vst v2;
	v1 =	vor.u32 v31, v2;
	v2 =	vor.u32 v22, v2;
	v39 =	vld.idx.msk [tilespmem:v26+s23+$0x0], $0xffff  }
0x21d: {  	v54 =	vld.idx.msk [tilespmem:v12+s24+$0x0], $0xffff  }
0x21e: {  	v5 =	vor.u32 v30, v25;
	v36 =	vld.idx.msk [tilespmem:v12+s23+$0x0], $0xffff  }
0x21f: {  	[tilespmem:$0x1FCB0] =	vst v4;
	v4 =	vor.u32 v31, v24;
	v55 =	vld.idx.msk [tilespmem:v26+s24+$0x0], $0xffff  }
0x220: {  	v6 =	vor.u32 v22, v24;
	v0 =	vld.idx.msk [tilespmem:v0+s25+$0x0], $0xffff  }
0x221: {  	v7 =	vld.idx.msk [tilespmem:v2+s25+$0x0], $0xffff;
	v2 =	vor.u32 v22, v27  }
0x222: {  	[tilespmem:$0x1FCD0] =	vst v63;
	v32 =	vor.u32 v22, v8;
	v1 =	vld.idx.msk [tilespmem:v1+s25+$0x0], $0xffff  }
0x223: {  	[tilespmem:$0x1FCE0] =	vst v27;
	v41 =	vor.u32 v30, v10;
	v45 =	vld.idx.msk [tilespmem:v5+s25+$0x0], $0xffff  }
0x224: {  	[tilespmem:$0x1FCF0] =	vst v24;
	v34 =	vor.u32 v3, v63;
	v4 =	vld.idx.msk [tilespmem:v4+s25+$0x0], $0xffff  }
0x225: {  	v60 =	vimm.f32 $0.0e+00;
	[tilespmem:$0x1FD00] =	vst v25;
	v43 =	vor.u32 v31, v27;
	v6 =	vld.idx.msk [tilespmem:v6+s25+$0x0], $0xffff  }
0x226: {  	v44 =	vimm.f32 $0.0e+00;
	[tilespmem:$0x1FD20] =	vst v20;
	v23 =	vor.u32 v21, v20;
	v47 =	vor.u32 v30, v20;
	v33 =	vld.idx.msk [tilespmem:v2+s25+$0x0], $0xffff  }
0x227: {  	v46 =	vor.u32 v30, v63;
	v18 =	vor.u32 v21, v63;
	v52 =	vor.u32 v3, v25;
	v11 =	vld.idx.msk [tilespmem:v32+s25+$0x0], $0xffff  }
0x228: {  	v57 =	vor.u32 v31, v8;
	v50 =	vor.u32 v48, v8;
	v5 =	vor.u32 v21, v10;
	v61 =	vld.idx.msk [tilespmem:v41+s25+$0x0], $0xffff  }
0x229: {  	v53 =	vor.u32 v21, v25;
	v51 =	vor.u32 v3, v10;
	v37 =	vmul.f32 v4, v29;
	v4 =	vld.idx.msk [tilespmem:v34+s25+$0x0], $0xffff  }
0x22a: {  	v58 =	vor.u32 v3, v20;
	v59 =	vld.idx.msk [tilespmem:v43+s25+$0x0], $0xffff;
	v2 =	vmul.f32 v0, v35;
	v0 =	vor.u32 v48, v24  }
0x22b: {  	[tilespmem:$0x1FD10] =	vst v26;
	v26 =	vimm.f32 $0.0e+00;
	v28 =	vld.idx.msk [tilespmem:v47+s25+$0x0], $0xffff;
	v47 =	vimm.f32 $0.0e+00;
	v13 =	vmul.f32 v33, v39  }
0x22c: {  	[tilespmem:$0x1FCC0] =	vst v62;
	v62 =	vld.idx.msk [tilespmem:v46+s25+$0x0], $0xffff;
	v46 =	vimm.f32 $0.0e+00;
	v40 =	vmul.f32 v9, v29;
	v56 =	vmul.f32 v6, v29  }
0x22d: {  	v49 =	vld.idx.msk [tilespmem:v5+s25+$0x0], $0xffff;
	v38 =	vmul.f32 v1, v35;
	v1 =	vmul.f32 v7, v35;
	v6 =	vadd.f32 v13, v44  }
0x22e: {  	v5 =	vor.u32 v48, v27;
	v41 =	vmul.f32 v11, v36;
	v27 =	vld.idx.msk [tilespmem:v18+s25+$0x0], $0xffff;
	v43 =	vmul.f32 v4, v39  }
0x22f: {  	s21 =	simm.s32 $0x4;
	[tilespmem:$0x1FD30] =	vst v42;
	v63 =	vld.idx.msk [tilespmem:v0+s25+$0x0], $0xffff;
	v44 =	vimm.f32 $0.0e+00;
	v33 =	vadd.f32 v1, v6;
	v1 =	vimm.f32 $0.0e+00  }
.LBB2_9:
0x230: {  	_ = 	snop  }
0x231: {  	v6 =	vld.idx.msk [tilespmem:v50+s25+$0x0], $0xffff  }
0x232: {  	v9 =	vld.idx.msk [tilespmem:v57+s25+$0x0], $0xffff  }
0x233: {  	s10 =	sadd.s32 $0x1, s21;
	s22 =	smov.u32 s21;
	v24 =	vlaneseq.u32;
	v5 =	vld.idx.msk [tilespmem:v5+s25+$0x0], $0xffff  }
0x234: {  	v11 =	vmul.f32 v45, v29;
	v34 =	vld [tilespmem:$0x1FEF0];
	v7 =	vadd.s32 s10, v24;
	v14 =	vadd.f32 v56, v33;
	s31 =	sadd.s32 $0x2, s22  }
0x235: {  	v13 =	vld.idx.msk [tilespmem:v23+s25+$0x0], $0xffff;
	v43 =	vadd.f32 v43, v44;
	v16 =	vor.u32 v31, v7;
	v33 =	vadd.s32 s31, v24  }
0x236: {  	v45 =	vld.idx.msk [tilespmem:v53+s25+$0x0], $0xffff;
	v19 =	vor.u32 v48, v7;
	v23 =	vmul.f32 v55, v39;
	v53 =	vand.u32 $0x7F, v33  }
0x237: {  	v18 =	vld.idx.msk [tilespmem:v52+s25+$0x0], $0xffff;
	v32 =	vor.u32 v31, v33;
	v52 =	vor.u32 v22, v33;
	v0 =	vmul.f32 v54, v36  }
0x238: {  	v20 =	vld.idx.msk [tilespmem:v42+s24+$0x0], $0xffff;
	v14 =	vadd.f32 v41, v14;
	v4 =	vmul.f32 v61, v36;
	v8 =	vmul.f32 v62, v39  }
0x239: {  	v51 =	vld.idx.msk [tilespmem:v51+s25+$0x0], $0xffff;
	v10 =	vmul.f32 v59, v39;
	v15 =	vmul.f32 v63, v29;
	v55 =	vor.u32 v30, v53  }
0x23a: {  	v17 =	vmul.f32 v27, v39;
	v27 =	vld.idx.msk [tilespmem:v58+s25+$0x0], $0xffff;
	v1 =	vadd.f32 v23, v1;
	v54 =	vadd.s32 s22, v24  }
0x23b: {  	v5 =	vmul.f32 v5, v39;
	v39 =	vor.u32 v34, v53;
	v13 =	vmul.f32 v13, v35;
	v19 =	vld.idx.msk [tilespmem:v19+s25+$0x0], $0xffff  }
0x23c: {  	v18 =	vmul.f32 v18, v29;
	[tilespmem:$0x1FC60] =	vst v4;
	v4 =	vand.u32 $0x7F, v7;
	v8 =	vadd.f32 v8, v26;
	v16 =	vld.idx.msk [tilespmem:v16+s25+$0x0], $0xffff  }
0x23d: {  	v26 =	vmul.f32 v28, v35;
	v28 =	vmul.f32 v49, v36;
	v12 =	vor.u32 v34, v4;
	v49 =	vld.idx.msk [tilespmem:v32+s25+$0x0], $0xffff  }
0x23e: {  	v57 =	vor.u32 v22, v54;
	v17 =	vadd.f32 v17, v47;
	v47 =	vmul.f32 v45, v29;
	v45 =	vld.idx.msk [tilespmem:v55+s25+$0x0], $0xffff  }
0x23f: {  	v20 =	vmul.f32 v20, v35;
	v56 =	vand.u32 $0x7F, v54;
	v7 =	vor.u32 v22, v7;
	v55 =	vld.idx.msk [tilespmem:v52+s25+$0x0], $0xffff  }
0x240: {  	v10 =	vadd.f32 v10, v60;
	v58 =	vor.u32 v34, v56;
	v60 =	vor.u32 v30, v56;
	v29 =	vld.idx.msk [tilespmem:v39+s23+$0x0], $0xffff  }
0x241: {  	s11 =	sadd.s32 $0x3, s21;
	v59 =	vor.u32 v3, v56;
	v46 =	vadd.f32 v5, v46;
	v1 =	vadd.f32 v20, v1;
	v25 =	vld.idx.msk [tilespmem:v39+s24+$0x0], $0xffff  }
0x242: {  	v50 =	vadd.s32 s11, v24;
	v20 =	vor.u32 v31, v54;
	v42 =	vmovc v12;
	v13 =	vadd.f32 v13, v17;
	v12 =	vld.idx.msk [tilespmem:v12+s23+$0x0], $0xffff  }
0x243: {  	v32 =	vor.u32 v21, v56;
	v56 =	vor.u32 v22, v50;
	v8 =	vadd.f32 v26, v8;
	v26 =	vld.idx.msk [tilespmem:v57+s25+$0x0], $0xffff  }
0x244: {  	v33 =	vor.u32 v48, v33;
	v1 =	vadd.f32 v40, v1;
	v13 =	vadd.f32 v47, v13;
	v7 =	vld.idx.msk [tilespmem:v7+s25+$0x0], $0xffff  }
0x245: {  	v6 =	vmul.f32 v6, v36;
	v27 =	vmul.f32 v27, v35;
	v2 =	vadd.f32 v2, v46;
	v39 =	vld.idx.msk [tilespmem:v58+s23+$0x0], $0xffff  }
0x246: {  	v1 =	vadd.f32 v0, v1;
	v0 =	vor.u32 v30, v4;
	v47 =	vadd.f32 v28, v13;
	v13 =	vld.idx.msk [tilespmem:v59+s25+$0x0], $0xffff  }
0x247: {  	v63 =	vand.u32 $0x7F, v50;
	v40 =	vadd.f32 v27, v43;
	v2 =	vadd.f32 v15, v2;
	v59 =	vld.idx.msk [tilespmem:v20+s25+$0x0], $0xffff;
	v35 =	vmovc v12  }
0x248: {  	v61 =	vor.u32 v21, v63;
	v24 =	vld.idx.msk [tilespmem:v56+s25+$0x0], $0xffff;
	v12 =	vmul.f32 v19, v35;
	v19 =	vor.u32 v34, v63  }
0x249: {  	v17 =	vmul.f32 v51, v36;
	v46 =	vadd.f32 v6, v2;
	v2 =	vadd.f32 v18, v40;
	v27 =	vld.idx.msk [tilespmem:v32+s25+$0x0], $0xffff  }
0x24a: {  	v9 =	vmul.f32 v9, v36;
	v62 =	vor.u32 v30, v63;
	v56 =	vmul.f32 v55, v29;
	v55 =	vld.idx.msk [tilespmem:v58+s24+$0x0], $0xffff  }
0x24b: {  	v23 =	vor.u32 v21, v4;
	v5 =	vor.u32 v48, v54;
	v44 =	vadd.f32 v17, v2;
	v2 =	vld [tilespmem:$0x1FC60]  }
0x24c: {  	v10 =	vadd.f32 v38, v10;
	v51 =	vor.u32 v3, v63;
	v52 =	vor.u32 v3, v53;
	v28 =	vld.idx.msk [tilespmem:v0+s25+$0x0], $0xffff  }
0x24d: {  	p0 =	slt.u32 s21, $0x7C;
	v53 =	vor.u32 v21, v53;
	v57 =	vor.u32 v31, v50;
	v8 =	vadd.f32 v11, v8;
	v36 =	vld.idx.msk [tilespmem:v19+s23+$0x0], $0xffff  }
.Ltmp3:
0x24e: {  	v10 =	vadd.f32 v37, v10;
	v41 =	vmul.f32 v26, v39;
	v34 =	vmul.f32 v49, v29;
	v49 =	vld.idx.msk [tilespmem:v61+s25+$0x0], $0xffff;
	(pc) =	sbr.rel @p0 .LBB2_9-.Ltmp3, $4  }
0x24f: {  	v50 =	vor.u32 v48, v50;
	v58 =	vor.u32 v3, v4;
	v40 =	vmul.f32 v25, v29;
	v61 =	vld.idx.msk [tilespmem:v62+s25+$0x0], $0xffff  }
0x250: {  	v43 =	vmul.f32 v13, v39;
	v62 =	vld.idx.msk [tilespmem:v60+s25+$0x0], $0xffff;
	v6 =	vmul.f32 v7, v35;
	v4 =	vadd.f32 v41, v14  }
0x251: {  	s19 =	sadd.s32 $0x4, s21;
	v38 =	vmul.f32 v16, v35;
	v60 =	vadd.f32 v9, v10;
	v63 =	vld.idx.msk [tilespmem:v33+s25+$0x0], $0xffff;
	v26 =	vadd.f32 v2, v8  }
0x252: {  	s21 =	smov.u32 s19;
	v2 =	vmovc v12;
	v37 =	vmov v34;
	v33 =	vadd.f32 v6, v4;
	v54 =	vld.idx.msk [tilespmem:v19+s24+$0x0], $0xffff;
	v41 =	vmul.f32 v24, v36  }
0x253: {  	_ =	sdelay $0x3  }
0x254: {  	v0 =	vld.idx.msk [tilespmem:v50+s25+$0x0], $0xffff  }
0x255: {  	v4 =	vld.idx.msk [tilespmem:v57+s25+$0x0], $0xffff  }
0x256: {  	v5 =	vld.idx.msk [tilespmem:v5+s25+$0x0], $0xffff  }
0x257: {  	v8 =	vld.idx.msk [tilespmem:v23+s25+$0x0], $0xffff  }
0x258: {  	v11 =	vld.idx.msk [tilespmem:v52+s25+$0x0], $0xffff  }
0x259: {  	v15 =	vld.idx.msk [tilespmem:v42+s24+$0x0], $0xffff  }
0x25a: {  	v17 =	vld.idx.msk [tilespmem:v58+s25+$0x0], $0xffff  }
0x25b: {  	v22 =	vld [tilespmem:$0x1FF10]  }
0x25c: {  	v10 =	vmul.f32 v59, v39;
	v3 =	vld [tilespmem:$0x1FCA0]  }
0x25d: {  	v58 =	vld [tilespmem:$0x1FF30]  }
0x25e: {  	v10 =	vadd.f32 v10, v60;
	v60 =	vld [tilespmem:$0x1FF50]  }
0x25f: {  	v20 =	vld.idx.msk [tilespmem:v53+s25+$0x0], $0xffff  }
0x260: {  	v31 =	vld [tilespmem:$0x1FD20];
	v9 =	vmul.f32 v62, v39  }
0x261: {  	v16 =	vmul.f32 v27, v39;
	v27 =	vld.idx.msk [tilespmem:v51+s25+$0x0], $0xffff  }
0x262: {  	v18 =	vmul.f32 v28, v35;
	v30 =	vld [tilespmem:$0x1FCF0];
	v9 =	vadd.f32 v9, v26  }
0x263: {  	v23 =	vor.u32 v22, v3;
	v26 =	vor.u32 v58, v3;
	v28 =	vor.u32 v60, v3;
	v3 =	vld [tilespmem:$0x1FD30]  }
0x264: {  	v34 =	vld [tilespmem:$0x1FCE0]  }
0x265: {  	v12 =	vmul.f32 v45, v29;
	v19 =	vmul.f32 v49, v36;
	v32 =	vld [tilespmem:$0x1FD00]  }
0x266: {  	v24 =	vmul.f32 v55, v39;
	v21 =	vld [tilespmem:$0x1FF00];
	v7 =	vmul.f32 v61, v36  }
0x267: {  	v51 =	vld [tilespmem:$0x1FCD0];
	v14 =	vmul.f32 v63, v29;
	v5 =	vmul.f32 v5, v39  }
0x268: {  	v57 =	vld [tilespmem:$0x1FF20];
	v1 =	vadd.f32 v24, v1;
	v8 =	vmul.f32 v8, v35;
	v15 =	vmul.f32 v15, v35  }
0x269: {  	v13 =	vadd.f32 v56, v33;
	v61 =	vld [tilespmem:$0x1FF60];
	v11 =	vmul.f32 v11, v29;
	v17 =	vmul.f32 v17, v35  }
0x26a: {  	v59 =	vld [tilespmem:$0x1FF40];
	v24 =	vor.u32 v22, v30;
	v5 =	vadd.f32 v5, v46;
	v1 =	vadd.f32 v15, v1  }
0x26b: {  	v20 =	vmul.f32 v20, v29;
	v29 =	vor.u32 v22, v34;
	v35 =	vld.idx.msk [tilespmem:v3+s23+$0x0], $0xffff;
	v3 =	vadd.f32 v41, v13  }
0x26c: {  	v6 =	vmul.f32 v54, v36;
	v1 =	vadd.f32 v40, v1;
	v2 =	vadd.f32 v2, v5;
	v23 =	vld.idx.msk [tilespmem:v23+s25+$0x0], $0xffff  }
0x26d: {  	v48 =	vadd.f32 v43, v44;
	v0 =	vmul.f32 v0, v36;
	v53 =	vor.u32 v58, v34;
	[tilespmem:$0x1FBF0] =	vst v3;
	v3 =	vld [tilespmem:$0x1FCC0]  }
0x26e: {  	v25 =	vor.u32 v61, v31;
	v33 =	vld.idx.msk [tilespmem:v26+s25+$0x0], $0xffff;
	v1 =	vadd.f32 v6, v1;
	v2 =	vadd.f32 v14, v2  }
0x26f: {  	v16 =	vadd.f32 v16, v47;
	v10 =	vadd.f32 v38, v10;
	v49 =	vor.u32 v61, v32;
	v38 =	vld.idx.msk [tilespmem:v24+s25+$0x0], $0xffff  }
0x270: {  	v52 =	vld.idx.msk [tilespmem:v29+s25+$0x0], $0xffff;
	[tilespmem:$0x1FC00] =	vst v1;
	v1 =	vadd.f32 v17, v48;
	v0 =	vadd.f32 v0, v2  }
0x271: {  	v27 =	vmul.f32 v27, v36;
	v8 =	vadd.f32 v8, v16;
	v2 =	vld [tilespmem:$0x1FD10]  }
0x272: {  	v29 =	vld.idx.msk [tilespmem:v53+s25+$0x0], $0xffff;
	v6 =	vor.u32 v21, v51;
	[tilespmem:$0x1FC20] =	vst v0;
	v0 =	vadd.f32 v11, v1  }
0x273: {  	v5 =	vadd.f32 v20, v8;
	v47 =	vld.idx.msk [tilespmem:v25+s25+$0x0], $0xffff;
	v1 =	vor.u32 v57, v51  }
0x274: {  	v9 =	vadd.f32 v18, v9;
	v26 =	vld.idx.msk [tilespmem:v49+s25+$0x0], $0xffff;
	v0 =	vadd.f32 v27, v0  }
0x275: {  	v4 =	vmul.f32 v4, v36;
	v36 =	vld.idx.msk [tilespmem:v3+s23+$0x0], $0xffff;
	v3 =	vadd.f32 v19, v5  }
0x276: {  	v9 =	vadd.f32 v12, v9;
	v25 =	vor.u32 v60, v30;
	v16 =	vld.idx.msk [tilespmem:v28+s25+$0x0], $0xffff;
	[tilespmem:$0x1FC40] =	vst v0  }
0x277: {  	s10 =	simm.s32 $0x3;
	v50 =	vor.u32 v60, v34;
	v6 =	vld.idx.msk [tilespmem:v6+s25+$0x0], $0xffff;
	v0 =	vor.u32 v59, v51;
	[tilespmem:$0x1FC10] =	vst v3;
	v3 =	vlaneseq.u32  }
0x278: {  	v1 =	vld.idx.msk [tilespmem:v1+s25+$0x0], $0xffff;
	v5 =	vadd.f32 v37, v10;
	v55 =	vadd.s32 s10, v3;
	v3 =	vadd.f32 v7, v9  }
0x279: {  	v54 =	vor.u32 v61, v51;
	v24 =	vld.idx.msk [tilespmem:v2+s23+$0x0], $0xffff  }
0x27a: {  	v43 =	vimm.f32 $0.0e+00;
	v40 =	vor.u32 v58, v30;
	v2 =	vadd.f32 v4, v5;
	[tilespmem:$0x1FC50] =	vst v3;
	v3 =	vld [tilespmem:$0x1FEF0]  }
0x27b: {  	v28 =	vor.u32 v59, v32;
	v17 =	vld.idx.msk [tilespmem:v25+s25+$0x0], $0xffff;
	v25 =	vor.u32 v59, v31;
	v19 =	vor.u32 v21, v31  }
0x27c: {  	v27 =	vmul.f32 v23, v35;
	v46 =	vld.idx.msk [tilespmem:v0+s25+$0x0], $0xffff;
	[tilespmem:$0x1FC30] =	vst v2;
	v2 =	vor.u32 v57, v31;
	v41 =	vand.u32 $0x7F, v55  }
0x27d: {  	v23 =	vmul.f32 v47, v35;
	v45 =	vmul.f32 v16, v35;
	v4 =	vld.idx.msk [tilespmem:v50+s25+$0x0], $0xffff;
	v62 =	vor.u32 v21, v41  }
0x27e: {  	v37 =	vor.u32 v21, v32;
	v10 =	vld.idx.msk [tilespmem:v54+s25+$0x0], $0xffff;
	v12 =	vmul.f32 v52, v24;
	v63 =	vor.u32 v57, v41  }
0x27f: {  	v6 =	vmul.f32 v6, v24;
	v52 =	vld.idx.msk [tilespmem:v40+s25+$0x0], $0xffff;
	v49 =	vmul.f32 v1, v24;
	v7 =	vor.u32 v3, v41  }
0x280: {  	v1 =	vimm.f32 $0.0e+00;
	v5 =	vor.u32 v57, v32;
	v34 =	vor.u32 v58, v55;
	v51 =	vld.idx.msk [tilespmem:v19+s25+$0x0], $0xffff  }
0x281: {  	v48 =	vor.u32 v60, v55;
	v31 =	vimm.f32 $0.0e+00;
	v30 =	vor.u32 v59, v41;
	v44 =	vld.idx.msk [tilespmem:v2+s25+$0x0], $0xffff  }
0x282: {  	v54 =	vadd.f32 v12, v31;
	v0 =	vmul.f32 v4, v24;
	v4 =	vor.u32 v22, v55;
	v42 =	vld.idx.msk [tilespmem:v62+s25+$0x0], $0xffff  }
0x283: {  	v47 =	vmul.f32 v10, v24;
	v53 =	vadd.f32 v6, v31;
	v39 =	vmul.f32 v17, v36;
	v50 =	vld.idx.msk [tilespmem:v63+s25+$0x0], $0xffff  }
0x284: {  	s19 =	simm.s32 $0x4;
	v2 =	vmul.f32 v33, v35;
	v55 =	vadd.f32 v0, v31;
	v33 =	vimm.f32 $0.0e+00;
	v32 =	vld.idx.msk [tilespmem:v7+s23+$0x0], $0xffff  }
.LBB2_11:
0x285: {  	s10 =	sadd.s32 $0x1, s19;
	v0 =	vadd.f32 v27, v54  }
0x286: {  	p0 =	slt.u32 s19, $0x7C;
	v6 =	vmul.f32 v26, v36;
	v7 =	vld.idx.msk [tilespmem:v48+s25+$0x0], $0xffff;
	v8 =	vor.u32 v61, v41;
	s21 =	smov.u32 s19;
	s19 =	sadd.s32 $0x4, s19;
	v54 =	vlaneseq.u32  }
0x287: {  	v10 =	vmul.f32 v44, v35;
	v9 =	vadd.s32 s10, v54;
	v11 =	vadd.f32 v45, v55;
	v12 =	vld.idx.msk [tilespmem:v4+s25+$0x0], $0xffff  }
0x288: {  	v13 =	vmul.f32 v46, v24;
	v14 =	vmul.f32 v51, v35;
	v4 =	vand.u32 $0x7F, v9;
	v15 =	vld.idx.msk [tilespmem:v28+s25+$0x0], $0xffff  }
0x289: {  	v17 =	vmul.f32 v29, v24;
	v18 =	vmul.f32 v52, v36;
	v16 =	vor.u32 v3, v4;
	v19 =	vld.idx.msk [tilespmem:v30+s25+$0x0], $0xffff  }
0x28a: {  	v24 =	vmul.f32 v38, v36;
	v20 =	vor.u32 v58, v9;
	v14 =	vadd.f32 v14, v53;
	v5 =	vld.idx.msk [tilespmem:v5+s25+$0x0], $0xffff  }
0x28b: {  	v27 =	vadd.f32 v49, v31;
	v26 =	vor.u32 v22, v9;
	v28 =	vadd.f32 v47, v43;
	v29 =	vld.idx.msk [tilespmem:v34+s25+$0x0], $0xffff  }
0x28c: {  	v0 =	vadd.f32 v24, v0;
	v30 =	vor.u32 v61, v4;
	v31 =	vmul.f32 v50, v32;
	v8 =	vld.idx.msk [tilespmem:v8+s25+$0x0], $0xffff  }
0x28d: {  	s10 =	sadd.s32 $0x2, s21;
	v9 =	vor.u32 v60, v9;
	v24 =	vadd.f32 v23, v28;
	v7 =	vmul.f32 v7, v32;
	v23 =	vld.idx.msk [tilespmem:v37+s25+$0x0], $0xffff  }
0x28e: {  	v40 =	vmul.f32 v42, v32;
	v34 =	vadd.s32 s10, v54;
	v15 =	vmul.f32 v15, v36;
	v16 =	vld.idx.msk [tilespmem:v16+s23+$0x0], $0xffff  }
0x28f: {  	v42 =	vand.u32 $0x7F, v34;
	v28 =	vor.u32 v22, v34;
	v12 =	vmul.f32 v12, v32  }
0x290: {  	v37 =	vor.u32 v3, v42;
	v41 =	vor.u32 v61, v42;
	v19 =	vmul.f32 v19, v32;
	v26 =	vld.idx.msk [tilespmem:v26+s25+$0x0], $0xffff  }
0x291: {  	v11 =	vadd.f32 v39, v11;
	v43 =	vor.u32 v60, v34;
	v5 =	vmul.f32 v5, v36;
	v30 =	vld.idx.msk [tilespmem:v30+s25+$0x0], $0xffff  }
0x292: {  	v1 =	vadd.f32 v17, v1;
	v39 =	vadd.s32 s21, v54;
	v17 =	vld.idx.msk [tilespmem:v25+s25+$0x0], $0xffff;
	v25 =	vmul.f32 v29, v32  }
0x293: {  	v10 =	vadd.f32 v10, v27;
	v44 =	vor.u32 v22, v39;
	v29 =	vand.u32 $0x7F, v39;
	v20 =	vld.idx.msk [tilespmem:v20+s25+$0x0], $0xffff  }
0x294: {  	v47 =	vmul.f32 v23, v36;
	v45 =	vor.u32 v3, v29;
	v46 =	vor.u32 v21, v29;
	v9 =	vld.idx.msk [tilespmem:v9+s25+$0x0], $0xffff  }
0x295: {  	v10 =	vadd.f32 v5, v10;
	v48 =	vor.u32 v57, v29;
	v49 =	vor.u32 v59, v29;
	v36 =	vld.idx.msk [tilespmem:v37+s23+$0x0], $0xffff  }
0x296: {  	v5 =	vor.u32 v60, v39;
	v8 =	vmul.f32 v8, v32;
	v27 =	vmul.f32 v26, v16;
	v38 =	vld.idx.msk [tilespmem:v28+s25+$0x0], $0xffff  }
0x297: {  	v6 =	vadd.f32 v6, v24;
	v32 =	vor.u32 v61, v29;
	v23 =	vmul.f32 v30, v16;
	v50 =	vld.idx.msk [tilespmem:v43+s25+$0x0], $0xffff  }
0x298: {  	v7 =	vadd.f32 v7, v11;
	v29 =	vor.u32 v58, v39;
	v17 =	vmul.f32 v17, v35;
	v51 =	vld.idx.msk [tilespmem:v44+s25+$0x0], $0xffff  }
0x299: {  	v1 =	vadd.f32 v2, v1;
	v11 =	vor.u32 v21, v4;
	v37 =	vor.u32 v21, v42;
	v26 =	vld.idx.msk [tilespmem:v41+s25+$0x0], $0xffff  }
0x29a: {  	v13 =	vadd.f32 v13, v33;
	v2 =	vor.u32 v57, v4;
	s10 =	sadd.s32 $0x3, s21;
	v0 =	vadd.f32 v12, v0;
	v24 =	vld.idx.msk [tilespmem:v45+s23+$0x0], $0xffff  }
0x29b: {  	v39 =	vadd.s32 s10, v54;
	v14 =	vadd.f32 v47, v14;
	v28 =	vor.u32 v59, v42;
	v35 =	vmovc v16;
	v12 =	vld.idx.msk [tilespmem:v5+s25+$0x0], $0xffff  }
0x29c: {  	v52 =	vor.u32 v58, v34;
	v1 =	vadd.f32 v18, v1;
	v41 =	vand.u32 $0x7F, v39;
	v16 =	vld.idx.msk [tilespmem:v46+s25+$0x0], $0xffff  }
0x29d: {  	v13 =	vadd.f32 v17, v13;
	v18 =	vor.u32 v3, v41;
	v5 =	vor.u32 v57, v42;
	v29 =	vld.idx.msk [tilespmem:v29+s25+$0x0], $0xffff  }
0x29e: {  	v34 =	vor.u32 v58, v39;
	v14 =	vadd.f32 v40, v14;
	v30 =	vor.u32 v59, v41;
	v17 =	vld.idx.msk [tilespmem:v32+s25+$0x0], $0xffff  }
0x29f: {  	v43 =	vadd.f32 v8, v6;
	v56 =	vor.u32 v57, v41;
	v40 =	vld.idx.msk [tilespmem:v48+s25+$0x0], $0xffff;
	v48 =	vor.u32 v60, v39  }
0x2a0: {  	v45 =	vmul.f32 v9, v35;
	v6 =	vor.u32 v21, v41;
	v44 =	vld.idx.msk [tilespmem:v2+s25+$0x0], $0xffff;
	v2 =	vadd.f32 v15, v13  }
0x2a1: {  	v31 =	vadd.f32 v31, v10;
	v1 =	vadd.f32 v25, v1;
	v8 =	vmul.f32 v12, v24;
	v46 =	vld.idx.msk [tilespmem:v49+s25+$0x0], $0xffff  }
.Ltmp4:
0x2a2: {  	v25 =	vor.u32 v59, v4;
	v9 =	vmul.f32 v51, v24;
	v32 =	vld.idx.msk [tilespmem:v18+s23+$0x0], $0xffff;
	v33 =	vadd.f32 v19, v2;
	(pc) =	sbr.rel @p0 .LBB2_11-.Ltmp4, $4  }
0x2a3: {  	v4 =	vor.u32 v22, v39;
	v2 =	vmul.f32 v20, v35;
	v51 =	vld.idx.msk [tilespmem:v11+s25+$0x0], $0xffff  }
0x2a4: {  	v10 =	vmul.f32 v16, v24;
	v54 =	vadd.f32 v9, v0;
	v47 =	vmul.f32 v17, v24;
	v52 =	vld.idx.msk [tilespmem:v52+s25+$0x0], $0xffff  }
0x2a5: {  	v49 =	vmul.f32 v40, v24;
	v40 =	vimm.f32 $0.0e+00;
	v42 =	vld.idx.msk [tilespmem:v6+s25+$0x0], $0xffff  }
0x2a6: {  	s21 =	simm.s32 $0x0;
	v39 =	vmul.f32 v50, v36;
	v55 =	vadd.f32 v8, v7;
	v53 =	vadd.f32 v10, v14;
	v50 =	vld.idx.msk [tilespmem:v56+s25+$0x0], $0xffff  }
0x2a7: {  	_ =	sdelay $0x3  }
0x2a8: {  	v7 =	vld.idx.msk [tilespmem:v48+s25+$0x0], $0xffff  }
0x2a9: {  	v13 =	vld.idx.msk [tilespmem:v28+s25+$0x0], $0xffff  }
0x2aa: {  	v4 =	vld.idx.msk [tilespmem:v4+s25+$0x0], $0xffff  }
0x2ab: {  	v0 =	vadd.f32 v27, v54;
	v6 =	vmul.f32 v26, v36;
	v17 =	vld.idx.msk [tilespmem:v30+s25+$0x0], $0xffff  }
0x2ac: {  	v8 =	vor.u32 v61, v41;
	v9 =	vmul.f32 v44, v35;
	v12 =	vmul.f32 v46, v24;
	v5 =	vld.idx.msk [tilespmem:v5+s25+$0x0], $0xffff  }
0x2ad: {  	v14 =	vmul.f32 v29, v24;
	v16 =	vmul.f32 v38, v36;
	v18 =	vadd.f32 v49, v31;
	v26 =	vld.idx.msk [tilespmem:v34+s25+$0x0], $0xffff  }
0x2ae: {  	s10 =	simm.s32 $0x1;
	v19 =	vadd.f32 v47, v43;
	v57 =	vlaneseq.u32;
	v27 =	vld.idx.msk [tilespmem:v37+s25+$0x0], $0xffff;
	s22 =	simm.s32 $0x2;
	v10 =	vmul.f32 v51, v35  }
0x2af: {  	v22 =	vld [tilespmem:$0x1FFF0];
	v11 =	vadd.f32 v45, v55;
	v20 =	vadd.s32 s10, v57;
	v38 =	vadd.s32 s22, v57  }
0x2b0: {  	v58 =	vld [tilespmem:$0x1FC70];
	v15 =	vmul.f32 v52, v36;
	v0 =	vadd.f32 v16, v0;
	v24 =	vand.u32 $0x7F, v20  }
0x2b1: {  	v25 =	vld.idx.msk [tilespmem:v25+s25+$0x0], $0xffff;
	s31 =	simm.s32 $0x3;
	v19 =	vadd.f32 v23, v19;
	v59 =	vand.u32 $0x7F, v38;
	v1 =	vadd.f32 v14, v1  }
0x2b2: {  	v47 =	vld [tilespmem:$0x1FDC0];
	v9 =	vadd.f32 v9, v18;
	v52 =	vadd.s32 s31, v57;
	v23 =	vor.u32 v3, v24  }
0x2b3: {  	v21 =	vld [tilespmem:$0x1FF70];
	v12 =	vadd.f32 v12, v33;
	v10 =	vadd.f32 v10, v53;
	v53 =	vand.u32 $0x7F, v52  }
0x2b4: {  	v43 =	vld [tilespmem:$0x1FDB0];
	v28 =	vmul.f32 v42, v32;
	v11 =	vadd.f32 v39, v11;
	v56 =	vor.u32 v3, v53  }
0x2b5: {  	v46 =	vld [tilespmem:$0x1FF80];
	v61 =	vor.u32 v3, v59;
	v42 =	vadd.s32 s21, v57;
	v29 =	vor.u32 v22, v20  }
0x2b6: {  	v16 =	vmul.f32 v50, v32;
	v6 =	vadd.f32 v6, v19;
	v8 =	vld.idx.msk [tilespmem:v8+s25+$0x0], $0xffff;
	v30 =	vor.u32 v58, v24  }
0x2b7: {  	v1 =	vadd.f32 v2, v1;
	v13 =	vmul.f32 v13, v36;
	v60 =	vor.u32 v47, v38;
	v31 =	vld.idx.msk [tilespmem:v23+s23+$0x0], $0xffff  }
0x2b8: {  	v2 =	vand.u32 $0x7F, v42;
	v5 =	vmul.f32 v5, v36;
	v23 =	vmul.f32 v27, v36;
	v36 =	vld [tilespmem:$0x1FDD0]  }
0x2b9: {  	v7 =	vmul.f32 v7, v32;
	v4 =	vmul.f32 v4, v32;
	v62 =	vor.u32 v21, v24;
	v33 =	vld.idx.msk [tilespmem:v56+s23+$0x0], $0xffff  }
0x2ba: {  	v17 =	vmul.f32 v17, v32;
	v18 =	vmul.f32 v26, v32;
	v24 =	vor.u32 v43, v24;
	v27 =	vld.idx.msk [tilespmem:v29+s25+$0x0], $0xffff  }
0x2bb: {  	v63 =	vor.u32 v22, v38;
	v19 =	vmul.f32 v25, v35;
	v25 =	vor.u32 v21, v59;
	v29 =	vld.idx.msk [tilespmem:v30+s25+$0x0], $0xffff  }
0x2bc: {  	v26 =	vor.u32 v22, v42;
	v45 =	vor.u32 v3, v2;
	v7 =	vadd.f32 v7, v11;
	v30 =	vld.idx.msk [tilespmem:v60+s25+$0x0], $0xffff  }
0x2bd: {  	v57 =	vor.u32 v21, v53;
	v0 =	vadd.f32 v4, v0;
	v8 =	vmul.f32 v8, v32;
	v32 =	vld.idx.msk [tilespmem:v61+s23+$0x0], $0xffff  }
0x2be: {  	v34 =	vor.u32 v47, v20;
	v1 =	vadd.f32 v15, v1;
	[tilespmem:$0x1FB90] =	vst v7;
	v14 =	vld.idx.msk [tilespmem:v62+s25+$0x0], $0xffff  }
0x2bf: {  	v7 =	vor.u32 v46, v20;
	[tilespmem:$0x1FBA0] =	vst v0;
	v0 =	vadd.f32 v19, v12;
	v24 =	vld.idx.msk [tilespmem:v24+s25+$0x0], $0xffff  }
0x2c0: {  	v41 =	vor.u32 v58, v53;
	v5 =	vadd.f32 v5, v9;
	v1 =	vadd.f32 v18, v1;
	v9 =	vld.idx.msk [tilespmem:v63+s25+$0x0], $0xffff  }
0x2c1: {  	v48 =	vor.u32 v47, v52;
	v11 =	vor.u32 v47, v42;
	v4 =	vld.idx.msk [tilespmem:v25+s25+$0x0], $0xffff;
	v0 =	vadd.f32 v13, v0  }
0x2c2: {  	[tilespmem:$0x1FBD0] =	vst v1;
	v1 =	vor.u32 v21, v2;
	v37 =	vld.idx.msk [tilespmem:v45+s23+$0x0], $0xffff;
	v6 =	vadd.f32 v8, v6  }
0x2c3: {  	v10 =	vadd.f32 v23, v10;
	v8 =	vld.idx.msk [tilespmem:v26+s25+$0x0], $0xffff;
	v23 =	vor.u32 v36, v42;
	v0 =	vadd.f32 v17, v0  }
0x2c4: {  	v5 =	vadd.f32 v16, v5;
	v7 =	vld.idx.msk [tilespmem:v7+s25+$0x0], $0xffff;
	[tilespmem:$0x1FBB0] =	vst v6;
	v6 =	vor.u32 v46, v42  }
0x2c5: {  	v19 =	vmov v58;
	v51 =	vadd.f32 v28, v10;
	v10 =	vld.idx.msk [tilespmem:v57+s25+$0x0], $0xffff;
	[tilespmem:$0x1FBE0] =	vst v0;
	v0 =	vor.u32 v46, v38  }
0x2c6: {  	v12 =	vor.u32 v58, v2;
	v56 =	vor.u32 v19, v59;
	v13 =	vor.u32 v43, v2;
	v2 =	vld.idx.msk [tilespmem:v11+s25+$0x0], $0xffff  }
0x2c7: {  	v55 =	vimm.f32 $0.0e+00;
	[tilespmem:$0x1FBC0] =	vst v5;
	v35 =	vor.u32 v36, v20;
	v15 =	vor.u32 v36, v52;
	v1 =	vld.idx.msk [tilespmem:v1+s25+$0x0], $0xffff  }
0x2c8: {  	v60 =	vor.u32 v36, v38;
	v44 =	vmul.f32 v14, v31;
	v42 =	vmul.f32 v24, v31;
	v5 =	vld.idx.msk [tilespmem:v23+s25+$0x0], $0xffff  }
0x2c9: {  	v26 =	vmul.f32 v9, v32;
	v6 =	vld.idx.msk [tilespmem:v6+s25+$0x0], $0xffff;
	v50 =	vmul.f32 v7, v31;
	v7 =	vor.u32 v22, v52  }
0x2ca: {  	v58 =	vmul.f32 v27, v31;
	v8 =	vmul.f32 v8, v37;
	v63 =	vld.idx.msk [tilespmem:v0+s25+$0x0], $0xffff;
	v0 =	vor.u32 v46, v52  }
0x2cb: {  	v61 =	vld.idx.msk [tilespmem:v12+s25+$0x0], $0xffff;
	v38 =	vmul.f32 v30, v32;
	v24 =	vor.u32 v43, v53;
	v57 =	vmul.f32 v4, v32  }
0x2cc: {  	v62 =	vld.idx.msk [tilespmem:v13+s25+$0x0], $0xffff;
	v54 =	vmul.f32 v10, v33;
	v23 =	vor.u32 v43, v59;
	v8 =	vadd.f32 v8, v40  }
0x2cd: {  	v27 =	vimm.f32 $0.0e+00;
	v49 =	vld.idx.msk [tilespmem:v15+s25+$0x0], $0xffff;
	v52 =	vmul.f32 v29, v31;
	v59 =	vmul.f32 v5, v37  }
0x2ce: {  	v28 =	vmul.f32 v1, v37;
	v30 =	vadd.f32 v58, v8;
	v58 =	vimm.f32 $0.0e+00;
	v29 =	vld.idx.msk [tilespmem:v7+s25+$0x0], $0xffff  }
0x2cf: {  	s19 =	simm.s32 $0x4;
	v20 =	vmovc v36;
	v5 =	vmul.f32 v6, v37;
	v25 =	vld.idx.msk [tilespmem:v0+s25+$0x0], $0xffff;
	v53 =	vadd.f32 v59, v40;
	v59 =	vimm.f32 $0.0e+00  }
.LBB2_13:
0x2d0: {  	_ = 	snop  }
0x2d1: {  	v4 =	vld.idx.msk [tilespmem:v23+s25+$0x0], $0xffff  }
0x2d2: {  	v8 =	vld.idx.msk [tilespmem:v48+s25+$0x0], $0xffff  }
0x2d3: {  	v12 =	vld.idx.msk [tilespmem:v24+s25+$0x0], $0xffff  }
0x2d4: {  	s10 =	sadd.s32 $0x1, s19;
	v39 =	vlaneseq.u32;
	v16 =	vld.idx.msk [tilespmem:v56+s25+$0x0], $0xffff  }
0x2d5: {  	v0 =	vadd.f32 v5, v40;
	v5 =	vadd.s32 s10, v39;
	v11 =	vadd.f32 v28, v27;
	v27 =	vld.idx.msk [tilespmem:v41+s25+$0x0], $0xffff  }
0x2d6: {  	v6 =	vmul.f32 v61, v37;
	v9 =	vand.u32 $0x7F, v5;
	v17 =	vor.u32 v22, v5;
	v61 =	vld [tilespmem:$0x1FC70]  }
0x2d7: {  	v10 =	vor.u32 v46, v5;
	v18 =	vor.u32 v19, v9;
	v19 =	vld.idx.msk [tilespmem:v35+s25+$0x0], $0xffff  }
0x2d8: {  	s21 =	smov.u32 s19;
	v13 =	vor.u32 v3, v9;
	v35 =	vor.u32 v20, v5;
	v20 =	vld.idx.msk [tilespmem:v60+s25+$0x0], $0xffff  }
0x2d9: {  	s22 =	sadd.s32 $0x2, s21;
	v15 =	vor.u32 v47, v5;
	v23 =	vmul.f32 v29, v33;
	v29 =	vld.idx.msk [tilespmem:v34+s25+$0x0], $0xffff  }
0x2da: {  	v14 =	vor.u32 v21, v9;
	v5 =	vadd.s32 s22, v39;
	v45 =	vmul.f32 v62, v37;
	v62 =	vld [tilespmem:$0x1FDB0]  }
0x2db: {  	v7 =	vadd.f32 v26, v30;
	v26 =	vor.u32 v47, v5;
	v17 =	vld.idx.msk [tilespmem:v17+s25+$0x0], $0xffff  }
0x2dc: {  	v10 =	vld.idx.msk [tilespmem:v10+s25+$0x0], $0xffff  }
0x2dd: {  	v9 =	vor.u32 v43, v9;
	v13 =	vld.idx.msk [tilespmem:v13+s23+$0x0], $0xffff  }
0x2de: {  	v0 =	vadd.f32 v50, v0;
	v1 =	vmul.f32 v2, v37;
	v30 =	vor.u32 v22, v5;
	v18 =	vld.idx.msk [tilespmem:v18+s25+$0x0], $0xffff  }
0x2df: {  	v2 =	vmul.f32 v63, v32;
	v24 =	vmul.f32 v25, v33;
	v25 =	vand.u32 $0x7F, v5;
	v14 =	vld.idx.msk [tilespmem:v14+s25+$0x0], $0xffff  }
0x2e0: {  	v28 =	vor.u32 v3, v25;
	v48 =	vor.u32 v21, v25;
	v7 =	vadd.f32 v23, v7;
	v36 =	vld.idx.msk [tilespmem:v26+s25+$0x0], $0xffff  }
0x2e1: {  	v23 =	vadd.s32 s21, v39;
	v19 =	vmul.f32 v19, v31;
	v29 =	vmul.f32 v29, v31;
	v31 =	vld [tilespmem:$0x1FC70]  }
0x2e2: {  	s31 =	sadd.s32 $0x3, s21;
	v0 =	vadd.f32 v2, v0;
	v2 =	vor.u32 v47, v23;
	v9 =	vld.idx.msk [tilespmem:v9+s25+$0x0], $0xffff  }
0x2e3: {  	v60 =	vadd.s32 s31, v39;
	v6 =	vadd.f32 v6, v59;
	v30 =	vld.idx.msk [tilespmem:v30+s25+$0x0], $0xffff  }
0x2e4: {  	v4 =	vmul.f32 v4, v32;
	v16 =	vmul.f32 v16, v32;
	v26 =	vadd.f32 v45, v58;
	v58 =	vld [tilespmem:$0x1FDD0]  }
0x2e5: {  	v1 =	vadd.f32 v1, v55;
	v63 =	vand.u32 $0x7F, v23;
	v20 =	vmul.f32 v20, v32;
	v32 =	vld.idx.msk [tilespmem:v28+s23+$0x0], $0xffff  }
0x2e6: {  	v40 =	vor.u32 v46, v5;
	v59 =	vor.u32 v43, v63;
	v45 =	vor.u32 v22, v23;
	v39 =	vld.idx.msk [tilespmem:v48+s25+$0x0], $0xffff  }
0x2e7: {  	v43 =	vand.u32 $0x7F, v60;
	v19 =	vadd.f32 v19, v53;
	v1 =	vadd.f32 v29, v1;
	v2 =	vld.idx.msk [tilespmem:v2+s25+$0x0], $0xffff  }
0x2e8: {  	v34 =	vmovc v15;
	v50 =	vor.u32 v3, v43;
	v28 =	vor.u32 v3, v63;
	v15 =	vor.u32 v31, v63;
	v31 =	vld [tilespmem:$0x1FDD0]  }
0x2e9: {  	v1 =	vadd.f32 v38, v1;
	v38 =	vmul.f32 v49, v33;
	v49 =	vadd.f32 v20, v19;
	v19 =	vld [tilespmem:$0x1FC70]  }
0x2ea: {  	v6 =	vadd.f32 v52, v6;
	v55 =	vor.u32 v21, v63;
	v20 =	vld [tilespmem:$0x1FDD0]  }
0x2eb: {  	v11 =	vadd.f32 v44, v11;
	v12 =	vmul.f32 v12, v33;
	v26 =	vadd.f32 v42, v26;
	v29 =	vld.idx.msk [tilespmem:v45+s25+$0x0], $0xffff  }
0x2ec: {  	v8 =	vmul.f32 v8, v33;
	v6 =	vadd.f32 v16, v6;
	v56 =	vor.u32 v21, v43;
	v63 =	vld.idx.msk [tilespmem:v40+s25+$0x0], $0xffff  }
0x2ed: {  	v16 =	vmul.f32 v27, v33;
	v4 =	vadd.f32 v4, v26;
	v33 =	vld.idx.msk [tilespmem:v50+s23+$0x0], $0xffff;
	v52 =	vor.u32 v31, v23  }
0x2ee: {  	v11 =	vadd.f32 v57, v11;
	v45 =	vor.u32 v58, v60;
	v37 =	vld.idx.msk [tilespmem:v28+s23+$0x0], $0xffff  }
0x2ef: {  	v58 =	vadd.f32 v12, v4;
	v4 =	vld.idx.msk [tilespmem:v55+s25+$0x0], $0xffff;
	v31 =	vmov v13;
	v13 =	vor.u32 v46, v23  }
0x2f0: {  	v27 =	vadd.f32 v54, v11;
	v23 =	vor.u32 v62, v25;
	v62 =	vld.idx.msk [tilespmem:v59+s25+$0x0], $0xffff  }
0x2f1: {  	v41 =	vor.u32 v61, v43;
	v48 =	vor.u32 v47, v60;
	v50 =	vmul.f32 v10, v31;
	v10 =	vld.idx.msk [tilespmem:v56+s25+$0x0], $0xffff  }
0x2f2: {  	v40 =	vadd.f32 v24, v0;
	v12 =	vor.u32 v46, v60;
	v26 =	vmul.f32 v30, v32;
	v28 =	vld.idx.msk [tilespmem:v52+s25+$0x0], $0xffff  }
0x2f3: {  	v42 =	vmul.f32 v9, v31;
	v9 =	vor.u32 v22, v60;
	v60 =	vor.u32 v20, v5;
	v5 =	vld [tilespmem:$0x1FDB0]  }
0x2f4: {  	p0 =	slt.u32 s19, $0x7C;
	v55 =	vadd.f32 v8, v1;
	v59 =	vadd.f32 v16, v6;
	v57 =	vmul.f32 v29, v37;
	v0 =	vld.idx.msk [tilespmem:v13+s25+$0x0], $0xffff  }
.Ltmp5:
0x2f5: {  	v61 =	vld.idx.msk [tilespmem:v15+s25+$0x0], $0xffff;
	v44 =	vmul.f32 v14, v31;
	v1 =	vmul.f32 v17, v31;
	v14 =	vadd.f32 v38, v49;
	(pc) =	sbr.rel @p0 .LBB2_13-.Ltmp5, $4  }
0x2f6: {  	v38 =	vmul.f32 v36, v32;
	v49 =	vld.idx.msk [tilespmem:v45+s25+$0x0], $0xffff;
	v7 =	vadd.f32 v57, v7;
	v57 =	vmul.f32 v39, v32  }
0x2f7: {  	v56 =	vor.u32 v19, v25;
	v25 =	vld.idx.msk [tilespmem:v12+s25+$0x0], $0xffff;
	v52 =	vmul.f32 v18, v31;
	v15 =	vmul.f32 v28, v37  }
0x2f8: {  	v30 =	vadd.f32 v1, v7;
	v24 =	vor.u32 v5, v43;
	v43 =	vld [tilespmem:$0x1FDB0];
	v54 =	vmul.f32 v10, v33  }
0x2f9: {  	s19 =	sadd.s32 $0x4, s19;
	v29 =	vld.idx.msk [tilespmem:v9+s25+$0x0], $0xffff;
	v5 =	vmul.f32 v0, v37;
	v28 =	vmul.f32 v4, v37;
	v53 =	vadd.f32 v15, v14  }
0x2fa: {  	v0 =	vld [tilespmem:$0x1FC00];
	_ =	sdelay $0x4  }
0x2fb: {  	v0 =	vsub.f32 $0.0e+00, v0;
	_ =	sdelay $0x1  }
0x2fc: {  	v0 =	vmul.f32 $1.442695020e+00, v0;
	_ =	sdelay $0x1  }
0x2fd: {  	(erf) = vpow2.f32 v0;
	_ =	sdelay $0x5  }
0x2fe: {  	v1 =	vld [tilespmem:$0x1FC50];
	_ =	sdelay $0x2  }
0x2ff: {  	v0 =	vpop (erf)  }
0x300: {  	v0 =	vadd.f32 $1.000000000e+00, v0  }
0x301: {  	v1 =	vmul.f32 $1.442695020e+00, v1  }
0x302: {  	(erf) = vrcp.f32 v0  }
0x303: {  	(erf) = vpow2.f32 v1;
	_ =	sdelay $0x5  }
0x304: {  	v3 =	vld [tilespmem:$0x1FBF0];
	_ =	sdelay $0x1  }
0x305: {  	v1 =	vpop (erf)  }
0x306: {  	v0 =	vpop (erf)  }
0x307: {  	v0 =	vadd.f32 $1.000000000e+00, v0  }
0x308: {  	v4 =	vmul.f32 $1.442695020e+00, v3  }
0x309: {  	(erf) = vrcp.f32 v0  }
0x30a: {  	(erf) = vpow2.f32 v4;
	_ =	sdelay $0x5  }
0x30b: {  	v3 =	vld [tilespmem:$0x1FC10];
	_ =	sdelay $0x1  }
0x30c: {  	v4 =	vpop (erf)  }
0x30d: {  	v0 =	vpop (erf)  }
0x30e: {  	v0 =	vadd.f32 $1.000000000e+00, v0  }
0x30f: {  	v6 =	vmul.f32 $1.442695020e+00, v3  }
0x310: {  	(erf) = vrcp.f32 v0  }
0x311: {  	(erf) = vpow2.f32 v6;
	_ =	sdelay $0x5  }
0x312: {  	v3 =	vld [tilespmem:$0x1FC30];
	_ =	sdelay $0x1  }
0x313: {  	v19 =	vpop (erf)  }
0x314: {  	v0 =	vpop (erf)  }
0x315: {  	v0 =	vadd.f32 $1.000000000e+00, v0  }
0x316: {  	v6 =	vmul.f32 $1.442695020e+00, v3  }
0x317: {  	(erf) = vrcp.f32 v0  }
0x318: {  	(erf) = vpow2.f32 v6;
	_ =	sdelay $0x5  }
0x319: {  	v3 =	vld [tilespmem:$0x1FC40];
	_ =	sdelay $0x1  }
0x31a: {  	v20 =	vpop (erf)  }
0x31b: {  	v0 =	vpop (erf)  }
0x31c: {  	v0 =	vadd.f32 $1.000000000e+00, v0  }
0x31d: {  	v6 =	vmul.f32 $1.442695020e+00, v3  }
0x31e: {  	(erf) = vrcp.f32 v0  }
0x31f: {  	(erf) = vpow2.f32 v6;
	_ =	sdelay $0x5  }
0x320: {  	v3 =	vld [tilespmem:$0x1FC20];
	_ =	sdelay $0x1  }
0x321: {  	v21 =	vpop (erf)  }
0x322: {  	v0 =	vpop (erf)  }
0x323: {  	v0 =	vadd.f32 $1.000000000e+00, v0  }
0x324: {  	v6 =	vmul.f32 $1.442695020e+00, v3  }
0x325: {  	(erf) = vrcp.f32 v0  }
0x326: {  	(erf) = vpow2.f32 v6;
	_ =	sdelay $0x7  }
0x327: {  	v0 =	vpop (erf)  }
0x328: {  	v6 =	vpop (erf)  }
0x329: {  	v6 =	vadd.f32 $1.000000000e+00, v6  }
0x32a: {  	v7 =	vmul.f32 $1.442695020e+00, v51  }
0x32b: {  	(erf) = vrcp.f32 v6  }
0x32c: {  	(erf) = vpow2.f32 v7;
	_ =	sdelay $0x5  }
0x32d: {  	v3 =	vld [tilespmem:$0x1FBA0];
	_ =	sdelay $0x1  }
0x32e: {  	v6 =	vpop (erf)  }
0x32f: {  	v7 =	vpop (erf)  }
0x330: {  	v7 =	vadd.f32 $1.000000000e+00, v7  }
0x331: {  	v8 =	vmul.f32 $1.442695020e+00, v3  }
0x332: {  	(erf) = vrcp.f32 v7  }
0x333: {  	(erf) = vpow2.f32 v8;
	_ =	sdelay $0x5  }
0x334: {  	v3 =	vld [tilespmem:$0x1FBC0];
	_ =	sdelay $0x1  }
0x335: {  	v7 =	vpop (erf)  }
0x336: {  	v8 =	vpop (erf)  }
0x337: {  	v8 =	vadd.f32 $1.000000000e+00, v8  }
0x338: {  	v9 =	vmul.f32 $1.442695020e+00, v3  }
0x339: {  	(erf) = vrcp.f32 v8  }
0x33a: {  	(erf) = vpow2.f32 v9;
	_ =	sdelay $0x5  }
0x33b: {  	v3 =	vld [tilespmem:$0x1FBD0];
	_ =	sdelay $0x1  }
0x33c: {  	v8 =	vpop (erf)  }
0x33d: {  	v9 =	vpop (erf)  }
0x33e: {  	v9 =	vadd.f32 $1.000000000e+00, v9  }
0x33f: {  	v10 =	vmul.f32 $1.442695020e+00, v3  }
0x340: {  	(erf) = vrcp.f32 v9  }
0x341: {  	(erf) = vpow2.f32 v10;
	_ =	sdelay $0x5  }
0x342: {  	v3 =	vld [tilespmem:$0x1FBE0];
	_ =	sdelay $0x1  }
0x343: {  	v9 =	vpop (erf)  }
0x344: {  	v10 =	vpop (erf)  }
0x345: {  	v10 =	vadd.f32 $1.000000000e+00, v10  }
0x346: {  	v11 =	vmul.f32 $1.442695020e+00, v3  }
0x347: {  	(erf) = vrcp.f32 v10  }
0x348: {  	(erf) = vpow2.f32 v11;
	_ =	sdelay $0x5  }
0x349: {  	v3 =	vld [tilespmem:$0x1FB90];
	_ =	sdelay $0x1  }
0x34a: {  	v10 =	vpop (erf)  }
0x34b: {  	v11 =	vpop (erf)  }
0x34c: {  	v11 =	vadd.f32 $1.000000000e+00, v11  }
0x34d: {  	v12 =	vmul.f32 $1.442695020e+00, v3  }
0x34e: {  	(erf) = vrcp.f32 v11  }
0x34f: {  	(erf) = vpow2.f32 v12;
	_ =	sdelay $0x5  }
0x350: {  	v3 =	vld [tilespmem:$0x1FBB0];
	_ =	sdelay $0x1  }
0x351: {  	v11 =	vpop (erf)  }
0x352: {  	v12 =	vpop (erf)  }
0x353: {  	v12 =	vadd.f32 $1.000000000e+00, v12  }
0x354: {  	v13 =	vmul.f32 $1.442695020e+00, v3  }
0x355: {  	(erf) = vrcp.f32 v12  }
0x356: {  	(erf) = vpow2.f32 v13;
	_ =	sdelay $0x6  }
0x357: {  	v45 =	vadd.f32 v26, v30;
	v46 =	vmul.f32 v29, v33  }
0x358: {  	v14 =	vpop (erf)  }
0x359: {  	v12 =	vadd.f32 v46, v45;
	v47 =	vpop (erf)  }
0x35a: {  	v13 =	vadd.f32 $1.000000000e+00, v47  }
0x35b: {  	v12 =	vmul.f32 $1.442695020e+00, v12  }
0x35c: {  	(erf) = vrcp.f32 v13  }
0x35d: {  	(erf) = vpow2.f32 v12;
	_ =	sdelay $0x2  }
0x35e: {  	v51 =	vadd.f32 v28, v27;
	_ =	sdelay $0x1  }
0x35f: {  	v12 =	vadd.f32 v44, v51;
	_ =	sdelay $0x1  }
0x360: {  	v12 =	vadd.f32 v57, v12  }
0x361: {  	v13 =	vpop (erf)  }
0x362: {  	v12 =	vadd.f32 v54, v12;
	v15 =	vpop (erf)  }
0x363: {  	v15 =	vadd.f32 $1.000000000e+00, v15  }
0x364: {  	v12 =	vmul.f32 $1.442695020e+00, v12  }
0x365: {  	(erf) = vrcp.f32 v15  }
0x366: {  	(erf) = vpow2.f32 v12;
	_ =	sdelay $0x2  }
0x367: {  	v5 =	vadd.f32 v5, v40;
	_ =	sdelay $0x1  }
0x368: {  	v5 =	vadd.f32 v50, v5;
	v57 =	vmul.f32 v63, v32;
	v15 =	vmul.f32 v25, v33;
	_ =	sdelay $0x1  }
0x369: {  	v5 =	vadd.f32 v57, v5  }
0x36a: {  	v63 =	vpop (erf)  }
0x36b: {  	v5 =	vadd.f32 v15, v5;
	v15 =	vpop (erf)  }
0x36c: {  	v15 =	vadd.f32 $1.000000000e+00, v15  }
0x36d: {  	v5 =	vmul.f32 $1.442695020e+00, v5  }
0x36e: {  	(erf) = vrcp.f32 v15;
	v15 =	vld.idx.msk [tilespmem:v23+s25+$0x0], $0xffff  }
0x36f: {  	v16 =	vld.idx.msk [tilespmem:v24+s25+$0x0], $0xffff;
	(erf) = vpow2.f32 v5  }
0x370: {  	v5 =	vmul.f32 v62, v37;
	_ =	sdelay $0x1  }
0x371: {  	v5 =	vadd.f32 v5, v58  }
0x372: {  	v15 =	vmul.f32 v15, v32  }
0x373: {  	v16 =	vmul.f32 v16, v33;
	v5 =	vadd.f32 v42, v5;
	_ =	sdelay $0x1  }
0x374: {  	v5 =	vadd.f32 v15, v5  }
0x375: {  	v15 =	vpop (erf)  }
0x376: {  	v5 =	vadd.f32 v16, v5;
	v16 =	vpop (erf)  }
0x377: {  	v16 =	vadd.f32 $1.000000000e+00, v16  }
0x378: {  	v17 =	vld.idx.msk [tilespmem:v35+s25+$0x0], $0xffff;
	v5 =	vmul.f32 $1.442695020e+00, v5  }
0x379: {  	(erf) = vrcp.f32 v16;
	v16 =	vld.idx.msk [tilespmem:v60+s25+$0x0], $0xffff  }
0x37a: {  	(erf) = vpow2.f32 v5;
	_ =	sdelay $0x2  }
0x37b: {  	v5 =	vmul.f32 v17, v31  }
0x37c: {  	v16 =	vmul.f32 v16, v32  }
0x37d: {  	v17 =	vmul.f32 v49, v33;
	v5 =	vadd.f32 v5, v53;
	_ =	sdelay $0x1  }
0x37e: {  	v5 =	vadd.f32 v16, v5  }
0x37f: {  	v16 =	vpop (erf)  }
0x380: {  	v5 =	vadd.f32 v17, v5;
	v17 =	vpop (erf)  }
0x381: {  	v17 =	vadd.f32 $1.000000000e+00, v17  }
0x382: {  	v5 =	vmul.f32 $1.442695020e+00, v5  }
0x383: {  	(erf) = vrcp.f32 v17;
	v17 =	vld.idx.msk [tilespmem:v56+s25+$0x0], $0xffff  }
0x384: {  	(erf) = vpow2.f32 v5;
	v5 =	vmul.f32 v61, v37  }
0x385: {  	v18 =	vld.idx.msk [tilespmem:v41+s25+$0x0], $0xffff  }
0x386: {  	v5 =	vadd.f32 v5, v59;
	_ =	sdelay $0x1  }
0x387: {  	v3 =	vld [tilespmem:$0x1FCB0];
	v17 =	vmul.f32 v17, v32;
	v5 =	vadd.f32 v52, v5;
	_ =	sdelay $0x1  }
0x388: {  	v5 =	vadd.f32 v17, v5;
	v17 =	vmul.f32 v18, v33;
	_ =	sdelay $0x2  }
0x389: {  	v1 =	vadd.f32 v1, v3;
	v18 =	vpop (erf)  }
0x38a: {  	v5 =	vadd.f32 v17, v5;
	v17 =	vpop (erf)  }
0x38b: {  	v1 =	vadd.f32 v1, v4;
	v4 =	vadd.f32 $1.000000000e+00, v17;
	v17 =	vld.idx.msk [tilespmem:v34+s25+$0x0], $0xffff;
	_ =	sdelay $0x1  }
0x38c: {  	v5 =	vmul.f32 $1.442695020e+00, v5  }
0x38d: {  	v2 =	vmul.f32 v2, v37;
	v1 =	vadd.f32 v1, v19;
	(erf) = vrcp.f32 v4  }
0x38e: {  	(erf) = vpow2.f32 v5  }
0x38f: {  	v2 =	vadd.f32 v2, v55;
	v1 =	vadd.f32 v1, v20;
	v5 =	vmul.f32 v17, v31  }
0x390: {  	v4 =	vld.idx.msk [tilespmem:v48+s25+$0x0], $0xffff  }
0x391: {  	v1 =	vadd.f32 v1, v21;
	v2 =	vadd.f32 v5, v2;
	_ =	sdelay $0x1  }
0x392: {  	v0 =	vadd.f32 v1, v0;
	v2 =	vadd.f32 v38, v2;
	_ =	sdelay $0x1  }
0x393: {  	v0 =	vadd.f32 v0, v6;
	v1 =	vmul.f32 v4, v33  }
0x394: {  	v4 =	vpop (erf)  }
0x395: {  	v0 =	vadd.f32 v7, v0;
	v1 =	vadd.f32 v1, v2;
	v2 =	vpop (erf)  }
0x396: {  	v2 =	vadd.f32 $1.000000000e+00, v2  }
0x397: {  	v0 =	vadd.f32 v8, v0;
	v1 =	vmul.f32 $1.442695020e+00, v1  }
0x398: {  	(erf) = vrcp.f32 v2  }
0x399: {  	v0 =	vadd.f32 v9, v0;
	(erf) = vpow2.f32 v1;
	_ =	sdelay $0x1  }
0x39a: {  	v0 =	vadd.f32 v10, v0;
	_ =	sdelay $0x1  }
0x39b: {  	v0 =	vadd.f32 v11, v0;
	_ =	sdelay $0x1  }
0x39c: {  	v0 =	vadd.f32 v14, v0;
	_ =	sdelay $0x1  }
0x39d: {  	v0 =	vadd.f32 v13, v0;
	v1 =	vpop (erf)  }
0x39e: {  	v2 =	vpop (erf)  }
0x39f: {  	v0 =	vadd.f32 v63, v0;
	v2 =	vadd.f32 $1.000000000e+00, v2;
	_ =	sdelay $0x1  }
0x3a0: {  	v0 =	vadd.f32 v15, v0;
	(erf) = vrcp.f32 v2;
	_ =	sdelay $0x1  }
0x3a1: {  	v0 =	vadd.f32 v16, v0;
	_ =	sdelay $0x1  }
0x3a2: {  	v0 =	vadd.f32 v18, v0;
	_ =	sdelay $0x1  }
0x3a3: {  	s18 =	sadd.s32 $0x1, s18;
	v0 =	vadd.f32 v4, v0  }
0x3a4: {  	p0 =	sne.s32 s18, $0x10;
	v3 =	vld [tilespmem:$0x1FFD0]  }
.Ltmp6:
0x3a5: {  	v6 =	vld [tilespmem:$0x1FFE0];
	v0 =	vadd.f32 v1, v0;
	(pc) =	sbr.rel @p0 .LBB2_2-.Ltmp6, $4  }
0x3a6: {  	v7 =	vld [tilespmem:$0x1FF90];
	v1 =	vpop (erf)  }
0x3a7: {  	v16 =	vld [tilespmem:$0x1FFA0];
	v0 =	vadd.f32 v1, v0  }
0x3a8: {  	v18 =	vld [tilespmem:$0x1FFC0]  }
0x3a9: {  	v17 =	vld [tilespmem:$0x1FFB0];
	[tilespmem:$0x18C00] =	vst v0;
	v0 =	vlaneseq.u32  }
0x3aa: {  	s3 =	sadd.s32 $0x1, s3  }
0x3ab: {  	p0 =	sne.s32 s3, s9  }
.Ltmp7:
0x3ac: {  	s10 =	simm.s32 $0x18C00;
	(pc) =	sbr.rel @p0 .LBB2_1-.Ltmp7, $4  }
0x3ad: {  	[hbm4b:s8+s4] =	stream.linear.scatter [tilespmem:s10], [sflag:$0x4], $0x80, $0x38;
	[tilespmem:$0x18C80] =	vst v63  }
0x3ae: {  	_ =	swait.ge [sflag:s0], $0x80  }
0x3af: {  	[sflag:s0] =	ssyncset.done $0x0  }
0x3b0: {  	[sflag:s0] =	ssyncadd.s32 $0xFFFFFF80  }
0x3b1: {  	_ =	sfence.sel $0x180000  }
0x3b2: {  	[bflag:$0x0] =	sbarrier.arrive $0xFFFF  }
0x3b3: {  	_ =	strace $0x90000047  }
0x3b4: {  	s0 =	stileid.u32;
	[bflag:$0x2] =	sbarrier.arrive $0xFFFF  }
0x3b5: {  	p0 =	sne.s32 s0, $0x0;
	s0 =	rddreg [dreg:$0x6]  }
0x3b6: {  	s0 =	sadd.s32 @!p0 $0x100000, s0  }
0x3b7: {  	[sflag:s0] =	ssyncadd.tile.s32 @!p0 $0x1;
	_ =	shalt  }
.Lfunc_end2:
_tile_overlayer_lowered:
.L_overlay_start_2:
0x3b8: {  	(tag) =	ssettag $0x2  }
0x3b9: {  	s0 =	rddreg [dreg:$0x0];
	s2 =	stileid.u32  }
0x3ba: {  	s1 =	rddreg [dreg:$0x1];
	p0 =	sne.s32 s2, $0x0  }
0x3bb: {  	s3 =	rddreg [dreg:$0x2];
	[bflag:$0x3] =	sbarrier.arrive $0xFFFF;
	s2 =	simm.s32 @!p0 $0x1C04  }
0x3bc: {  	[timem:s3], [sflag:s2] =	dma.local @!p0 [hbm:s0], s1  }
0x3bd: {  	s0 =	simm.s32 @!p0 $0x4  }
0x3be: {  	_ =	swait.ge @!p0 [sflag:s0], s1  }
0x3bf: {  	s1 =	ssub.s32 @!p0 $0x0, s1;
	[sflag:s0] =	ssyncset.done @!p0 $0x0  }
0x3c0: {  	[sflag:s0] =	ssyncadd.s32 @!p0 s1  }
0x3c1: {  	[bflag:$0x3] =	sbarrier.arrive $0xFFFF  }
0x3c2: {  	_ =	shalt  }

</sc_bundles>
